<compile_context>
chip_gen: v7x
topology: tpu7x:2x2x1
jax: 0.10.2.dev20260603
libtpu: 0.0.44.dev20260713+nightly
codegen_flags: <defaults>
</compile_context>

<pallas_src>
import jax
import jax.numpy as jnp
from jax import lax
from jax.experimental import pallas as pl
from jax.experimental.pallas import tpu as pltpu
from jax.experimental.pallas import tpu_sc as plsc

_B, _H, _W, _P = 8, 512, 512, 100000
_Q = _B * _P
_NW = 32
_C = 2496
_NCHUNK = 10
_MAIN = _NW * _C * _NCHUNK
_TG = 128
_NTAIL = (_Q - _MAIN) // _TG


def _loss16(za, zb, t):
    d = za - zb
    m = t * t
    u = -(d * t)
    e = jnp.exp(-jnp.abs(u))
    s = e / (2.0 + e)
    s2 = s * s
    p = s2 * (1.0 / 7.0) + (1.0 / 5.0)
    p = s2 * p + (1.0 / 3.0)
    p = s2 * p + 1.0
    ln1pe = 2.0 * s * p
    sp = jnp.maximum(u, 0.0) + ln1pe
    return m * sp + (1.0 - m) * (d * d)


def _sc_body(img, xa, ya, xb, yb, tg, out,
             xaA, yaA, xbA, ybA, xaB, yaB, xbB, ybB, tgA, tgB,
             iaA, ibA, iaB, ibB, zaA, zbA, zaB, zbB,
             xt, yt, x2t, y2t, tgt_v, iat, ibt, zat, zbt, acc_v,
             ssemA, ssemB, tsemA, tsemB, gsemA, gsemB, tailsem,
             hsemA, hsemB, tailsem2):
    c_ax = lax.axis_index("c")
    s_ax = lax.axis_index("s")
    wid = c_ax * 16 + s_ax
    base = wid * (_C * _NCHUNK)

    xy_srcs = (xa, ya, xb, yb)

    def fire_xy(eb, bufs, sem):
        for src, dst in zip(xy_srcs, bufs):
            pltpu.async_copy(src.at[pl.ds(eb, _C)], dst, sem)

    def wait_xy(bufs, sem):
        for src, dst in zip(xy_srcs, bufs):
            pltpu.make_async_copy(src.at[pl.ds(0, _C)], dst, sem).wait()

    def fire_tg(eb, buf, sem):
        pltpu.async_copy(tg.at[pl.ds(eb, _C)], buf, sem)

    def wait_tg(buf, sem):
        pltpu.make_async_copy(tg.at[pl.ds(0, _C)], buf, sem).wait()

    def compute_idx(eb, n, bufs, ia_d, ib_d):
        xab, yab, xbb, ybb = bufs

        def ibody(i, _):
            sl = pl.ds(i * 16, 16)
            q = lax.iota(jnp.int32, 16) + (eb + i * 16)
            boff = lax.shift_left(lax.div(q, _P), 18)
            ia_d[sl] = boff + lax.shift_left(xab[sl], 9) + yab[sl]
            ib_d[sl] = boff + lax.shift_left(xbb[sl], 9) + ybb[sl]
            return 0
        lax.fori_loop(0, n // 16, ibody, 0, unroll=4)

    def fire_gather(ia_d, ib_d, za_d, zb_d, sem, hsem):
        pltpu.async_copy(img.at[ia_d], za_d, sem)
        pltpu.async_copy(img.at[ib_d], zb_d, hsem)

    def wait_gather(ia_d, ib_d, za_d, zb_d, sem, hsem):
        pltpu.make_async_copy(img.at[ia_d], za_d, sem).wait()
        pltpu.make_async_copy(img.at[ib_d], zb_d, hsem).wait()

    def compute(n, tg_d, za_d, zb_d, acc):
        def cbody(i, a):
            sl = pl.ds(i * 16, 16)
            return a + _loss16(za_d[sl], zb_d[sl], tg_d[sl])
        return lax.fori_loop(0, n // 16, cbody, acc, unroll=4)

    bufsA = (xaA, yaA, xbA, ybA)
    bufsB = (xaB, yaB, xbB, ybB)

    def ebs(c):
        return base + c * _C

    tw = jnp.clip(wid - (_NW - _NTAIL), 0, _NTAIL - 1)
    eb2 = _MAIN + tw * _TG
    pltpu.sync_copy(xa.at[pl.ds(eb2, _TG)], xt)
    pltpu.sync_copy(ya.at[pl.ds(eb2, _TG)], yt)
    pltpu.sync_copy(xb.at[pl.ds(eb2, _TG)], x2t)
    pltpu.sync_copy(yb.at[pl.ds(eb2, _TG)], y2t)
    pltpu.sync_copy(tg.at[pl.ds(eb2, _TG)], tgt_v)
    compute_idx(eb2, _TG, (xt, yt, x2t, y2t), iat, ibt)

    fire_xy(ebs(0), bufsA, ssemA)
    fire_xy(ebs(1), bufsB, ssemB)
    wait_xy(bufsA, ssemA)
    compute_idx(ebs(0), _C, bufsA, iaA, ibA)

    fire_gather(iat, ibt, zat, zbt, tailsem, tailsem2)
    fire_gather(iaA, ibA, zaA, zbA, gsemA, hsemA)
    fire_tg(ebs(0), tgA, tsemA)
    wait_gather(iat, ibt, zat, zbt, tailsem, tailsem2)
    tacc = compute(_TG, tgt_v, zat, zbt, jnp.zeros((16,), jnp.float32))
    wmask = (wid >= (_NW - _NTAIL)).astype(jnp.float32)
    acc0 = wmask * tacc

    def jbody(j, acc):
        c0 = 2 * j

        @pl.when(j <= (_NCHUNK // 2 - 2))
        def _():
            fire_xy(ebs(c0 + 2), bufsA, ssemA)
        wait_xy(bufsB, ssemB)
        compute_idx(ebs(c0 + 1), _C, bufsB, iaB, ibB)
        fire_gather(iaB, ibB, zaB, zbB, gsemB, hsemB)
        fire_tg(ebs(c0 + 1), tgB, tsemB)
        wait_gather(iaA, ibA, zaA, zbA, gsemA, hsemA)
        wait_tg(tgA, tsemA)
        acc = compute(_C, tgA, zaA, zbA, acc)

        @pl.when(j <= (_NCHUNK // 2 - 2))
        def _():
            fire_xy(ebs(c0 + 3), bufsB, ssemB)
            wait_xy(bufsA, ssemA)
            compute_idx(ebs(c0 + 2), _C, bufsA, iaA, ibA)
            fire_gather(iaA, ibA, zaA, zbA, gsemA, hsemA)
            fire_tg(ebs(c0 + 2), tgA, tsemA)
        wait_gather(iaB, ibB, zaB, zbB, gsemB, hsemB)
        wait_tg(tgB, tsemB)
        acc = compute(_C, tgB, zaB, zbB, acc)
        return acc

    acc = lax.fori_loop(0, _NCHUNK // 2, jbody, acc0)

    acc_v[...] = acc
    pltpu.sync_copy(acc_v, out.at[wid])


_depth_loss_sc = pl.kernel(
    _sc_body,
    out_type=jax.ShapeDtypeStruct((_NW, 16), jnp.float32),
    mesh=plsc.VectorSubcoreMesh(
        core_axis_name="c", subcore_axis_name="s", num_cores=2,
        num_subcores=16),
    scratch_types=(
        [pltpu.VMEM((_C,), jnp.int32)] * 8
        + [pltpu.VMEM((_C,), jnp.float32)] * 2
        + [pltpu.VMEM((_C,), jnp.int32)] * 4
        + [pltpu.VMEM((_C,), jnp.float32)] * 4
        + [pltpu.VMEM((_TG,), jnp.int32)] * 4
        + [pltpu.VMEM((_TG,), jnp.float32)]
        + [pltpu.VMEM((_TG,), jnp.int32)] * 2
        + [pltpu.VMEM((_TG,), jnp.float32)] * 2
        + [pltpu.VMEM((16,), jnp.float32)]
        + [pltpu.SemaphoreType.DMA] * 10
    ),
)


def kernel(output, x_A, y_A, x_B, y_B, ordinal_relation):
    img = output.reshape(_B * _H * _W)
    xa = x_A.reshape(_Q).astype(jnp.int32)
    ya = y_A.reshape(_Q).astype(jnp.int32)
    xb = x_B.reshape(_Q).astype(jnp.int32)
    yb = y_B.reshape(_Q).astype(jnp.int32)
    tg = ordinal_relation.reshape(_Q).astype(jnp.float32)
    partials = _depth_loss_sc(img, xa, ya, xb, yb, tg)
    return jnp.sum(partials) / _B

# --- scband reference (transcript-rebuilt; emitter-appended) ---
"""Pipeline reference for scband-relative-depth-loss-4724464025783 (READ-ONLY COPY).

The authoritative reference and input builder live on the scoring server;
editing this copy changes nothing except your own understanding.
"""

import jax, jax.numpy as jnp
import numpy as np

B, H, W, P = 8, 512, 512, 100000

def setup_inputs(seed: int = 0) -> dict:
    key = jax.random.key(seed)
    k1, k2, k3, k4, k5, k6 = jax.random.split(key, 6)
    output = jax.random.normal(k1, (B, 1, H, W), dtype=jnp.float32)
    x_A = jax.random.randint(k2, (B, P), 0, H)
    y_A = jax.random.randint(k3, (B, P), 0, W)
    x_B = jax.random.randint(k4, (B, P), 0, H)
    y_B = jax.random.randint(k5, (B, P), 0, W)
    ordinal_relation = (jax.random.randint(k6, (B, P), 0, 3) - 1).astype(jnp.float32)
    return {"output": output, "x_A": x_A, "y_A": y_A, "x_B": x_B, "y_B": y_B, "ordinal_relation": ordinal_relation}

def _ranking_loss(z_A, z_B, target):
    mask = jnp.abs(target)
    predicted_depth = z_A - z_B
    log_loss = jnp.log(1 + jnp.exp(predicted_depth * target * -1)) * mask
    squared_loss = predicted_depth ** 2 * (1 - mask)
    return jnp.sum(log_loss + squared_loss)

def reference(output, x_A, y_A, x_B, y_B, ordinal_relation):
    n = output.shape[0]
    total_loss = jnp.float32(0.0)
    for index in range(n):
        xa = x_A[index]
        ya = y_A[index]
        xb = x_B[index]
        yb = y_B[index]
        z_A = output[index][0][xa, ya]
        z_B = output[index][0][xb, yb]
        total_loss = total_loss + _ranking_loss(z_A, z_B, ordinal_relation[index])
    return total_loss / n

if __name__ == "__main__":
    import jax
    _d = setup_inputs()
    print(jax.jit(kernel)(*tuple(_d.values())))

</pallas_src>

<mosaic_0001>
#map = affine_map<(d0, d1) -> (0)>
#map1 = affine_map<(d0, d1) -> (0, 0)>
module attributes {stable_mosaic.version = 14 : i64} {
  func.func @_sc_body(%arg0: i32, %arg1: i32, %arg2: memref<2097152xf32, #tpu.memory_space<hbm>>, %arg3: memref<800000xi32, #tpu.memory_space<hbm>>, %arg4: memref<800000xi32, #tpu.memory_space<hbm>>, %arg5: memref<800000xi32, #tpu.memory_space<hbm>>, %arg6: memref<800000xi32, #tpu.memory_space<hbm>>, %arg7: memref<800000xf32, #tpu.memory_space<hbm>>, %arg8: memref<32x16xf32, #tpu.memory_space<hbm>>, %arg9: memref<2496xi32, #tpu.memory_space<vmem>>, %arg10: memref<2496xi32, #tpu.memory_space<vmem>>, %arg11: memref<2496xi32, #tpu.memory_space<vmem>>, %arg12: memref<2496xi32, #tpu.memory_space<vmem>>, %arg13: memref<2496xi32, #tpu.memory_space<vmem>>, %arg14: memref<2496xi32, #tpu.memory_space<vmem>>, %arg15: memref<2496xi32, #tpu.memory_space<vmem>>, %arg16: memref<2496xi32, #tpu.memory_space<vmem>>, %arg17: memref<2496xf32, #tpu.memory_space<vmem>>, %arg18: memref<2496xf32, #tpu.memory_space<vmem>>, %arg19: memref<2496xi32, #tpu.memory_space<vmem>>, %arg20: memref<2496xi32, #tpu.memory_space<vmem>>, %arg21: memref<2496xi32, #tpu.memory_space<vmem>>, %arg22: memref<2496xi32, #tpu.memory_space<vmem>>, %arg23: memref<2496xf32, #tpu.memory_space<vmem>>, %arg24: memref<2496xf32, #tpu.memory_space<vmem>>, %arg25: memref<2496xf32, #tpu.memory_space<vmem>>, %arg26: memref<2496xf32, #tpu.memory_space<vmem>>, %arg27: memref<128xi32, #tpu.memory_space<vmem>>, %arg28: memref<128xi32, #tpu.memory_space<vmem>>, %arg29: memref<128xi32, #tpu.memory_space<vmem>>, %arg30: memref<128xi32, #tpu.memory_space<vmem>>, %arg31: memref<128xf32, #tpu.memory_space<vmem>>, %arg32: memref<128xi32, #tpu.memory_space<vmem>>, %arg33: memref<128xi32, #tpu.memory_space<vmem>>, %arg34: memref<128xf32, #tpu.memory_space<vmem>>, %arg35: memref<128xf32, #tpu.memory_space<vmem>>, %arg36: memref<16xf32, #tpu.memory_space<vmem>>, %arg37: memref<!tpu.dma_semaphore, #tpu.memory_space<semaphore_mem>>, %arg38: memref<!tpu.dma_semaphore, #tpu.memory_space<semaphore_mem>>, %arg39: memref<!tpu.dma_semaphore, #tpu.memory_space<semaphore_mem>>, %arg40: memref<!tpu.dma_semaphore, #tpu.memory_space<semaphore_mem>>, %arg41: memref<!tpu.dma_semaphore, #tpu.memory_space<semaphore_mem>>, %arg42: memref<!tpu.dma_semaphore, #tpu.memory_space<semaphore_mem>>, %arg43: memref<!tpu.dma_semaphore, #tpu.memory_space<semaphore_mem>>, %arg44: memref<!tpu.dma_semaphore, #tpu.memory_space<semaphore_mem>>, %arg45: memref<!tpu.dma_semaphore, #tpu.memory_space<semaphore_mem>>, %arg46: memref<!tpu.dma_semaphore, #tpu.memory_space<semaphore_mem>>) attributes {dimension_semantics = [#tpu.dimension_semantics<core_parallel>, #tpu.dimension_semantics<subcore_parallel>], iteration_bounds = array<i64: 2, 16>, scalar_prefetch = 0 : i64, scratch_operands = 38 : i64, tpu.core_type = #tpu.core_type<sc_vector_subcore>, window_params = [{transform_indices = #map}, {transform_indices = #map}, {transform_indices = #map}, {transform_indices = #map}, {transform_indices = #map}, {transform_indices = #map}, {transform_indices = #map1}]} {
    %mul3A = arith.constant 16 : i32
    %mul3A_0 = arith.muli %arg0, %mul3A : i32
    %add3A = arith.addi %mul3A_0, %arg1 : i32
    %mul3A_1 = arith.constant 24960 : i32
    %mul3A_2 = arith.muli %add3A, %mul3A_1 : i32
    %sub3A = arith.constant 22 : i32
    %sub3A_3 = arith.subi %add3A, %sub3A : i32
    %jit3A = arith.constant 0 : i32
    %jit3A_4 = arith.constant 9 : i32
    %max3A = arith.maxsi %jit3A, %sub3A_3 : i32
    %min3A = arith.minsi %jit3A_4, %max3A : i32
    %mul3A_5 = arith.constant 128 : i32
    %mul3A_6 = arith.muli %min3A, %mul3A_5 : i32
    %add3A_7 = arith.constant 798720 : i32
    %add3A_8 = arith.addi %add3A_7, %mul3A_6 : i32
    "tpu.region"() ({
      %run_scoped3A = tpu.sem_alloc : memref<!tpu.dma_semaphore, #tpu.memory_space<semaphore_mem>>
      %dma_start3A_94 = tpu.memref_slice %arg3[%add3A_8] : memref<800000xi32, #tpu.memory_space<hbm>> -> memref<128xi32, #tpu.memory_space<hbm>>
      %dma_start3A_95 = tpu.memref_slice %arg3[%add3A_8] : memref<800000xi32, #tpu.memory_space<hbm>> -> memref<128xi32, #tpu.memory_space<hbm>>
      tpu.enqueue_dma source(%dma_start3A_95 : memref<128xi32, #tpu.memory_space<hbm>>) target(%arg27 : memref<128xi32, #tpu.memory_space<vmem>>) target_semaphore(%run_scoped3A : memref<!tpu.dma_semaphore, #tpu.memory_space<semaphore_mem>>)
      %dma_wait3A_96 = tpu.memref_slice %arg3[%add3A_8] : memref<800000xi32, #tpu.memory_space<hbm>> -> memref<128xi32, #tpu.memory_space<hbm>>
      %dma_wait3A_97 = tpu.memref_slice %arg3[%add3A_8] : memref<800000xi32, #tpu.memory_space<hbm>> -> memref<128xi32, #tpu.memory_space<hbm>>
      tpu.wait_dma2 semaphore(%run_scoped3A : memref<!tpu.dma_semaphore, #tpu.memory_space<semaphore_mem>>) src(%dma_wait3A_97 : memref<128xi32, #tpu.memory_space<hbm>>) dst(%arg27 : memref<128xi32, #tpu.memory_space<vmem>>)
      tpu.yield
    }) : () -> ()
    "tpu.region"() ({
      %run_scoped3A = tpu.sem_alloc : memref<!tpu.dma_semaphore, #tpu.memory_space<semaphore_mem>>
      %dma_start3A_94 = tpu.memref_slice %arg4[%add3A_8] : memref<800000xi32, #tpu.memory_space<hbm>> -> memref<128xi32, #tpu.memory_space<hbm>>
      %dma_start3A_95 = tpu.memref_slice %arg4[%add3A_8] : memref<800000xi32, #tpu.memory_space<hbm>> -> memref<128xi32, #tpu.memory_space<hbm>>
      tpu.enqueue_dma source(%dma_start3A_95 : memref<128xi32, #tpu.memory_space<hbm>>) target(%arg28 : memref<128xi32, #tpu.memory_space<vmem>>) target_semaphore(%run_scoped3A : memref<!tpu.dma_semaphore, #tpu.memory_space<semaphore_mem>>)
      %dma_wait3A_96 = tpu.memref_slice %arg4[%add3A_8] : memref<800000xi32, #tpu.memory_space<hbm>> -> memref<128xi32, #tpu.memory_space<hbm>>
      %dma_wait3A_97 = tpu.memref_slice %arg4[%add3A_8] : memref<800000xi32, #tpu.memory_space<hbm>> -> memref<128xi32, #tpu.memory_space<hbm>>
      tpu.wait_dma2 semaphore(%run_scoped3A : memref<!tpu.dma_semaphore, #tpu.memory_space<semaphore_mem>>) src(%dma_wait3A_97 : memref<128xi32, #tpu.memory_space<hbm>>) dst(%arg28 : memref<128xi32, #tpu.memory_space<vmem>>)
      tpu.yield
    }) : () -> ()
    "tpu.region"() ({
      %run_scoped3A = tpu.sem_alloc : memref<!tpu.dma_semaphore, #tpu.memory_space<semaphore_mem>>
      %dma_start3A_94 = tpu.memref_slice %arg5[%add3A_8] : memref<800000xi32, #tpu.memory_space<hbm>> -> memref<128xi32, #tpu.memory_space<hbm>>
      %dma_start3A_95 = tpu.memref_slice %arg5[%add3A_8] : memref<800000xi32, #tpu.memory_space<hbm>> -> memref<128xi32, #tpu.memory_space<hbm>>
      tpu.enqueue_dma source(%dma_start3A_95 : memref<128xi32, #tpu.memory_space<hbm>>) target(%arg29 : memref<128xi32, #tpu.memory_space<vmem>>) target_semaphore(%run_scoped3A : memref<!tpu.dma_semaphore, #tpu.memory_space<semaphore_mem>>)
      %dma_wait3A_96 = tpu.memref_slice %arg5[%add3A_8] : memref<800000xi32, #tpu.memory_space<hbm>> -> memref<128xi32, #tpu.memory_space<hbm>>
      %dma_wait3A_97 = tpu.memref_slice %arg5[%add3A_8] : memref<800000xi32, #tpu.memory_space<hbm>> -> memref<128xi32, #tpu.memory_space<hbm>>
      tpu.wait_dma2 semaphore(%run_scoped3A : memref<!tpu.dma_semaphore, #tpu.memory_space<semaphore_mem>>) src(%dma_wait3A_97 : memref<128xi32, #tpu.memory_space<hbm>>) dst(%arg29 : memref<128xi32, #tpu.memory_space<vmem>>)
      tpu.yield
    }) : () -> ()
    "tpu.region"() ({
      %run_scoped3A = tpu.sem_alloc : memref<!tpu.dma_semaphore, #tpu.memory_space<semaphore_mem>>
      %dma_start3A_94 = tpu.memref_slice %arg6[%add3A_8] : memref<800000xi32, #tpu.memory_space<hbm>> -> memref<128xi32, #tpu.memory_space<hbm>>
      %dma_start3A_95 = tpu.memref_slice %arg6[%add3A_8] : memref<800000xi32, #tpu.memory_space<hbm>> -> memref<128xi32, #tpu.memory_space<hbm>>
      tpu.enqueue_dma source(%dma_start3A_95 : memref<128xi32, #tpu.memory_space<hbm>>) target(%arg30 : memref<128xi32, #tpu.memory_space<vmem>>) target_semaphore(%run_scoped3A : memref<!tpu.dma_semaphore, #tpu.memory_space<semaphore_mem>>)
      %dma_wait3A_96 = tpu.memref_slice %arg6[%add3A_8] : memref<800000xi32, #tpu.memory_space<hbm>> -> memref<128xi32, #tpu.memory_space<hbm>>
      %dma_wait3A_97 = tpu.memref_slice %arg6[%add3A_8] : memref<800000xi32, #tpu.memory_space<hbm>> -> memref<128xi32, #tpu.memory_space<hbm>>
      tpu.wait_dma2 semaphore(%run_scoped3A : memref<!tpu.dma_semaphore, #tpu.memory_space<semaphore_mem>>) src(%dma_wait3A_97 : memref<128xi32, #tpu.memory_space<hbm>>) dst(%arg30 : memref<128xi32, #tpu.memory_space<vmem>>)
      tpu.yield
    }) : () -> ()
    "tpu.region"() ({
      %run_scoped3A = tpu.sem_alloc : memref<!tpu.dma_semaphore, #tpu.memory_space<semaphore_mem>>
      %dma_start3A_94 = tpu.memref_slice %arg7[%add3A_8] : memref<800000xf32, #tpu.memory_space<hbm>> -> memref<128xf32, #tpu.memory_space<hbm>>
      %dma_start3A_95 = tpu.memref_slice %arg7[%add3A_8] : memref<800000xf32, #tpu.memory_space<hbm>> -> memref<128xf32, #tpu.memory_space<hbm>>
      tpu.enqueue_dma source(%dma_start3A_95 : memref<128xf32, #tpu.memory_space<hbm>>) target(%arg31 : memref<128xf32, #tpu.memory_space<vmem>>) target_semaphore(%run_scoped3A : memref<!tpu.dma_semaphore, #tpu.memory_space<semaphore_mem>>)
      %dma_wait3A_96 = tpu.memref_slice %arg7[%add3A_8] : memref<800000xf32, #tpu.memory_space<hbm>> -> memref<128xf32, #tpu.memory_space<hbm>>
      %dma_wait3A_97 = tpu.memref_slice %arg7[%add3A_8] : memref<800000xf32, #tpu.memory_space<hbm>> -> memref<128xf32, #tpu.memory_space<hbm>>
      tpu.wait_dma2 semaphore(%run_scoped3A : memref<!tpu.dma_semaphore, #tpu.memory_space<semaphore_mem>>) src(%dma_wait3A_97 : memref<128xf32, #tpu.memory_space<hbm>>) dst(%arg31 : memref<128xf32, #tpu.memory_space<vmem>>)
      tpu.yield
    }) : () -> ()
    %scan3A = arith.constant 0 : i32
    %scan3A_9 = arith.constant 0 : i32
    %scan3A_10 = arith.constant 8 : i32
    %scan3A_11 = arith.addi %scan3A_9, %scan3A_10 : i32
    %scan3A_12 = arith.constant 4 : i32
    %scan3A_13 = scf.for %scan3A_94 = %scan3A_9 to %scan3A_11 step %scan3A_12 iter_args(%scan3A_95 = %scan3A) -> (i32)  : i32 {
      %mul3A_96 = arith.constant 16 : i32
      %mul3A_97 = arith.muli %scan3A_94, %mul3A_96 : i32
      %iota3A = tpu.iota {dimensions = array<i32: 0>} : vector<16xi32>
      %mul3A_98 = arith.constant 16 : i32
      %mul3A_99 = arith.muli %scan3A_94, %mul3A_98 : i32
      %add3A_100 = arith.addi %add3A_8, %mul3A_99 : i32
      %add3A_101 = vector.broadcast %add3A_100 : i32 to vector<16xi32>
      %add3A_102 = arith.addi %iota3A, %add3A_101 : vector<16xi32>
      %div3A = arith.constant 100000 : i32
      %div3A_103 = vector.broadcast %div3A : i32 to vector<16xi32>
      %div3A_104 = arith.divsi %add3A_102, %div3A_103 : vector<16xi32>
      %shift_left3A = arith.constant 18 : i32
      %shift_left3A_105 = vector.broadcast %shift_left3A : i32 to vector<16xi32>
      %shift_left3A_106 = arith.shli %div3A_104, %shift_left3A_105 : vector<16xi32>
      %get3A = arith.index_cast %mul3A_97 : i32 to index
      %get3A_107 = tpu.vector_load %arg27[%get3A] {strides = array<i32>} : memref<128xi32, #tpu.memory_space<vmem>>, vector<16xi32>,
      %get3A_108 = vector.shape_cast %get3A_107 : vector<16xi32> to vector<16xi32>
      %shift_left3A_109 = arith.constant 9 : i32
      %shift_left3A_110 = vector.broadcast %shift_left3A_109 : i32 to vector<16xi32>
      %shift_left3A_111 = arith.shli %get3A_108, %shift_left3A_110 : vector<16xi32>
      %add3A_112 = arith.addi %shift_left3A_106, %shift_left3A_111 : vector<16xi32>
      %get3A_113 = arith.index_cast %mul3A_97 : i32 to index
      %get3A_114 = tpu.vector_load %arg28[%get3A_113] {strides = array<i32>} : memref<128xi32, #tpu.memory_space<vmem>>, vector<16xi32>,
      %get3A_115 = vector.shape_cast %get3A_114 : vector<16xi32> to vector<16xi32>
      %add3A_116 = arith.addi %add3A_112, %get3A_115 : vector<16xi32>
      %swap3A_117 = arith.index_cast %mul3A_97 : i32 to index
      %swap3A_118 = tpu.vector_load %arg32[%swap3A_117] {strides = array<i32>} : memref<128xi32, #tpu.memory_space<vmem>>, vector<16xi32>,
      %swap3A_119 = vector.shape_cast %swap3A_118 : vector<16xi32> to vector<16xi32>
      %swap3A_120 = vector.shape_cast %add3A_116 : vector<16xi32> to vector<16xi32>
      tpu.vector_store %arg32[%swap3A_117], %swap3A_120 {strides = array<i32>} : memref<128xi32, #tpu.memory_space<vmem>>, vector<16xi32>,
      %get3A_121 = arith.index_cast %mul3A_97 : i32 to index
      %get3A_122 = tpu.vector_load %arg29[%get3A_121] {strides = array<i32>} : memref<128xi32, #tpu.memory_space<vmem>>, vector<16xi32>,
      %get3A_123 = vector.shape_cast %get3A_122 : vector<16xi32> to vector<16xi32>
      %shift_left3A_124 = arith.constant 9 : i32
      %shift_left3A_125 = vector.broadcast %shift_left3A_124 : i32 to vector<16xi32>
      %shift_left3A_126 = arith.shli %get3A_123, %shift_left3A_125 : vector<16xi32>
      %add3A_127 = arith.addi %shift_left3A_106, %shift_left3A_126 : vector<16xi32>
      %get3A_128 = arith.index_cast %mul3A_97 : i32 to index
      %get3A_129 = tpu.vector_load %arg30[%get3A_128] {strides = array<i32>} : memref<128xi32, #tpu.memory_space<vmem>>, vector<16xi32>,
      %get3A_130 = vector.shape_cast %get3A_129 : vector<16xi32> to vector<16xi32>
      %add3A_131 = arith.addi %add3A_127, %get3A_130 : vector<16xi32>
      %swap3A_132 = arith.index_cast %mul3A_97 : i32 to index
      %swap3A_133 = tpu.vector_load %arg33[%swap3A_132] {strides = array<i32>} : memref<128xi32, #tpu.memory_space<vmem>>, vector<16xi32>,
      %swap3A_134 = vector.shape_cast %swap3A_133 : vector<16xi32> to vector<16xi32>
      %swap3A_135 = vector.shape_cast %add3A_131 : vector<16xi32> to vector<16xi32>
      tpu.vector_store %arg33[%swap3A_132], %swap3A_135 {strides = array<i32>} : memref<128xi32, #tpu.memory_space<vmem>>, vector<16xi32>,
      %scan3A_136 = arith.constant 0 : i32
      %scan3A_137 = arith.constant 1 : i32
      %scan3A_138 = arith.addi %scan3A_94, %scan3A_137 : i32
      %mul3A_139 = arith.constant 16 : i32
      %mul3A_140 = arith.muli %scan3A_138, %mul3A_139 : i32
      %iota3A_141 = tpu.iota {dimensions = array<i32: 0>} : vector<16xi32>
      %mul3A_142 = arith.constant 16 : i32
      %mul3A_143 = arith.muli %scan3A_138, %mul3A_142 : i32
      %add3A_144 = arith.addi %add3A_8, %mul3A_143 : i32
      %add3A_145 = vector.broadcast %add3A_144 : i32 to vector<16xi32>
      %add3A_146 = arith.addi %iota3A_141, %add3A_145 : vector<16xi32>
      %div3A_147 = arith.constant 100000 : i32
      %div3A_148 = vector.broadcast %div3A_147 : i32 to vector<16xi32>
      %div3A_149 = arith.divsi %add3A_146, %div3A_148 : vector<16xi32>
      %shift_left3A_150 = arith.constant 18 : i32
      %shift_left3A_151 = vector.broadcast %shift_left3A_150 : i32 to vector<16xi32>
      %shift_left3A_152 = arith.shli %div3A_149, %shift_left3A_151 : vector<16xi32>
      %get3A_153 = arith.index_cast %mul3A_140 : i32 to index
      %get3A_154 = tpu.vector_load %arg27[%get3A_153] {strides = array<i32>} : memref<128xi32, #tpu.memory_space<vmem>>, vector<16xi32>,
      %get3A_155 = vector.shape_cast %get3A_154 : vector<16xi32> to vector<16xi32>
      %shift_left3A_156 = arith.constant 9 : i32
      %shift_left3A_157 = vector.broadcast %shift_left3A_156 : i32 to vector<16xi32>
      %shift_left3A_158 = arith.shli %get3A_155, %shift_left3A_157 : vector<16xi32>
      %add3A_159 = arith.addi %shift_left3A_152, %shift_left3A_158 : vector<16xi32>
      %get3A_160 = arith.index_cast %mul3A_140 : i32 to index
      %get3A_161 = tpu.vector_load %arg28[%get3A_160] {strides = array<i32>} : memref<128xi32, #tpu.memory_space<vmem>>, vector<16xi32>,
      %get3A_162 = vector.shape_cast %get3A_161 : vector<16xi32> to vector<16xi32>
      %add3A_163 = arith.addi %add3A_159, %get3A_162 : vector<16xi32>
      %swap3A_164 = arith.index_cast %mul3A_140 : i32 to index
      %swap3A_165 = tpu.vector_load %arg32[%swap3A_164] {strides = array<i32>} : memref<128xi32, #tpu.memory_space<vmem>>, vector<16xi32>,
      %swap3A_166 = vector.shape_cast %swap3A_165 : vector<16xi32> to vector<16xi32>
      %swap3A_167 = vector.shape_cast %add3A_163 : vector<16xi32> to vector<16xi32>
      tpu.vector_store %arg32[%swap3A_164], %swap3A_167 {strides = array<i32>} : memref<128xi32, #tpu.memory_space<vmem>>, vector<16xi32>,
      %get3A_168 = arith.index_cast %mul3A_140 : i32 to index
      %get3A_169 = tpu.vector_load %arg29[%get3A_168] {strides = array<i32>} : memref<128xi32, #tpu.memory_space<vmem>>, vector<16xi32>,
      %get3A_170 = vector.shape_cast %get3A_169 : vector<16xi32> to vector<16xi32>
      %shift_left3A_171 = arith.constant 9 : i32
      %shift_left3A_172 = vector.broadcast %shift_left3A_171 : i32 to vector<16xi32>
      %shift_left3A_173 = arith.shli %get3A_170, %shift_left3A_172 : vector<16xi32>
      %add3A_174 = arith.addi %shift_left3A_152, %shift_left3A_173 : vector<16xi32>
      %get3A_175 = arith.index_cast %mul3A_140 : i32 to index
      %get3A_176 = tpu.vector_load %arg30[%get3A_175] {strides = array<i32>} : memref<128xi32, #tpu.memory_space<vmem>>, vector<16xi32>,
      %get3A_177 = vector.shape_cast %get3A_176 : vector<16xi32> to vector<16xi32>
      %add3A_178 = arith.addi %add3A_174, %get3A_177 : vector<16xi32>
      %swap3A_179 = arith.index_cast %mul3A_140 : i32 to index
      %swap3A_180 = tpu.vector_load %arg33[%swap3A_179] {strides = array<i32>} : memref<128xi32, #tpu.memory_space<vmem>>, vector<16xi32>,
      %swap3A_181 = vector.shape_cast %swap3A_180 : vector<16xi32> to vector<16xi32>
      %swap3A_182 = vector.shape_cast %add3A_178 : vector<16xi32> to vector<16xi32>
      tpu.vector_store %arg33[%swap3A_179], %swap3A_182 {strides = array<i32>} : memref<128xi32, #tpu.memory_space<vmem>>, vector<16xi32>,
      %scan3A_183 = arith.constant 0 : i32
      %scan3A_184 = arith.constant 2 : i32
      %scan3A_185 = arith.addi %scan3A_94, %scan3A_184 : i32
      %mul3A_186 = arith.constant 16 : i32
      %mul3A_187 = arith.muli %scan3A_185, %mul3A_186 : i32
      %iota3A_188 = tpu.iota {dimensions = array<i32: 0>} : vector<16xi32>
      %mul3A_189 = arith.constant 16 : i32
      %mul3A_190 = arith.muli %scan3A_185, %mul3A_189 : i32
      %add3A_191 = arith.addi %add3A_8, %mul3A_190 : i32
      %add3A_192 = vector.broadcast %add3A_191 : i32 to vector<16xi32>
      %add3A_193 = arith.addi %iota3A_188, %add3A_192 : vector<16xi32>
      %div3A_194 = arith.constant 100000 : i32
      %div3A_195 = vector.broadcast %div3A_194 : i32 to vector<16xi32>
      %div3A_196 = arith.divsi %add3A_193, %div3A_195 : vector<16xi32>
      %shift_left3A_197 = arith.constant 18 : i32
      %shift_left3A_198 = vector.broadcast %shift_left3A_197 : i32 to vector<16xi32>
      %shift_left3A_199 = arith.shli %div3A_196, %shift_left3A_198 : vector<16xi32>
      %get3A_200 = arith.index_cast %mul3A_187 : i32 to index
      %get3A_201 = tpu.vector_load %arg27[%get3A_200] {strides = array<i32>} : memref<128xi32, #tpu.memory_space<vmem>>, vector<16xi32>,
      %get3A_202 = vector.shape_cast %get3A_201 : vector<16xi32> to vector<16xi32>
      %shift_left3A_203 = arith.constant 9 : i32
      %shift_left3A_204 = vector.broadcast %shift_left3A_203 : i32 to vector<16xi32>
      %shift_left3A_205 = arith.shli %get3A_202, %shift_left3A_204 : vector<16xi32>
      %add3A_206 = arith.addi %shift_left3A_199, %shift_left3A_205 : vector<16xi32>
      %get3A_207 = arith.index_cast %mul3A_187 : i32 to index
      %get3A_208 = tpu.vector_load %arg28[%get3A_207] {strides = array<i32>} : memref<128xi32, #tpu.memory_space<vmem>>, vector<16xi32>,
      %get3A_209 = vector.shape_cast %get3A_208 : vector<16xi32> to vector<16xi32>
      %add3A_210 = arith.addi %add3A_206, %get3A_209 : vector<16xi32>
      %swap3A_211 = arith.index_cast %mul3A_187 : i32 to index
      %swap3A_212 = tpu.vector_load %arg32[%swap3A_211] {strides = array<i32>} : memref<128xi32, #tpu.memory_space<vmem>>, vector<16xi32>,
      %swap3A_213 = vector.shape_cast %swap3A_212 : vector<16xi32> to vector<16xi32>
      %swap3A_214 = vector.shape_cast %add3A_210 : vector<16xi32> to vector<16xi32>
      tpu.vector_store %arg32[%swap3A_211], %swap3A_214 {strides = array<i32>} : memref<128xi32, #tpu.memory_space<vmem>>, vector<16xi32>,
      %get3A_215 = arith.index_cast %mul3A_187 : i32 to index
      %get3A_216 = tpu.vector_load %arg29[%get3A_215] {strides = array<i32>} : memref<128xi32, #tpu.memory_space<vmem>>, vector<16xi32>,
      %get3A_217 = vector.shape_cast %get3A_216 : vector<16xi32> to vector<16xi32>
      %shift_left3A_218 = arith.constant 9 : i32
      %shift_left3A_219 = vector.broadcast %shift_left3A_218 : i32 to vector<16xi32>
      %shift_left3A_220 = arith.shli %get3A_217, %shift_left3A_219 : vector<16xi32>
      %add3A_221 = arith.addi %shift_left3A_199, %shift_left3A_220 : vector<16xi32>
      %get3A_222 = arith.index_cast %mul3A_187 : i32 to index
      %get3A_223 = tpu.vector_load %arg30[%get3A_222] {strides = array<i32>} : memref<128xi32, #tpu.memory_space<vmem>>, vector<16xi32>,
      %get3A_224 = vector.shape_cast %get3A_223 : vector<16xi32> to vector<16xi32>
      %add3A_225 = arith.addi %add3A_221, %get3A_224 : vector<16xi32>
      %swap3A_226 = arith.index_cast %mul3A_187 : i32 to index
      %swap3A_227 = tpu.vector_load %arg33[%swap3A_226] {strides = array<i32>} : memref<128xi32, #tpu.memory_space<vmem>>, vector<16xi32>,
      %swap3A_228 = vector.shape_cast %swap3A_227 : vector<16xi32> to vector<16xi32>
      %swap3A_229 = vector.shape_cast %add3A_225 : vector<16xi32> to vector<16xi32>
      tpu.vector_store %arg33[%swap3A_226], %swap3A_229 {strides = array<i32>} : memref<128xi32, #tpu.memory_space<vmem>>, vector<16xi32>,
      %scan3A_230 = arith.constant 0 : i32
      %scan3A_231 = arith.constant 3 : i32
      %scan3A_232 = arith.addi %scan3A_94, %scan3A_231 : i32
      %mul3A_233 = arith.constant 16 : i32
      %mul3A_234 = arith.muli %scan3A_232, %mul3A_233 : i32
      %iota3A_235 = tpu.iota {dimensions = array<i32: 0>} : vector<16xi32>
      %mul3A_236 = arith.constant 16 : i32
      %mul3A_237 = arith.muli %scan3A_232, %mul3A_236 : i32
      %add3A_238 = arith.addi %add3A_8, %mul3A_237 : i32
      %add3A_239 = vector.broadcast %add3A_238 : i32 to vector<16xi32>
      %add3A_240 = arith.addi %iota3A_235, %add3A_239 : vector<16xi32>
      %div3A_241 = arith.constant 100000 : i32
      %div3A_242 = vector.broadcast %div3A_241 : i32 to vector<16xi32>
      %div3A_243 = arith.divsi %add3A_240, %div3A_242 : vector<16xi32>
      %shift_left3A_244 = arith.constant 18 : i32
      %shift_left3A_245 = vector.broadcast %shift_left3A_244 : i32 to vector<16xi32>
      %shift_left3A_246 = arith.shli %div3A_243, %shift_left3A_245 : vector<16xi32>
      %get3A_247 = arith.index_cast %mul3A_234 : i32 to index
      %get3A_248 = tpu.vector_load %arg27[%get3A_247] {strides = array<i32>} : memref<128xi32, #tpu.memory_space<vmem>>, vector<16xi32>,
      %get3A_249 = vector.shape_cast %get3A_248 : vector<16xi32> to vector<16xi32>
      %shift_left3A_250 = arith.constant 9 : i32
      %shift_left3A_251 = vector.broadcast %shift_left3A_250 : i32 to vector<16xi32>
      %shift_left3A_252 = arith.shli %get3A_249, %shift_left3A_251 : vector<16xi32>
      %add3A_253 = arith.addi %shift_left3A_246, %shift_left3A_252 : vector<16xi32>
      %get3A_254 = arith.index_cast %mul3A_234 : i32 to index
      %get3A_255 = tpu.vector_load %arg28[%get3A_254] {strides = array<i32>} : memref<128xi32, #tpu.memory_space<vmem>>, vector<16xi32>,
      %get3A_256 = vector.shape_cast %get3A_255 : vector<16xi32> to vector<16xi32>
      %add3A_257 = arith.addi %add3A_253, %get3A_256 : vector<16xi32>
      %swap3A_258 = arith.index_cast %mul3A_234 : i32 to index
      %swap3A_259 = tpu.vector_load %arg32[%swap3A_258] {strides = array<i32>} : memref<128xi32, #tpu.memory_space<vmem>>, vector<16xi32>,
      %swap3A_260 = vector.shape_cast %swap3A_259 : vector<16xi32> to vector<16xi32>
      %swap3A_261 = vector.shape_cast %add3A_257 : vector<16xi32> to vector<16xi32>
      tpu.vector_store %arg32[%swap3A_258], %swap3A_261 {strides = array<i32>} : memref<128xi32, #tpu.memory_space<vmem>>, vector<16xi32>,
      %get3A_262 = arith.index_cast %mul3A_234 : i32 to index
      %get3A_263 = tpu.vector_load %arg29[%get3A_262] {strides = array<i32>} : memref<128xi32, #tpu.memory_space<vmem>>, vector<16xi32>,
      %get3A_264 = vector.shape_cast %get3A_263 : vector<16xi32> to vector<16xi32>
      %shift_left3A_265 = arith.constant 9 : i32
      %shift_left3A_266 = vector.broadcast %shift_left3A_265 : i32 to vector<16xi32>
      %shift_left3A_267 = arith.shli %get3A_264, %shift_left3A_266 : vector<16xi32>
      %add3A_268 = arith.addi %shift_left3A_246, %shift_left3A_267 : vector<16xi32>
      %get3A_269 = arith.index_cast %mul3A_234 : i32 to index
      %get3A_270 = tpu.vector_load %arg30[%get3A_269] {strides = array<i32>} : memref<128xi32, #tpu.memory_space<vmem>>, vector<16xi32>,
      %get3A_271 = vector.shape_cast %get3A_270 : vector<16xi32> to vector<16xi32>
      %add3A_272 = arith.addi %add3A_268, %get3A_271 : vector<16xi32>
      %swap3A_273 = arith.index_cast %mul3A_234 : i32 to index
      %swap3A_274 = tpu.vector_load %arg33[%swap3A_273] {strides = array<i32>} : memref<128xi32, #tpu.memory_space<vmem>>, vector<16xi32>,
      %swap3A_275 = vector.shape_cast %swap3A_274 : vector<16xi32> to vector<16xi32>
      %swap3A_276 = vector.shape_cast %add3A_272 : vector<16xi32> to vector<16xi32>
      tpu.vector_store %arg33[%swap3A_273], %swap3A_276 {strides = array<i32>} : memref<128xi32, #tpu.memory_space<vmem>>, vector<16xi32>,
      %scan3A_277 = arith.constant 0 : i32
      scf.yield %scan3A_277 : i32
    }
    %scan3A_14 = arith.constant 8 : i32
    %add3A_15 = arith.constant 0 : i32
    %add3A_16 = arith.addi %mul3A_2, %add3A_15 : i32
    %dma_start3A = tpu.memref_slice %arg3[%add3A_16] : memref<800000xi32, #tpu.memory_space<hbm>> -> memref<2496xi32, #tpu.memory_space<hbm>>
    %dma_start3A_17 = tpu.memref_slice %arg3[%add3A_16] : memref<800000xi32, #tpu.memory_space<hbm>> -> memref<2496xi32, #tpu.memory_space<hbm>>
    tpu.enqueue_dma source(%dma_start3A_17 : memref<2496xi32, #tpu.memory_space<hbm>>) target(%arg9 : memref<2496xi32, #tpu.memory_space<vmem>>) target_semaphore(%arg37 : memref<!tpu.dma_semaphore, #tpu.memory_space<semaphore_mem>>)
    %dma_start3A_18 = tpu.memref_slice %arg4[%add3A_16] : memref<800000xi32, #tpu.memory_space<hbm>> -> memref<2496xi32, #tpu.memory_space<hbm>>
    %dma_start3A_19 = tpu.memref_slice %arg4[%add3A_16] : memref<800000xi32, #tpu.memory_space<hbm>> -> memref<2496xi32, #tpu.memory_space<hbm>>
    tpu.enqueue_dma source(%dma_start3A_19 : memref<2496xi32, #tpu.memory_space<hbm>>) target(%arg10 : memref<2496xi32, #tpu.memory_space<vmem>>) target_semaphore(%arg37 : memref<!tpu.dma_semaphore, #tpu.memory_space<semaphore_mem>>)
    %dma_start3A_20 = tpu.memref_slice %arg5[%add3A_16] : memref<800000xi32, #tpu.memory_space<hbm>> -> memref<2496xi32, #tpu.memory_space<hbm>>
    %dma_start3A_21 = tpu.memref_slice %arg5[%add3A_16] : memref<800000xi32, #tpu.memory_space<hbm>> -> memref<2496xi32, #tpu.memory_space<hbm>>
    tpu.enqueue_dma source(%dma_start3A_21 : memref<2496xi32, #tpu.memory_space<hbm>>) target(%arg11 : memref<2496xi32, #tpu.memory_space<vmem>>) target_semaphore(%arg37 : memref<!tpu.dma_semaphore, #tpu.memory_space<semaphore_mem>>)
    %dma_start3A_22 = tpu.memref_slice %arg6[%add3A_16] : memref<800000xi32, #tpu.memory_space<hbm>> -> memref<2496xi32, #tpu.memory_space<hbm>>
    %dma_start3A_23 = tpu.memref_slice %arg6[%add3A_16] : memref<800000xi32, #tpu.memory_space<hbm>> -> memref<2496xi32, #tpu.memory_space<hbm>>
    tpu.enqueue_dma source(%dma_start3A_23 : memref<2496xi32, #tpu.memory_space<hbm>>) target(%arg12 : memref<2496xi32, #tpu.memory_space<vmem>>) target_semaphore(%arg37 : memref<!tpu.dma_semaphore, #tpu.memory_space<semaphore_mem>>)
    %add3A_24 = arith.constant 2496 : i32
    %add3A_25 = arith.addi %mul3A_2, %add3A_24 : i32
    %dma_start3A_26 = tpu.memref_slice %arg3[%add3A_25] : memref<800000xi32, #tpu.memory_space<hbm>> -> memref<2496xi32, #tpu.memory_space<hbm>>
    %dma_start3A_27 = tpu.memref_slice %arg3[%add3A_25] : memref<800000xi32, #tpu.memory_space<hbm>> -> memref<2496xi32, #tpu.memory_space<hbm>>
    tpu.enqueue_dma source(%dma_start3A_27 : memref<2496xi32, #tpu.memory_space<hbm>>) target(%arg13 : memref<2496xi32, #tpu.memory_space<vmem>>) target_semaphore(%arg38 : memref<!tpu.dma_semaphore, #tpu.memory_space<semaphore_mem>>)
    %dma_start3A_28 = tpu.memref_slice %arg4[%add3A_25] : memref<800000xi32, #tpu.memory_space<hbm>> -> memref<2496xi32, #tpu.memory_space<hbm>>
    %dma_start3A_29 = tpu.memref_slice %arg4[%add3A_25] : memref<800000xi32, #tpu.memory_space<hbm>> -> memref<2496xi32, #tpu.memory_space<hbm>>
    tpu.enqueue_dma source(%dma_start3A_29 : memref<2496xi32, #tpu.memory_space<hbm>>) target(%arg14 : memref<2496xi32, #tpu.memory_space<vmem>>) target_semaphore(%arg38 : memref<!tpu.dma_semaphore, #tpu.memory_space<semaphore_mem>>)
    %dma_start3A_30 = tpu.memref_slice %arg5[%add3A_25] : memref<800000xi32, #tpu.memory_space<hbm>> -> memref<2496xi32, #tpu.memory_space<hbm>>
    %dma_start3A_31 = tpu.memref_slice %arg5[%add3A_25] : memref<800000xi32, #tpu.memory_space<hbm>> -> memref<2496xi32, #tpu.memory_space<hbm>>
    tpu.enqueue_dma source(%dma_start3A_31 : memref<2496xi32, #tpu.memory_space<hbm>>) target(%arg15 : memref<2496xi32, #tpu.memory_space<vmem>>) target_semaphore(%arg38 : memref<!tpu.dma_semaphore, #tpu.memory_space<semaphore_mem>>)
    %dma_start3A_32 = tpu.memref_slice %arg6[%add3A_25] : memref<800000xi32, #tpu.memory_space<hbm>> -> memref<2496xi32, #tpu.memory_space<hbm>>
    %dma_start3A_33 = tpu.memref_slice %arg6[%add3A_25] : memref<800000xi32, #tpu.memory_space<hbm>> -> memref<2496xi32, #tpu.memory_space<hbm>>
    tpu.enqueue_dma source(%dma_start3A_33 : memref<2496xi32, #tpu.memory_space<hbm>>) target(%arg16 : memref<2496xi32, #tpu.memory_space<vmem>>) target_semaphore(%arg38 : memref<!tpu.dma_semaphore, #tpu.memory_space<semaphore_mem>>)
    %dma_wait3A = arith.constant 0 : i32
    %dma_wait3A_34 = tpu.memref_slice %arg3[%dma_wait3A] : memref<800000xi32, #tpu.memory_space<hbm>> -> memref<2496xi32, #tpu.memory_space<hbm>>
    %dma_wait3A_35 = arith.constant 0 : i32
    %dma_wait3A_36 = tpu.memref_slice %arg3[%dma_wait3A_35] : memref<800000xi32, #tpu.memory_space<hbm>> -> memref<2496xi32, #tpu.memory_space<hbm>>
    tpu.wait_dma2 semaphore(%arg37 : memref<!tpu.dma_semaphore, #tpu.memory_space<semaphore_mem>>) src(%dma_wait3A_36 : memref<2496xi32, #tpu.memory_space<hbm>>) dst(%arg9 : memref<2496xi32, #tpu.memory_space<vmem>>)
    %dma_wait3A_37 = arith.constant 0 : i32
    %dma_wait3A_38 = tpu.memref_slice %arg4[%dma_wait3A_37] : memref<800000xi32, #tpu.memory_space<hbm>> -> memref<2496xi32, #tpu.memory_space<hbm>>
    %dma_wait3A_39 = arith.constant 0 : i32
    %dma_wait3A_40 = tpu.memref_slice %arg4[%dma_wait3A_39] : memref<800000xi32, #tpu.memory_space<hbm>> -> memref<2496xi32, #tpu.memory_space<hbm>>
    tpu.wait_dma2 semaphore(%arg37 : memref<!tpu.dma_semaphore, #tpu.memory_space<semaphore_mem>>) src(%dma_wait3A_40 : memref<2496xi32, #tpu.memory_space<hbm>>) dst(%arg10 : memref<2496xi32, #tpu.memory_space<vmem>>)
    %dma_wait3A_41 = arith.constant 0 : i32
    %dma_wait3A_42 = tpu.memref_slice %arg5[%dma_wait3A_41] : memref<800000xi32, #tpu.memory_space<hbm>> -> memref<2496xi32, #tpu.memory_space<hbm>>
    %dma_wait3A_43 = arith.constant 0 : i32
    %dma_wait3A_44 = tpu.memref_slice %arg5[%dma_wait3A_43] : memref<800000xi32, #tpu.memory_space<hbm>> -> memref<2496xi32, #tpu.memory_space<hbm>>
    tpu.wait_dma2 semaphore(%arg37 : memref<!tpu.dma_semaphore, #tpu.memory_space<semaphore_mem>>) src(%dma_wait3A_44 : memref<2496xi32, #tpu.memory_space<hbm>>) dst(%arg11 : memref<2496xi32, #tpu.memory_space<vmem>>)
    %dma_wait3A_45 = arith.constant 0 : i32
    %dma_wait3A_46 = tpu.memref_slice %arg6[%dma_wait3A_45] : memref<800000xi32, #tpu.memory_space<hbm>> -> memref<2496xi32, #tpu.memory_space<hbm>>
    %dma_wait3A_47 = arith.constant 0 : i32
    %dma_wait3A_48 = tpu.memref_slice %arg6[%dma_wait3A_47] : memref<800000xi32, #tpu.memory_space<hbm>> -> memref<2496xi32, #tpu.memory_space<hbm>>
    tpu.wait_dma2 semaphore(%arg37 : memref<!tpu.dma_semaphore, #tpu.memory_space<semaphore_mem>>) src(%dma_wait3A_48 : memref<2496xi32, #tpu.memory_space<hbm>>) dst(%arg12 : memref<2496xi32, #tpu.memory_space<vmem>>)
    %add3A_49 = arith.constant 0 : i32
    %add3A_50 = arith.addi %mul3A_2, %add3A_49 : i32
    %scan3A_51 = arith.constant 0 : i32
    %scan3A_52 = arith.constant 0 : i32
    %scan3A_53 = arith.constant 156 : i32
    %scan3A_54 = arith.addi %scan3A_52, %scan3A_53 : i32
    %scan3A_55 = arith.constant 4 : i32
    %scan3A_56 = scf.for %scan3A_94 = %scan3A_52 to %scan3A_54 step %scan3A_55 iter_args(%scan3A_95 = %scan3A_51) -> (i32)  : i32 {
      %mul3A_96 = arith.constant 16 : i32
      %mul3A_97 = arith.muli %scan3A_94, %mul3A_96 : i32
      %iota3A = tpu.iota {dimensions = array<i32: 0>} : vector<16xi32>
      %mul3A_98 = arith.constant 16 : i32
      %mul3A_99 = arith.muli %scan3A_94, %mul3A_98 : i32
      %add3A_100 = arith.addi %add3A_50, %mul3A_99 : i32
      %add3A_101 = vector.broadcast %add3A_100 : i32 to vector<16xi32>
      %add3A_102 = arith.addi %iota3A, %add3A_101 : vector<16xi32>
      %div3A = arith.constant 100000 : i32
      %div3A_103 = vector.broadcast %div3A : i32 to vector<16xi32>
      %div3A_104 = arith.divsi %add3A_102, %div3A_103 : vector<16xi32>
      %shift_left3A = arith.constant 18 : i32
      %shift_left3A_105 = vector.broadcast %shift_left3A : i32 to vector<16xi32>
      %shift_left3A_106 = arith.shli %div3A_104, %shift_left3A_105 : vector<16xi32>
      %get3A = arith.index_cast %mul3A_97 : i32 to index
      %get3A_107 = tpu.vector_load %arg9[%get3A] {strides = array<i32>} : memref<2496xi32, #tpu.memory_space<vmem>>, vector<16xi32>,
      %get3A_108 = vector.shape_cast %get3A_107 : vector<16xi32> to vector<16xi32>
      %shift_left3A_109 = arith.constant 9 : i32
      %shift_left3A_110 = vector.broadcast %shift_left3A_109 : i32 to vector<16xi32>
      %shift_left3A_111 = arith.shli %get3A_108, %shift_left3A_110 : vector<16xi32>
      %add3A_112 = arith.addi %shift_left3A_106, %shift_left3A_111 : vector<16xi32>
      %get3A_113 = arith.index_cast %mul3A_97 : i32 to index
      %get3A_114 = tpu.vector_load %arg10[%get3A_113] {strides = array<i32>} : memref<2496xi32, #tpu.memory_space<vmem>>, vector<16xi32>,
      %get3A_115 = vector.shape_cast %get3A_114 : vector<16xi32> to vector<16xi32>
      %add3A_116 = arith.addi %add3A_112, %get3A_115 : vector<16xi32>
      %swap3A_117 = arith.index_cast %mul3A_97 : i32 to index
      %swap3A_118 = tpu.vector_load %arg19[%swap3A_117] {strides = array<i32>} : memref<2496xi32, #tpu.memory_space<vmem>>, vector<16xi32>,
      %swap3A_119 = vector.shape_cast %swap3A_118 : vector<16xi32> to vector<16xi32>
      %swap3A_120 = vector.shape_cast %add3A_116 : vector<16xi32> to vector<16xi32>
      tpu.vector_store %arg19[%swap3A_117], %swap3A_120 {strides = array<i32>} : memref<2496xi32, #tpu.memory_space<vmem>>, vector<16xi32>,
      %get3A_121 = arith.index_cast %mul3A_97 : i32 to index
      %get3A_122 = tpu.vector_load %arg11[%get3A_121] {strides = array<i32>} : memref<2496xi32, #tpu.memory_space<vmem>>, vector<16xi32>,
      %get3A_123 = vector.shape_cast %get3A_122 : vector<16xi32> to vector<16xi32>
      %shift_left3A_124 = arith.constant 9 : i32
      %shift_left3A_125 = vector.broadcast %shift_left3A_124 : i32 to vector<16xi32>
      %shift_left3A_126 = arith.shli %get3A_123, %shift_left3A_125 : vector<16xi32>
      %add3A_127 = arith.addi %shift_left3A_106, %shift_left3A_126 : vector<16xi32>
      %get3A_128 = arith.index_cast %mul3A_97 : i32 to index
      %get3A_129 = tpu.vector_load %arg12[%get3A_128] {strides = array<i32>} : memref<2496xi32, #tpu.memory_space<vmem>>, vector<16xi32>,
      %get3A_130 = vector.shape_cast %get3A_129 : vector<16xi32> to vector<16xi32>
      %add3A_131 = arith.addi %add3A_127, %get3A_130 : vector<16xi32>
      %swap3A_132 = arith.index_cast %mul3A_97 : i32 to index
      %swap3A_133 = tpu.vector_load %arg20[%swap3A_132] {strides = array<i32>} : memref<2496xi32, #tpu.memory_space<vmem>>, vector<16xi32>,
      %swap3A_134 = vector.shape_cast %swap3A_133 : vector<16xi32> to vector<16xi32>
      %swap3A_135 = vector.shape_cast %add3A_131 : vector<16xi32> to vector<16xi32>
      tpu.vector_store %arg20[%swap3A_132], %swap3A_135 {strides = array<i32>} : memref<2496xi32, #tpu.memory_space<vmem>>, vector<16xi32>,
      %scan3A_136 = arith.constant 0 : i32
      %scan3A_137 = arith.constant 1 : i32
      %scan3A_138 = arith.addi %scan3A_94, %scan3A_137 : i32
      %mul3A_139 = arith.constant 16 : i32
      %mul3A_140 = arith.muli %scan3A_138, %mul3A_139 : i32
      %iota3A_141 = tpu.iota {dimensions = array<i32: 0>} : vector<16xi32>
      %mul3A_142 = arith.constant 16 : i32
      %mul3A_143 = arith.muli %scan3A_138, %mul3A_142 : i32
      %add3A_144 = arith.addi %add3A_50, %mul3A_143 : i32
      %add3A_145 = vector.broadcast %add3A_144 : i32 to vector<16xi32>
      %add3A_146 = arith.addi %iota3A_141, %add3A_145 : vector<16xi32>
      %div3A_147 = arith.constant 100000 : i32
      %div3A_148 = vector.broadcast %div3A_147 : i32 to vector<16xi32>
      %div3A_149 = arith.divsi %add3A_146, %div3A_148 : vector<16xi32>
      %shift_left3A_150 = arith.constant 18 : i32
      %shift_left3A_151 = vector.broadcast %shift_left3A_150 : i32 to vector<16xi32>
      %shift_left3A_152 = arith.shli %div3A_149, %shift_left3A_151 : vector<16xi32>
      %get3A_153 = arith.index_cast %mul3A_140 : i32 to index
      %get3A_154 = tpu.vector_load %arg9[%get3A_153] {strides = array<i32>} : memref<2496xi32, #tpu.memory_space<vmem>>, vector<16xi32>,
      %get3A_155 = vector.shape_cast %get3A_154 : vector<16xi32> to vector<16xi32>
      %shift_left3A_156 = arith.constant 9 : i32
      %shift_left3A_157 = vector.broadcast %shift_left3A_156 : i32 to vector<16xi32>
      %shift_left3A_158 = arith.shli %get3A_155, %shift_left3A_157 : vector<16xi32>
      %add3A_159 = arith.addi %shift_left3A_152, %shift_left3A_158 : vector<16xi32>
      %get3A_160 = arith.index_cast %mul3A_140 : i32 to index
      %get3A_161 = tpu.vector_load %arg10[%get3A_160] {strides = array<i32>} : memref<2496xi32, #tpu.memory_space<vmem>>, vector<16xi32>,
      %get3A_162 = vector.shape_cast %get3A_161 : vector<16xi32> to vector<16xi32>
      %add3A_163 = arith.addi %add3A_159, %get3A_162 : vector<16xi32>
      %swap3A_164 = arith.index_cast %mul3A_140 : i32 to index
      %swap3A_165 = tpu.vector_load %arg19[%swap3A_164] {strides = array<i32>} : memref<2496xi32, #tpu.memory_space<vmem>>, vector<16xi32>,
      %swap3A_166 = vector.shape_cast %swap3A_165 : vector<16xi32> to vector<16xi32>
      %swap3A_167 = vector.shape_cast %add3A_163 : vector<16xi32> to vector<16xi32>
      tpu.vector_store %arg19[%swap3A_164], %swap3A_167 {strides = array<i32>} : memref<2496xi32, #tpu.memory_space<vmem>>, vector<16xi32>,
      %get3A_168 = arith.index_cast %mul3A_140 : i32 to index
      %get3A_169 = tpu.vector_load %arg11[%get3A_168] {strides = array<i32>} : memref<2496xi32, #tpu.memory_space<vmem>>, vector<16xi32>,
      %get3A_170 = vector.shape_cast %get3A_169 : vector<16xi32> to vector<16xi32>
      %shift_left3A_171 = arith.constant 9 : i32
      %shift_left3A_172 = vector.broadcast %shift_left3A_171 : i32 to vector<16xi32>
      %shift_left3A_173 = arith.shli %get3A_170, %shift_left3A_172 : vector<16xi32>
      %add3A_174 = arith.addi %shift_left3A_152, %shift_left3A_173 : vector<16xi32>
      %get3A_175 = arith.index_cast %mul3A_140 : i32 to index
      %get3A_176 = tpu.vector_load %arg12[%get3A_175] {strides = array<i32>} : memref<2496xi32, #tpu.memory_space<vmem>>, vector<16xi32>,
      %get3A_177 = vector.shape_cast %get3A_176 : vector<16xi32> to vector<16xi32>
      %add3A_178 = arith.addi %add3A_174, %get3A_177 : vector<16xi32>
      %swap3A_179 = arith.index_cast %mul3A_140 : i32 to index
      %swap3A_180 = tpu.vector_load %arg20[%swap3A_179] {strides = array<i32>} : memref<2496xi32, #tpu.memory_space<vmem>>, vector<16xi32>,
      %swap3A_181 = vector.shape_cast %swap3A_180 : vector<16xi32> to vector<16xi32>
      %swap3A_182 = vector.shape_cast %add3A_178 : vector<16xi32> to vector<16xi32>
      tpu.vector_store %arg20[%swap3A_179], %swap3A_182 {strides = array<i32>} : memref<2496xi32, #tpu.memory_space<vmem>>, vector<16xi32>,
      %scan3A_183 = arith.constant 0 : i32
      %scan3A_184 = arith.constant 2 : i32
      %scan3A_185 = arith.addi %scan3A_94, %scan3A_184 : i32
      %mul3A_186 = arith.constant 16 : i32
      %mul3A_187 = arith.muli %scan3A_185, %mul3A_186 : i32
      %iota3A_188 = tpu.iota {dimensions = array<i32: 0>} : vector<16xi32>
      %mul3A_189 = arith.constant 16 : i32
      %mul3A_190 = arith.muli %scan3A_185, %mul3A_189 : i32
      %add3A_191 = arith.addi %add3A_50, %mul3A_190 : i32
      %add3A_192 = vector.broadcast %add3A_191 : i32 to vector<16xi32>
      %add3A_193 = arith.addi %iota3A_188, %add3A_192 : vector<16xi32>
      %div3A_194 = arith.constant 100000 : i32
      %div3A_195 = vector.broadcast %div3A_194 : i32 to vector<16xi32>
      %div3A_196 = arith.divsi %add3A_193, %div3A_195 : vector<16xi32>
      %shift_left3A_197 = arith.constant 18 : i32
      %shift_left3A_198 = vector.broadcast %shift_left3A_197 : i32 to vector<16xi32>
      %shift_left3A_199 = arith.shli %div3A_196, %shift_left3A_198 : vector<16xi32>
      %get3A_200 = arith.index_cast %mul3A_187 : i32 to index
      %get3A_201 = tpu.vector_load %arg9[%get3A_200] {strides = array<i32>} : memref<2496xi32, #tpu.memory_space<vmem>>, vector<16xi32>,
      %get3A_202 = vector.shape_cast %get3A_201 : vector<16xi32> to vector<16xi32>
      %shift_left3A_203 = arith.constant 9 : i32
      %shift_left3A_204 = vector.broadcast %shift_left3A_203 : i32 to vector<16xi32>
      %shift_left3A_205 = arith.shli %get3A_202, %shift_left3A_204 : vector<16xi32>
      %add3A_206 = arith.addi %shift_left3A_199, %shift_left3A_205 : vector<16xi32>
      %get3A_207 = arith.index_cast %mul3A_187 : i32 to index
      %get3A_208 = tpu.vector_load %arg10[%get3A_207] {strides = array<i32>} : memref<2496xi32, #tpu.memory_space<vmem>>, vector<16xi32>,
      %get3A_209 = vector.shape_cast %get3A_208 : vector<16xi32> to vector<16xi32>
      %add3A_210 = arith.addi %add3A_206, %get3A_209 : vector<16xi32>
      %swap3A_211 = arith.index_cast %mul3A_187 : i32 to index
      %swap3A_212 = tpu.vector_load %arg19[%swap3A_211] {strides = array<i32>} : memref<2496xi32, #tpu.memory_space<vmem>>, vector<16xi32>,
      %swap3A_213 = vector.shape_cast %swap3A_212 : vector<16xi32> to vector<16xi32>
      %swap3A_214 = vector.shape_cast %add3A_210 : vector<16xi32> to vector<16xi32>
      tpu.vector_store %arg19[%swap3A_211], %swap3A_214 {strides = array<i32>} : memref<2496xi32, #tpu.memory_space<vmem>>, vector<16xi32>,
      %get3A_215 = arith.index_cast %mul3A_187 : i32 to index
      %get3A_216 = tpu.vector_load %arg11[%get3A_215] {strides = array<i32>} : memref<2496xi32, #tpu.memory_space<vmem>>, vector<16xi32>,
      %get3A_217 = vector.shape_cast %get3A_216 : vector<16xi32> to vector<16xi32>
      %shift_left3A_218 = arith.constant 9 : i32
      %shift_left3A_219 = vector.broadcast %shift_left3A_218 : i32 to vector<16xi32>
      %shift_left3A_220 = arith.shli %get3A_217, %shift_left3A_219 : vector<16xi32>
      %add3A_221 = arith.addi %shift_left3A_199, %shift_left3A_220 : vector<16xi32>
      %get3A_222 = arith.index_cast %mul3A_187 : i32 to index
      %get3A_223 = tpu.vector_load %arg12[%get3A_222] {strides = array<i32>} : memref<2496xi32, #tpu.memory_space<vmem>>, vector<16xi32>,
      %get3A_224 = vector.shape_cast %get3A_223 : vector<16xi32> to vector<16xi32>
      %add3A_225 = arith.addi %add3A_221, %get3A_224 : vector<16xi32>
      %swap3A_226 = arith.index_cast %mul3A_187 : i32 to index
      %swap3A_227 = tpu.vector_load %arg20[%swap3A_226] {strides = array<i32>} : memref<2496xi32, #tpu.memory_space<vmem>>, vector<16xi32>,
      %swap3A_228 = vector.shape_cast %swap3A_227 : vector<16xi32> to vector<16xi32>
      %swap3A_229 = vector.shape_cast %add3A_225 : vector<16xi32> to vector<16xi32>
      tpu.vector_store %arg20[%swap3A_226], %swap3A_229 {strides = array<i32>} : memref<2496xi32, #tpu.memory_space<vmem>>, vector<16xi32>,
      %scan3A_230 = arith.constant 0 : i32
      %scan3A_231 = arith.constant 3 : i32
      %scan3A_232 = arith.addi %scan3A_94, %scan3A_231 : i32
      %mul3A_233 = arith.constant 16 : i32
      %mul3A_234 = arith.muli %scan3A_232, %mul3A_233 : i32
      %iota3A_235 = tpu.iota {dimensions = array<i32: 0>} : vector<16xi32>
      %mul3A_236 = arith.constant 16 : i32
      %mul3A_237 = arith.muli %scan3A_232, %mul3A_236 : i32
      %add3A_238 = arith.addi %add3A_50, %mul3A_237 : i32
      %add3A_239 = vector.broadcast %add3A_238 : i32 to vector<16xi32>
      %add3A_240 = arith.addi %iota3A_235, %add3A_239 : vector<16xi32>
      %div3A_241 = arith.constant 100000 : i32
      %div3A_242 = vector.broadcast %div3A_241 : i32 to vector<16xi32>
      %div3A_243 = arith.divsi %add3A_240, %div3A_242 : vector<16xi32>
      %shift_left3A_244 = arith.constant 18 : i32
      %shift_left3A_245 = vector.broadcast %shift_left3A_244 : i32 to vector<16xi32>
      %shift_left3A_246 = arith.shli %div3A_243, %shift_left3A_245 : vector<16xi32>
      %get3A_247 = arith.index_cast %mul3A_234 : i32 to index
      %get3A_248 = tpu.vector_load %arg9[%get3A_247] {strides = array<i32>} : memref<2496xi32, #tpu.memory_space<vmem>>, vector<16xi32>,
      %get3A_249 = vector.shape_cast %get3A_248 : vector<16xi32> to vector<16xi32>
      %shift_left3A_250 = arith.constant 9 : i32
      %shift_left3A_251 = vector.broadcast %shift_left3A_250 : i32 to vector<16xi32>
      %shift_left3A_252 = arith.shli %get3A_249, %shift_left3A_251 : vector<16xi32>
      %add3A_253 = arith.addi %shift_left3A_246, %shift_left3A_252 : vector<16xi32>
      %get3A_254 = arith.index_cast %mul3A_234 : i32 to index
      %get3A_255 = tpu.vector_load %arg10[%get3A_254] {strides = array<i32>} : memref<2496xi32, #tpu.memory_space<vmem>>, vector<16xi32>,
      %get3A_256 = vector.shape_cast %get3A_255 : vector<16xi32> to vector<16xi32>
      %add3A_257 = arith.addi %add3A_253, %get3A_256 : vector<16xi32>
      %swap3A_258 = arith.index_cast %mul3A_234 : i32 to index
      %swap3A_259 = tpu.vector_load %arg19[%swap3A_258] {strides = array<i32>} : memref<2496xi32, #tpu.memory_space<vmem>>, vector<16xi32>,
      %swap3A_260 = vector.shape_cast %swap3A_259 : vector<16xi32> to vector<16xi32>
      %swap3A_261 = vector.shape_cast %add3A_257 : vector<16xi32> to vector<16xi32>
      tpu.vector_store %arg19[%swap3A_258], %swap3A_261 {strides = array<i32>} : memref<2496xi32, #tpu.memory_space<vmem>>, vector<16xi32>,
      %get3A_262 = arith.index_cast %mul3A_234 : i32 to index
      %get3A_263 = tpu.vector_load %arg11[%get3A_262] {strides = array<i32>} : memref<2496xi32, #tpu.memory_space<vmem>>, vector<16xi32>,
      %get3A_264 = vector.shape_cast %get3A_263 : vector<16xi32> to vector<16xi32>
      %shift_left3A_265 = arith.constant 9 : i32
      %shift_left3A_266 = vector.broadcast %shift_left3A_265 : i32 to vector<16xi32>
      %shift_left3A_267 = arith.shli %get3A_264, %shift_left3A_266 : vector<16xi32>
      %add3A_268 = arith.addi %shift_left3A_246, %shift_left3A_267 : vector<16xi32>
      %get3A_269 = arith.index_cast %mul3A_234 : i32 to index
      %get3A_270 = tpu.vector_load %arg12[%get3A_269] {strides = array<i32>} : memref<2496xi32, #tpu.memory_space<vmem>>, vector<16xi32>,
      %get3A_271 = vector.shape_cast %get3A_270 : vector<16xi32> to vector<16xi32>
      %add3A_272 = arith.addi %add3A_268, %get3A_271 : vector<16xi32>
      %swap3A_273 = arith.index_cast %mul3A_234 : i32 to index
      %swap3A_274 = tpu.vector_load %arg20[%swap3A_273] {strides = array<i32>} : memref<2496xi32, #tpu.memory_space<vmem>>, vector<16xi32>,
      %swap3A_275 = vector.shape_cast %swap3A_274 : vector<16xi32> to vector<16xi32>
      %swap3A_276 = vector.shape_cast %add3A_272 : vector<16xi32> to vector<16xi32>
      tpu.vector_store %arg20[%swap3A_273], %swap3A_276 {strides = array<i32>} : memref<2496xi32, #tpu.memory_space<vmem>>, vector<16xi32>,
      %scan3A_277 = arith.constant 0 : i32
      scf.yield %scan3A_277 : i32
    }
    %scan3A_57 = arith.constant 156 : i32
    %dma_start3A_58 = arith.constant 0 : i32
    %dma_start3A_59 = tpu.memref_slice %arg2[%dma_start3A_58] : memref<2097152xf32, #tpu.memory_space<hbm>> -> memref<2097152xf32, #tpu.memory_space<hbm>>
    tpu.enqueue_indirect_dma source(%dma_start3A_59 : memref<2097152xf32, #tpu.memory_space<hbm>>) target(%arg34 : memref<128xf32, #tpu.memory_space<vmem>>) offsets(%arg32 : memref<128xi32, #tpu.memory_space<vmem>>) semaphore(%arg43 : memref<!tpu.dma_semaphore, #tpu.memory_space<semaphore_mem>>)
    %dma_start3A_60 = arith.constant 0 : i32
    %dma_start3A_61 = tpu.memref_slice %arg2[%dma_start3A_60] : memref<2097152xf32, #tpu.memory_space<hbm>> -> memref<2097152xf32, #tpu.memory_space<hbm>>
    tpu.enqueue_indirect_dma source(%dma_start3A_61 : memref<2097152xf32, #tpu.memory_space<hbm>>) target(%arg35 : memref<128xf32, #tpu.memory_space<vmem>>) offsets(%arg33 : memref<128xi32, #tpu.memory_space<vmem>>) semaphore(%arg46 : memref<!tpu.dma_semaphore, #tpu.memory_space<semaphore_mem>>)
    %dma_start3A_62 = arith.constant 0 : i32
    %dma_start3A_63 = tpu.memref_slice %arg2[%dma_start3A_62] : memref<2097152xf32, #tpu.memory_space<hbm>> -> memref<2097152xf32, #tpu.memory_space<hbm>>
    tpu.enqueue_indirect_dma source(%dma_start3A_63 : memref<2097152xf32, #tpu.memory_space<hbm>>) target(%arg23 : memref<2496xf32, #tpu.memory_space<vmem>>) offsets(%arg19 : memref<2496xi32, #tpu.memory_space<vmem>>) semaphore(%arg41 : memref<!tpu.dma_semaphore, #tpu.memory_space<semaphore_mem>>)
    %dma_start3A_64 = arith.constant 0 : i32
    %dma_start3A_65 = tpu.memref_slice %arg2[%dma_start3A_64] : memref<2097152xf32, #tpu.memory_space<hbm>> -> memref<2097152xf32, #tpu.memory_space<hbm>>
    tpu.enqueue_indirect_dma source(%dma_start3A_65 : memref<2097152xf32, #tpu.memory_space<hbm>>) target(%arg24 : memref<2496xf32, #tpu.memory_space<vmem>>) offsets(%arg20 : memref<2496xi32, #tpu.memory_space<vmem>>) semaphore(%arg44 : memref<!tpu.dma_semaphore, #tpu.memory_space<semaphore_mem>>)
    %add3A_66 = arith.constant 0 : i32
    %add3A_67 = arith.addi %mul3A_2, %add3A_66 : i32
    %dma_start3A_68 = tpu.memref_slice %arg7[%add3A_67] : memref<800000xf32, #tpu.memory_space<hbm>> -> memref<2496xf32, #tpu.memory_space<hbm>>
    %dma_start3A_69 = tpu.memref_slice %arg7[%add3A_67] : memref<800000xf32, #tpu.memory_space<hbm>> -> memref<2496xf32, #tpu.memory_space<hbm>>
    tpu.enqueue_dma source(%dma_start3A_69 : memref<2496xf32, #tpu.memory_space<hbm>>) target(%arg17 : memref<2496xf32, #tpu.memory_space<vmem>>) target_semaphore(%arg39 : memref<!tpu.dma_semaphore, #tpu.memory_space<semaphore_mem>>)
    %dma_wait3A_70 = arith.constant 0 : i32
    %dma_wait3A_71 = tpu.memref_slice %arg2[%dma_wait3A_70] : memref<2097152xf32, #tpu.memory_space<hbm>> -> memref<2097152xf32, #tpu.memory_space<hbm>>
    tpu.wait_indirect_dma semaphore(%arg43 : memref<!tpu.dma_semaphore, #tpu.memory_space<semaphore_mem>>) src(%dma_wait3A_71 : memref<2097152xf32, #tpu.memory_space<hbm>>) dst(%arg34 : memref<128xf32, #tpu.memory_space<vmem>>)
    %dma_wait3A_72 = arith.constant 0 : i32
    %dma_wait3A_73 = tpu.memref_slice %arg2[%dma_wait3A_72] : memref<2097152xf32, #tpu.memory_space<hbm>> -> memref<2097152xf32, #tpu.memory_space<hbm>>
    tpu.wait_indirect_dma semaphore(%arg46 : memref<!tpu.dma_semaphore, #tpu.memory_space<semaphore_mem>>) src(%dma_wait3A_73 : memref<2097152xf32, #tpu.memory_space<hbm>>) dst(%arg35 : memref<128xf32, #tpu.memory_space<vmem>>)
    %broadcast_in_dim3A = arith.constant 0.000000e+00 : f32
    %broadcast_in_dim3A_74 = vector.broadcast %broadcast_in_dim3A : f32 to vector<16xf32>
    %scan3A_75 = arith.constant 0 : i32
    %scan3A_76 = arith.constant 8 : i32
    %scan3A_77 = arith.addi %scan3A_75, %scan3A_76 : i32
    %scan3A_78 = arith.constant 4 : i32
    %scan3A_79 = scf.for %scan3A_94 = %scan3A_75 to %scan3A_77 step %scan3A_78 iter_args(%scan3A_95 = %broadcast_in_dim3A_74) -> (vector<16xf32>)  : i32 {
      %mul3A_96 = arith.constant 16 : i32
      %mul3A_97 = arith.muli %scan3A_94, %mul3A_96 : i32
      %get3A = arith.index_cast %mul3A_97 : i32 to index
      %get3A_98 = tpu.vector_load %arg34[%get3A] {strides = array<i32>} : memref<128xf32, #tpu.memory_space<vmem>>, vector<16xf32>,
      %get3A_99 = vector.shape_cast %get3A_98 : vector<16xf32> to vector<16xf32>
      %get3A_100 = arith.index_cast %mul3A_97 : i32 to index
      %get3A_101 = tpu.vector_load %arg35[%get3A_100] {strides = array<i32>} : memref<128xf32, #tpu.memory_space<vmem>>, vector<16xf32>,
      %get3A_102 = vector.shape_cast %get3A_101 : vector<16xf32> to vector<16xf32>
      %get3A_103 = arith.index_cast %mul3A_97 : i32 to index
      %get3A_104 = tpu.vector_load %arg31[%get3A_103] {strides = array<i32>} : memref<128xf32, #tpu.memory_space<vmem>>, vector<16xf32>,
      %get3A_105 = vector.shape_cast %get3A_104 : vector<16xf32> to vector<16xf32>
      %sub3A_106 = arith.subf %get3A_99, %get3A_102 : vector<16xf32>
      %mul3A_107 = arith.mulf %get3A_105, %get3A_105 : vector<16xf32>
      %mul3A_108 = arith.mulf %sub3A_106, %get3A_105 : vector<16xf32>
      %neg3A = arith.constant 0.000000e+00 : f32
      %neg3A_109 = vector.broadcast %neg3A : f32 to vector<16xf32>
      %neg3A_110 = arith.subf %neg3A_109, %mul3A_108 : vector<16xf32>
      %abs3A = math.absf %neg3A_110 : vector<16xf32>
      %neg3A_111 = arith.constant 0.000000e+00 : f32
      %neg3A_112 = vector.broadcast %neg3A_111 : f32 to vector<16xf32>
      %neg3A_113 = arith.subf %neg3A_112, %abs3A : vector<16xf32>
      %exp3A = math.exp %neg3A_113 : vector<16xf32>
      %add3A_114 = arith.constant 2.000000e+00 : f32
      %add3A_115 = vector.broadcast %add3A_114 : f32 to vector<16xf32>
      %add3A_116 = arith.addf %add3A_115, %exp3A : vector<16xf32>
      %div3A = arith.divf %exp3A, %add3A_116 : vector<16xf32>
      %mul3A_117 = arith.mulf %div3A, %div3A : vector<16xf32>
      %mul3A_118 = arith.constant 0.142857149 : f32
      %mul3A_119 = vector.broadcast %mul3A_118 : f32 to vector<16xf32>
      %mul3A_120 = arith.mulf %mul3A_117, %mul3A_119 : vector<16xf32>
      %add3A_121 = arith.constant 2.000000e-01 : f32
      %add3A_122 = vector.broadcast %add3A_121 : f32 to vector<16xf32>
      %add3A_123 = arith.addf %mul3A_120, %add3A_122 : vector<16xf32>
      %mul3A_124 = arith.mulf %mul3A_117, %add3A_123 : vector<16xf32>
      %add3A_125 = arith.constant 0.333333343 : f32
      %add3A_126 = vector.broadcast %add3A_125 : f32 to vector<16xf32>
      %add3A_127 = arith.addf %mul3A_124, %add3A_126 : vector<16xf32>
      %mul3A_128 = arith.mulf %mul3A_117, %add3A_127 : vector<16xf32>
      %add3A_129 = arith.constant 1.000000e+00 : f32
      %add3A_130 = vector.broadcast %add3A_129 : f32 to vector<16xf32>
      %add3A_131 = arith.addf %mul3A_128, %add3A_130 : vector<16xf32>
      %mul3A_132 = arith.constant 2.000000e+00 : f32
      %mul3A_133 = vector.broadcast %mul3A_132 : f32 to vector<16xf32>
      %mul3A_134 = arith.mulf %mul3A_133, %div3A : vector<16xf32>
      %mul3A_135 = arith.mulf %mul3A_134, %add3A_131 : vector<16xf32>
      %max3A_136 = arith.constant 0.000000e+00 : f32
      %max3A_137 = vector.broadcast %max3A_136 : f32 to vector<16xf32>
      %max3A_138 = arith.maximumf %neg3A_110, %max3A_137 : vector<16xf32>
      %add3A_139 = arith.addf %max3A_138, %mul3A_135 : vector<16xf32>
      %mul3A_140 = arith.mulf %mul3A_107, %add3A_139 : vector<16xf32>
      %sub3A_141 = arith.constant 1.000000e+00 : f32
      %sub3A_142 = vector.broadcast %sub3A_141 : f32 to vector<16xf32>
      %sub3A_143 = arith.subf %sub3A_142, %mul3A_107 : vector<16xf32>
      %mul3A_144 = arith.mulf %sub3A_106, %sub3A_106 : vector<16xf32>
      %mul3A_145 = arith.mulf %sub3A_143, %mul3A_144 : vector<16xf32>
      %add3A_146 = arith.addf %mul3A_140, %mul3A_145 : vector<16xf32>
      %add3A_147 = arith.addf %scan3A_95, %add3A_146 : vector<16xf32>
      %scan3A_148 = arith.constant 1 : i32
      %scan3A_149 = arith.addi %scan3A_94, %scan3A_148 : i32
      %mul3A_150 = arith.constant 16 : i32
      %mul3A_151 = arith.muli %scan3A_149, %mul3A_150 : i32
      %get3A_152 = arith.index_cast %mul3A_151 : i32 to index
      %get3A_153 = tpu.vector_load %arg34[%get3A_152] {strides = array<i32>} : memref<128xf32, #tpu.memory_space<vmem>>, vector<16xf32>,
      %get3A_154 = vector.shape_cast %get3A_153 : vector<16xf32> to vector<16xf32>
      %get3A_155 = arith.index_cast %mul3A_151 : i32 to index
      %get3A_156 = tpu.vector_load %arg35[%get3A_155] {strides = array<i32>} : memref<128xf32, #tpu.memory_space<vmem>>, vector<16xf32>,
      %get3A_157 = vector.shape_cast %get3A_156 : vector<16xf32> to vector<16xf32>
      %get3A_158 = arith.index_cast %mul3A_151 : i32 to index
      %get3A_159 = tpu.vector_load %arg31[%get3A_158] {strides = array<i32>} : memref<128xf32, #tpu.memory_space<vmem>>, vector<16xf32>,
      %get3A_160 = vector.shape_cast %get3A_159 : vector<16xf32> to vector<16xf32>
      %sub3A_161 = arith.subf %get3A_154, %get3A_157 : vector<16xf32>
      %mul3A_162 = arith.mulf %get3A_160, %get3A_160 : vector<16xf32>
      %mul3A_163 = arith.mulf %sub3A_161, %get3A_160 : vector<16xf32>
      %neg3A_164 = arith.constant 0.000000e+00 : f32
      %neg3A_165 = vector.broadcast %neg3A_164 : f32 to vector<16xf32>
      %neg3A_166 = arith.subf %neg3A_165, %mul3A_163 : vector<16xf32>
      %abs3A_167 = math.absf %neg3A_166 : vector<16xf32>
      %neg3A_168 = arith.constant 0.000000e+00 : f32
      %neg3A_169 = vector.broadcast %neg3A_168 : f32 to vector<16xf32>
      %neg3A_170 = arith.subf %neg3A_169, %abs3A_167 : vector<16xf32>
      %exp3A_171 = math.exp %neg3A_170 : vector<16xf32>
      %add3A_172 = arith.constant 2.000000e+00 : f32
      %add3A_173 = vector.broadcast %add3A_172 : f32 to vector<16xf32>
      %add3A_174 = arith.addf %add3A_173, %exp3A_171 : vector<16xf32>
      %div3A_175 = arith.divf %exp3A_171, %add3A_174 : vector<16xf32>
      %mul3A_176 = arith.mulf %div3A_175, %div3A_175 : vector<16xf32>
      %mul3A_177 = arith.constant 0.142857149 : f32
      %mul3A_178 = vector.broadcast %mul3A_177 : f32 to vector<16xf32>
      %mul3A_179 = arith.mulf %mul3A_176, %mul3A_178 : vector<16xf32>
      %add3A_180 = arith.constant 2.000000e-01 : f32
      %add3A_181 = vector.broadcast %add3A_180 : f32 to vector<16xf32>
      %add3A_182 = arith.addf %mul3A_179, %add3A_181 : vector<16xf32>
      %mul3A_183 = arith.mulf %mul3A_176, %add3A_182 : vector<16xf32>
      %add3A_184 = arith.constant 0.333333343 : f32
      %add3A_185 = vector.broadcast %add3A_184 : f32 to vector<16xf32>
      %add3A_186 = arith.addf %mul3A_183, %add3A_185 : vector<16xf32>
      %mul3A_187 = arith.mulf %mul3A_176, %add3A_186 : vector<16xf32>
      %add3A_188 = arith.constant 1.000000e+00 : f32
      %add3A_189 = vector.broadcast %add3A_188 : f32 to vector<16xf32>
      %add3A_190 = arith.addf %mul3A_187, %add3A_189 : vector<16xf32>
      %mul3A_191 = arith.constant 2.000000e+00 : f32
      %mul3A_192 = vector.broadcast %mul3A_191 : f32 to vector<16xf32>
      %mul3A_193 = arith.mulf %mul3A_192, %div3A_175 : vector<16xf32>
      %mul3A_194 = arith.mulf %mul3A_193, %add3A_190 : vector<16xf32>
      %max3A_195 = arith.constant 0.000000e+00 : f32
      %max3A_196 = vector.broadcast %max3A_195 : f32 to vector<16xf32>
      %max3A_197 = arith.maximumf %neg3A_166, %max3A_196 : vector<16xf32>
      %add3A_198 = arith.addf %max3A_197, %mul3A_194 : vector<16xf32>
      %mul3A_199 = arith.mulf %mul3A_162, %add3A_198 : vector<16xf32>
      %sub3A_200 = arith.constant 1.000000e+00 : f32
      %sub3A_201 = vector.broadcast %sub3A_200 : f32 to vector<16xf32>
      %sub3A_202 = arith.subf %sub3A_201, %mul3A_162 : vector<16xf32>
      %mul3A_203 = arith.mulf %sub3A_161, %sub3A_161 : vector<16xf32>
      %mul3A_204 = arith.mulf %sub3A_202, %mul3A_203 : vector<16xf32>
      %add3A_205 = arith.addf %mul3A_199, %mul3A_204 : vector<16xf32>
      %add3A_206 = arith.addf %add3A_147, %add3A_205 : vector<16xf32>
      %scan3A_207 = arith.constant 2 : i32
      %scan3A_208 = arith.addi %scan3A_94, %scan3A_207 : i32
      %mul3A_209 = arith.constant 16 : i32
      %mul3A_210 = arith.muli %scan3A_208, %mul3A_209 : i32
      %get3A_211 = arith.index_cast %mul3A_210 : i32 to index
      %get3A_212 = tpu.vector_load %arg34[%get3A_211] {strides = array<i32>} : memref<128xf32, #tpu.memory_space<vmem>>, vector<16xf32>,
      %get3A_213 = vector.shape_cast %get3A_212 : vector<16xf32> to vector<16xf32>
      %get3A_214 = arith.index_cast %mul3A_210 : i32 to index
      %get3A_215 = tpu.vector_load %arg35[%get3A_214] {strides = array<i32>} : memref<128xf32, #tpu.memory_space<vmem>>, vector<16xf32>,
      %get3A_216 = vector.shape_cast %get3A_215 : vector<16xf32> to vector<16xf32>
      %get3A_217 = arith.index_cast %mul3A_210 : i32 to index
      %get3A_218 = tpu.vector_load %arg31[%get3A_217] {strides = array<i32>} : memref<128xf32, #tpu.memory_space<vmem>>, vector<16xf32>,
      %get3A_219 = vector.shape_cast %get3A_218 : vector<16xf32> to vector<16xf32>
      %sub3A_220 = arith.subf %get3A_213, %get3A_216 : vector<16xf32>
      %mul3A_221 = arith.mulf %get3A_219, %get3A_219 : vector<16xf32>
      %mul3A_222 = arith.mulf %sub3A_220, %get3A_219 : vector<16xf32>
      %neg3A_223 = arith.constant 0.000000e+00 : f32
      %neg3A_224 = vector.broadcast %neg3A_223 : f32 to vector<16xf32>
      %neg3A_225 = arith.subf %neg3A_224, %mul3A_222 : vector<16xf32>
      %abs3A_226 = math.absf %neg3A_225 : vector<16xf32>
      %neg3A_227 = arith.constant 0.000000e+00 : f32
      %neg3A_228 = vector.broadcast %neg3A_227 : f32 to vector<16xf32>
      %neg3A_229 = arith.subf %neg3A_228, %abs3A_226 : vector<16xf32>
      %exp3A_230 = math.exp %neg3A_229 : vector<16xf32>
      %add3A_231 = arith.constant 2.000000e+00 : f32
      %add3A_232 = vector.broadcast %add3A_231 : f32 to vector<16xf32>
      %add3A_233 = arith.addf %add3A_232, %exp3A_230 : vector<16xf32>
      %div3A_234 = arith.divf %exp3A_230, %add3A_233 : vector<16xf32>
      %mul3A_235 = arith.mulf %div3A_234, %div3A_234 : vector<16xf32>
      %mul3A_236 = arith.constant 0.142857149 : f32
      %mul3A_237 = vector.broadcast %mul3A_236 : f32 to vector<16xf32>
      %mul3A_238 = arith.mulf %mul3A_235, %mul3A_237 : vector<16xf32>
      %add3A_239 = arith.constant 2.000000e-01 : f32
      %add3A_240 = vector.broadcast %add3A_239 : f32 to vector<16xf32>
      %add3A_241 = arith.addf %mul3A_238, %add3A_240 : vector<16xf32>
      %mul3A_242 = arith.mulf %mul3A_235, %add3A_241 : vector<16xf32>
      %add3A_243 = arith.constant 0.333333343 : f32
      %add3A_244 = vector.broadcast %add3A_243 : f32 to vector<16xf32>
      %add3A_245 = arith.addf %mul3A_242, %add3A_244 : vector<16xf32>
      %mul3A_246 = arith.mulf %mul3A_235, %add3A_245 : vector<16xf32>
      %add3A_247 = arith.constant 1.000000e+00 : f32
      %add3A_248 = vector.broadcast %add3A_247 : f32 to vector<16xf32>
      %add3A_249 = arith.addf %mul3A_246, %add3A_248 : vector<16xf32>
      %mul3A_250 = arith.constant 2.000000e+00 : f32
      %mul3A_251 = vector.broadcast %mul3A_250 : f32 to vector<16xf32>
      %mul3A_252 = arith.mulf %mul3A_251, %div3A_234 : vector<16xf32>
      %mul3A_253 = arith.mulf %mul3A_252, %add3A_249 : vector<16xf32>
      %max3A_254 = arith.constant 0.000000e+00 : f32
      %max3A_255 = vector.broadcast %max3A_254 : f32 to vector<16xf32>
      %max3A_256 = arith.maximumf %neg3A_225, %max3A_255 : vector<16xf32>
      %add3A_257 = arith.addf %max3A_256, %mul3A_253 : vector<16xf32>
      %mul3A_258 = arith.mulf %mul3A_221, %add3A_257 : vector<16xf32>
      %sub3A_259 = arith.constant 1.000000e+00 : f32
      %sub3A_260 = vector.broadcast %sub3A_259 : f32 to vector<16xf32>
      %sub3A_261 = arith.subf %sub3A_260, %mul3A_221 : vector<16xf32>
      %mul3A_262 = arith.mulf %sub3A_220, %sub3A_220 : vector<16xf32>
      %mul3A_263 = arith.mulf %sub3A_261, %mul3A_262 : vector<16xf32>
      %add3A_264 = arith.addf %mul3A_258, %mul3A_263 : vector<16xf32>
      %add3A_265 = arith.addf %add3A_206, %add3A_264 : vector<16xf32>
      %scan3A_266 = arith.constant 3 : i32
      %scan3A_267 = arith.addi %scan3A_94, %scan3A_266 : i32
      %mul3A_268 = arith.constant 16 : i32
      %mul3A_269 = arith.muli %scan3A_267, %mul3A_268 : i32
      %get3A_270 = arith.index_cast %mul3A_269 : i32 to index
      %get3A_271 = tpu.vector_load %arg34[%get3A_270] {strides = array<i32>} : memref<128xf32, #tpu.memory_space<vmem>>, vector<16xf32>,
      %get3A_272 = vector.shape_cast %get3A_271 : vector<16xf32> to vector<16xf32>
      %get3A_273 = arith.index_cast %mul3A_269 : i32 to index
      %get3A_274 = tpu.vector_load %arg35[%get3A_273] {strides = array<i32>} : memref<128xf32, #tpu.memory_space<vmem>>, vector<16xf32>,
      %get3A_275 = vector.shape_cast %get3A_274 : vector<16xf32> to vector<16xf32>
      %get3A_276 = arith.index_cast %mul3A_269 : i32 to index
      %get3A_277 = tpu.vector_load %arg31[%get3A_276] {strides = array<i32>} : memref<128xf32, #tpu.memory_space<vmem>>, vector<16xf32>,
      %get3A_278 = vector.shape_cast %get3A_277 : vector<16xf32> to vector<16xf32>
      %sub3A_279 = arith.subf %get3A_272, %get3A_275 : vector<16xf32>
      %mul3A_280 = arith.mulf %get3A_278, %get3A_278 : vector<16xf32>
      %mul3A_281 = arith.mulf %sub3A_279, %get3A_278 : vector<16xf32>
      %neg3A_282 = arith.constant 0.000000e+00 : f32
      %neg3A_283 = vector.broadcast %neg3A_282 : f32 to vector<16xf32>
      %neg3A_284 = arith.subf %neg3A_283, %mul3A_281 : vector<16xf32>
      %abs3A_285 = math.absf %neg3A_284 : vector<16xf32>
      %neg3A_286 = arith.constant 0.000000e+00 : f32
      %neg3A_287 = vector.broadcast %neg3A_286 : f32 to vector<16xf32>
      %neg3A_288 = arith.subf %neg3A_287, %abs3A_285 : vector<16xf32>
      %exp3A_289 = math.exp %neg3A_288 : vector<16xf32>
      %add3A_290 = arith.constant 2.000000e+00 : f32
      %add3A_291 = vector.broadcast %add3A_290 : f32 to vector<16xf32>
      %add3A_292 = arith.addf %add3A_291, %exp3A_289 : vector<16xf32>
      %div3A_293 = arith.divf %exp3A_289, %add3A_292 : vector<16xf32>
      %mul3A_294 = arith.mulf %div3A_293, %div3A_293 : vector<16xf32>
      %mul3A_295 = arith.constant 0.142857149 : f32
      %mul3A_296 = vector.broadcast %mul3A_295 : f32 to vector<16xf32>
      %mul3A_297 = arith.mulf %mul3A_294, %mul3A_296 : vector<16xf32>
      %add3A_298 = arith.constant 2.000000e-01 : f32
      %add3A_299 = vector.broadcast %add3A_298 : f32 to vector<16xf32>
      %add3A_300 = arith.addf %mul3A_297, %add3A_299 : vector<16xf32>
      %mul3A_301 = arith.mulf %mul3A_294, %add3A_300 : vector<16xf32>
      %add3A_302 = arith.constant 0.333333343 : f32
      %add3A_303 = vector.broadcast %add3A_302 : f32 to vector<16xf32>
      %add3A_304 = arith.addf %mul3A_301, %add3A_303 : vector<16xf32>
      %mul3A_305 = arith.mulf %mul3A_294, %add3A_304 : vector<16xf32>
      %add3A_306 = arith.constant 1.000000e+00 : f32
      %add3A_307 = vector.broadcast %add3A_306 : f32 to vector<16xf32>
      %add3A_308 = arith.addf %mul3A_305, %add3A_307 : vector<16xf32>
      %mul3A_309 = arith.constant 2.000000e+00 : f32
      %mul3A_310 = vector.broadcast %mul3A_309 : f32 to vector<16xf32>
      %mul3A_311 = arith.mulf %mul3A_310, %div3A_293 : vector<16xf32>
      %mul3A_312 = arith.mulf %mul3A_311, %add3A_308 : vector<16xf32>
      %max3A_313 = arith.constant 0.000000e+00 : f32
      %max3A_314 = vector.broadcast %max3A_313 : f32 to vector<16xf32>
      %max3A_315 = arith.maximumf %neg3A_284, %max3A_314 : vector<16xf32>
      %add3A_316 = arith.addf %max3A_315, %mul3A_312 : vector<16xf32>
      %mul3A_317 = arith.mulf %mul3A_280, %add3A_316 : vector<16xf32>
      %sub3A_318 = arith.constant 1.000000e+00 : f32
      %sub3A_319 = vector.broadcast %sub3A_318 : f32 to vector<16xf32>
      %sub3A_320 = arith.subf %sub3A_319, %mul3A_280 : vector<16xf32>
      %mul3A_321 = arith.mulf %sub3A_279, %sub3A_279 : vector<16xf32>
      %mul3A_322 = arith.mulf %sub3A_320, %mul3A_321 : vector<16xf32>
      %add3A_323 = arith.addf %mul3A_317, %mul3A_322 : vector<16xf32>
      %add3A_324 = arith.addf %add3A_265, %add3A_323 : vector<16xf32>
      scf.yield %add3A_324 : vector<16xf32>
    }
    %scan3A_80 = arith.constant 8 : i32
    %ge3A = arith.constant 22 : i32
    %ge3A_81 = arith.cmpi sge, %add3A, %ge3A : i32
    %convert_element_type3A = arith.extui %ge3A_81 : i1 to i32
    %convert_element_type3A_82 = arith.sitofp %convert_element_type3A : i32 to f32
    %mul3A_83 = vector.broadcast %convert_element_type3A_82 : f32 to vector<16xf32>
    %mul3A_84 = arith.mulf %mul3A_83, %scan3A_79 : vector<16xf32>
    %scan3A_85 = arith.constant 0 : i32
    %scan3A_86 = arith.constant 5 : i32
    %scan3A_87 = arith.addi %scan3A_85, %scan3A_86 : i32
    %scan3A_88 = arith.constant 1 : i32
    %scan3A_89 = scf.for %scan3A_94 = %scan3A_85 to %scan3A_87 step %scan3A_88 iter_args(%scan3A_95 = %mul3A_84) -> (vector<16xf32>)  : i32 {
      %mul3A_96 = arith.constant 2 : i32
      %mul3A_97 = arith.muli %mul3A_96, %scan3A_94 : i32
      %le3A = arith.constant 3 : i32
      %le3A_98 = arith.cmpi sle, %scan3A_94, %le3A : i32
      %convert_element_type3A_99 = arith.extui %le3A_98 : i1 to i32
      %cond3A = arith.constant 0 : i32
      %cond3A_100 = arith.cmpi ne, %convert_element_type3A_99, %cond3A : i32
      scf.if %cond3A_100 {
        %add3A_173 = arith.constant 2 : i32
        %add3A_174 = arith.addi %mul3A_97, %add3A_173 : i32
        %mul3A_175 = arith.constant 2496 : i32
        %mul3A_176 = arith.muli %add3A_174, %mul3A_175 : i32
        %add3A_177 = arith.addi %mul3A_2, %mul3A_176 : i32
        %dma_start3A_178 = tpu.memref_slice %arg3[%add3A_177] : memref<800000xi32, #tpu.memory_space<hbm>> -> memref<2496xi32, #tpu.memory_space<hbm>>
        %dma_start3A_179 = tpu.memref_slice %arg3[%add3A_177] : memref<800000xi32, #tpu.memory_space<hbm>> -> memref<2496xi32, #tpu.memory_space<hbm>>
        tpu.enqueue_dma source(%dma_start3A_179 : memref<2496xi32, #tpu.memory_space<hbm>>) target(%arg9 : memref<2496xi32, #tpu.memory_space<vmem>>) target_semaphore(%arg37 : memref<!tpu.dma_semaphore, #tpu.memory_space<semaphore_mem>>)
        %dma_start3A_180 = tpu.memref_slice %arg4[%add3A_177] : memref<800000xi32, #tpu.memory_space<hbm>> -> memref<2496xi32, #tpu.memory_space<hbm>>
        %dma_start3A_181 = tpu.memref_slice %arg4[%add3A_177] : memref<800000xi32, #tpu.memory_space<hbm>> -> memref<2496xi32, #tpu.memory_space<hbm>>
        tpu.enqueue_dma source(%dma_start3A_181 : memref<2496xi32, #tpu.memory_space<hbm>>) target(%arg10 : memref<2496xi32, #tpu.memory_space<vmem>>) target_semaphore(%arg37 : memref<!tpu.dma_semaphore, #tpu.memory_space<semaphore_mem>>)
        %dma_start3A_182 = tpu.memref_slice %arg5[%add3A_177] : memref<800000xi32, #tpu.memory_space<hbm>> -> memref<2496xi32, #tpu.memory_space<hbm>>
        %dma_start3A_183 = tpu.memref_slice %arg5[%add3A_177] : memref<800000xi32, #tpu.memory_space<hbm>> -> memref<2496xi32, #tpu.memory_space<hbm>>
        tpu.enqueue_dma source(%dma_start3A_183 : memref<2496xi32, #tpu.memory_space<hbm>>) target(%arg11 : memref<2496xi32, #tpu.memory_space<vmem>>) target_semaphore(%arg37 : memref<!tpu.dma_semaphore, #tpu.memory_space<semaphore_mem>>)
        %dma_start3A_184 = tpu.memref_slice %arg6[%add3A_177] : memref<800000xi32, #tpu.memory_space<hbm>> -> memref<2496xi32, #tpu.memory_space<hbm>>
        %dma_start3A_185 = tpu.memref_slice %arg6[%add3A_177] : memref<800000xi32, #tpu.memory_space<hbm>> -> memref<2496xi32, #tpu.memory_space<hbm>>
        tpu.enqueue_dma source(%dma_start3A_185 : memref<2496xi32, #tpu.memory_space<hbm>>) target(%arg12 : memref<2496xi32, #tpu.memory_space<vmem>>) target_semaphore(%arg37 : memref<!tpu.dma_semaphore, #tpu.memory_space<semaphore_mem>>)
      } else {
      }
      %dma_wait3A_101 = arith.constant 0 : i32
      %dma_wait3A_102 = tpu.memref_slice %arg3[%dma_wait3A_101] : memref<800000xi32, #tpu.memory_space<hbm>> -> memref<2496xi32, #tpu.memory_space<hbm>>
      %dma_wait3A_103 = arith.constant 0 : i32
      %dma_wait3A_104 = tpu.memref_slice %arg3[%dma_wait3A_103] : memref<800000xi32, #tpu.memory_space<hbm>> -> memref<2496xi32, #tpu.memory_space<hbm>>
      tpu.wait_dma2 semaphore(%arg38 : memref<!tpu.dma_semaphore, #tpu.memory_space<semaphore_mem>>) src(%dma_wait3A_104 : memref<2496xi32, #tpu.memory_space<hbm>>) dst(%arg13 : memref<2496xi32, #tpu.memory_space<vmem>>)
      %dma_wait3A_105 = arith.constant 0 : i32
      %dma_wait3A_106 = tpu.memref_slice %arg4[%dma_wait3A_105] : memref<800000xi32, #tpu.memory_space<hbm>> -> memref<2496xi32, #tpu.memory_space<hbm>>
      %dma_wait3A_107 = arith.constant 0 : i32
      %dma_wait3A_108 = tpu.memref_slice %arg4[%dma_wait3A_107] : memref<800000xi32, #tpu.memory_space<hbm>> -> memref<2496xi32, #tpu.memory_space<hbm>>
      tpu.wait_dma2 semaphore(%arg38 : memref<!tpu.dma_semaphore, #tpu.memory_space<semaphore_mem>>) src(%dma_wait3A_108 : memref<2496xi32, #tpu.memory_space<hbm>>) dst(%arg14 : memref<2496xi32, #tpu.memory_space<vmem>>)
      %dma_wait3A_109 = arith.constant 0 : i32
      %dma_wait3A_110 = tpu.memref_slice %arg5[%dma_wait3A_109] : memref<800000xi32, #tpu.memory_space<hbm>> -> memref<2496xi32, #tpu.memory_space<hbm>>
      %dma_wait3A_111 = arith.constant 0 : i32
      %dma_wait3A_112 = tpu.memref_slice %arg5[%dma_wait3A_111] : memref<800000xi32, #tpu.memory_space<hbm>> -> memref<2496xi32, #tpu.memory_space<hbm>>
      tpu.wait_dma2 semaphore(%arg38 : memref<!tpu.dma_semaphore, #tpu.memory_space<semaphore_mem>>) src(%dma_wait3A_112 : memref<2496xi32, #tpu.memory_space<hbm>>) dst(%arg15 : memref<2496xi32, #tpu.memory_space<vmem>>)
      %dma_wait3A_113 = arith.constant 0 : i32
      %dma_wait3A_114 = tpu.memref_slice %arg6[%dma_wait3A_113] : memref<800000xi32, #tpu.memory_space<hbm>> -> memref<2496xi32, #tpu.memory_space<hbm>>
      %dma_wait3A_115 = arith.constant 0 : i32
      %dma_wait3A_116 = tpu.memref_slice %arg6[%dma_wait3A_115] : memref<800000xi32, #tpu.memory_space<hbm>> -> memref<2496xi32, #tpu.memory_space<hbm>>
      tpu.wait_dma2 semaphore(%arg38 : memref<!tpu.dma_semaphore, #tpu.memory_space<semaphore_mem>>) src(%dma_wait3A_116 : memref<2496xi32, #tpu.memory_space<hbm>>) dst(%arg16 : memref<2496xi32, #tpu.memory_space<vmem>>)
      %add3A_117 = arith.constant 1 : i32
      %add3A_118 = arith.addi %mul3A_97, %add3A_117 : i32
      %mul3A_119 = arith.constant 2496 : i32
      %mul3A_120 = arith.muli %add3A_118, %mul3A_119 : i32
      %add3A_121 = arith.addi %mul3A_2, %mul3A_120 : i32
      %scan3A_122 = arith.constant 0 : i32
      %scan3A_123 = arith.constant 0 : i32
      %scan3A_124 = arith.constant 156 : i32
      %scan3A_125 = arith.addi %scan3A_123, %scan3A_124 : i32
      %scan3A_126 = arith.constant 4 : i32
      %scan3A_127 = scf.for %scan3A_173 = %scan3A_123 to %scan3A_125 step %scan3A_126 iter_args(%scan3A_174 = %scan3A_122) -> (i32)  : i32 {
        %mul3A_175 = arith.constant 16 : i32
        %mul3A_176 = arith.muli %scan3A_173, %mul3A_175 : i32
        %iota3A = tpu.iota {dimensions = array<i32: 0>} : vector<16xi32>
        %mul3A_177 = arith.constant 16 : i32
        %mul3A_178 = arith.muli %scan3A_173, %mul3A_177 : i32
        %add3A_179 = arith.addi %add3A_121, %mul3A_178 : i32
        %add3A_180 = vector.broadcast %add3A_179 : i32 to vector<16xi32>
        %add3A_181 = arith.addi %iota3A, %add3A_180 : vector<16xi32>
        %div3A = arith.constant 100000 : i32
        %div3A_182 = vector.broadcast %div3A : i32 to vector<16xi32>
        %div3A_183 = arith.divsi %add3A_181, %div3A_182 : vector<16xi32>
        %shift_left3A = arith.constant 18 : i32
        %shift_left3A_184 = vector.broadcast %shift_left3A : i32 to vector<16xi32>
        %shift_left3A_185 = arith.shli %div3A_183, %shift_left3A_184 : vector<16xi32>
        %get3A = arith.index_cast %mul3A_176 : i32 to index
        %get3A_186 = tpu.vector_load %arg13[%get3A] {strides = array<i32>} : memref<2496xi32, #tpu.memory_space<vmem>>, vector<16xi32>,
        %get3A_187 = vector.shape_cast %get3A_186 : vector<16xi32> to vector<16xi32>
        %shift_left3A_188 = arith.constant 9 : i32
        %shift_left3A_189 = vector.broadcast %shift_left3A_188 : i32 to vector<16xi32>
        %shift_left3A_190 = arith.shli %get3A_187, %shift_left3A_189 : vector<16xi32>
        %add3A_191 = arith.addi %shift_left3A_185, %shift_left3A_190 : vector<16xi32>
        %get3A_192 = arith.index_cast %mul3A_176 : i32 to index
        %get3A_193 = tpu.vector_load %arg14[%get3A_192] {strides = array<i32>} : memref<2496xi32, #tpu.memory_space<vmem>>, vector<16xi32>,
        %get3A_194 = vector.shape_cast %get3A_193 : vector<16xi32> to vector<16xi32>
        %add3A_195 = arith.addi %add3A_191, %get3A_194 : vector<16xi32>
        %swap3A_196 = arith.index_cast %mul3A_176 : i32 to index
        %swap3A_197 = tpu.vector_load %arg21[%swap3A_196] {strides = array<i32>} : memref<2496xi32, #tpu.memory_space<vmem>>, vector<16xi32>,
        %swap3A_198 = vector.shape_cast %swap3A_197 : vector<16xi32> to vector<16xi32>
        %swap3A_199 = vector.shape_cast %add3A_195 : vector<16xi32> to vector<16xi32>
        tpu.vector_store %arg21[%swap3A_196], %swap3A_199 {strides = array<i32>} : memref<2496xi32, #tpu.memory_space<vmem>>, vector<16xi32>,
        %get3A_200 = arith.index_cast %mul3A_176 : i32 to index
        %get3A_201 = tpu.vector_load %arg15[%get3A_200] {strides = array<i32>} : memref<2496xi32, #tpu.memory_space<vmem>>, vector<16xi32>,
        %get3A_202 = vector.shape_cast %get3A_201 : vector<16xi32> to vector<16xi32>
        %shift_left3A_203 = arith.constant 9 : i32
        %shift_left3A_204 = vector.broadcast %shift_left3A_203 : i32 to vector<16xi32>
        %shift_left3A_205 = arith.shli %get3A_202, %shift_left3A_204 : vector<16xi32>
        %add3A_206 = arith.addi %shift_left3A_185, %shift_left3A_205 : vector<16xi32>
        %get3A_207 = arith.index_cast %mul3A_176 : i32 to index
        %get3A_208 = tpu.vector_load %arg16[%get3A_207] {strides = array<i32>} : memref<2496xi32, #tpu.memory_space<vmem>>, vector<16xi32>,
        %get3A_209 = vector.shape_cast %get3A_208 : vector<16xi32> to vector<16xi32>
        %add3A_210 = arith.addi %add3A_206, %get3A_209 : vector<16xi32>
        %swap3A_211 = arith.index_cast %mul3A_176 : i32 to index
        %swap3A_212 = tpu.vector_load %arg22[%swap3A_211] {strides = array<i32>} : memref<2496xi32, #tpu.memory_space<vmem>>, vector<16xi32>,
        %swap3A_213 = vector.shape_cast %swap3A_212 : vector<16xi32> to vector<16xi32>
        %swap3A_214 = vector.shape_cast %add3A_210 : vector<16xi32> to vector<16xi32>
        tpu.vector_store %arg22[%swap3A_211], %swap3A_214 {strides = array<i32>} : memref<2496xi32, #tpu.memory_space<vmem>>, vector<16xi32>,
        %scan3A_215 = arith.constant 0 : i32
        %scan3A_216 = arith.constant 1 : i32
        %scan3A_217 = arith.addi %scan3A_173, %scan3A_216 : i32
        %mul3A_218 = arith.constant 16 : i32
        %mul3A_219 = arith.muli %scan3A_217, %mul3A_218 : i32
        %iota3A_220 = tpu.iota {dimensions = array<i32: 0>} : vector<16xi32>
        %mul3A_221 = arith.constant 16 : i32
        %mul3A_222 = arith.muli %scan3A_217, %mul3A_221 : i32
        %add3A_223 = arith.addi %add3A_121, %mul3A_222 : i32
        %add3A_224 = vector.broadcast %add3A_223 : i32 to vector<16xi32>
        %add3A_225 = arith.addi %iota3A_220, %add3A_224 : vector<16xi32>
        %div3A_226 = arith.constant 100000 : i32
        %div3A_227 = vector.broadcast %div3A_226 : i32 to vector<16xi32>
        %div3A_228 = arith.divsi %add3A_225, %div3A_227 : vector<16xi32>
        %shift_left3A_229 = arith.constant 18 : i32
        %shift_left3A_230 = vector.broadcast %shift_left3A_229 : i32 to vector<16xi32>
        %shift_left3A_231 = arith.shli %div3A_228, %shift_left3A_230 : vector<16xi32>
        %get3A_232 = arith.index_cast %mul3A_219 : i32 to index
        %get3A_233 = tpu.vector_load %arg13[%get3A_232] {strides = array<i32>} : memref<2496xi32, #tpu.memory_space<vmem>>, vector<16xi32>,
        %get3A_234 = vector.shape_cast %get3A_233 : vector<16xi32> to vector<16xi32>
        %shift_left3A_235 = arith.constant 9 : i32
        %shift_left3A_236 = vector.broadcast %shift_left3A_235 : i32 to vector<16xi32>
        %shift_left3A_237 = arith.shli %get3A_234, %shift_left3A_236 : vector<16xi32>
        %add3A_238 = arith.addi %shift_left3A_231, %shift_left3A_237 : vector<16xi32>
        %get3A_239 = arith.index_cast %mul3A_219 : i32 to index
        %get3A_240 = tpu.vector_load %arg14[%get3A_239] {strides = array<i32>} : memref<2496xi32, #tpu.memory_space<vmem>>, vector<16xi32>,
        %get3A_241 = vector.shape_cast %get3A_240 : vector<16xi32> to vector<16xi32>
        %add3A_242 = arith.addi %add3A_238, %get3A_241 : vector<16xi32>
        %swap3A_243 = arith.index_cast %mul3A_219 : i32 to index
        %swap3A_244 = tpu.vector_load %arg21[%swap3A_243] {strides = array<i32>} : memref<2496xi32, #tpu.memory_space<vmem>>, vector<16xi32>,
        %swap3A_245 = vector.shape_cast %swap3A_244 : vector<16xi32> to vector<16xi32>
        %swap3A_246 = vector.shape_cast %add3A_242 : vector<16xi32> to vector<16xi32>
        tpu.vector_store %arg21[%swap3A_243], %swap3A_246 {strides = array<i32>} : memref<2496xi32, #tpu.memory_space<vmem>>, vector<16xi32>,
        %get3A_247 = arith.index_cast %mul3A_219 : i32 to index
        %get3A_248 = tpu.vector_load %arg15[%get3A_247] {strides = array<i32>} : memref<2496xi32, #tpu.memory_space<vmem>>, vector<16xi32>,
        %get3A_249 = vector.shape_cast %get3A_248 : vector<16xi32> to vector<16xi32>
        %shift_left3A_250 = arith.constant 9 : i32
        %shift_left3A_251 = vector.broadcast %shift_left3A_250 : i32 to vector<16xi32>
        %shift_left3A_252 = arith.shli %get3A_249, %shift_left3A_251 : vector<16xi32>
        %add3A_253 = arith.addi %shift_left3A_231, %shift_left3A_252 : vector<16xi32>
        %get3A_254 = arith.index_cast %mul3A_219 : i32 to index
        %get3A_255 = tpu.vector_load %arg16[%get3A_254] {strides = array<i32>} : memref<2496xi32, #tpu.memory_space<vmem>>, vector<16xi32>,
        %get3A_256 = vector.shape_cast %get3A_255 : vector<16xi32> to vector<16xi32>
        %add3A_257 = arith.addi %add3A_253, %get3A_256 : vector<16xi32>
        %swap3A_258 = arith.index_cast %mul3A_219 : i32 to index
        %swap3A_259 = tpu.vector_load %arg22[%swap3A_258] {strides = array<i32>} : memref<2496xi32, #tpu.memory_space<vmem>>, vector<16xi32>,
        %swap3A_260 = vector.shape_cast %swap3A_259 : vector<16xi32> to vector<16xi32>
        %swap3A_261 = vector.shape_cast %add3A_257 : vector<16xi32> to vector<16xi32>
        tpu.vector_store %arg22[%swap3A_258], %swap3A_261 {strides = array<i32>} : memref<2496xi32, #tpu.memory_space<vmem>>, vector<16xi32>,
        %scan3A_262 = arith.constant 0 : i32
        %scan3A_263 = arith.constant 2 : i32
        %scan3A_264 = arith.addi %scan3A_173, %scan3A_263 : i32
        %mul3A_265 = arith.constant 16 : i32
        %mul3A_266 = arith.muli %scan3A_264, %mul3A_265 : i32
        %iota3A_267 = tpu.iota {dimensions = array<i32: 0>} : vector<16xi32>
        %mul3A_268 = arith.constant 16 : i32
        %mul3A_269 = arith.muli %scan3A_264, %mul3A_268 : i32
        %add3A_270 = arith.addi %add3A_121, %mul3A_269 : i32
        %add3A_271 = vector.broadcast %add3A_270 : i32 to vector<16xi32>
        %add3A_272 = arith.addi %iota3A_267, %add3A_271 : vector<16xi32>
        %div3A_273 = arith.constant 100000 : i32
        %div3A_274 = vector.broadcast %div3A_273 : i32 to vector<16xi32>
        %div3A_275 = arith.divsi %add3A_272, %div3A_274 : vector<16xi32>
        %shift_left3A_276 = arith.constant 18 : i32
        %shift_left3A_277 = vector.broadcast %shift_left3A_276 : i32 to vector<16xi32>
        %shift_left3A_278 = arith.shli %div3A_275, %shift_left3A_277 : vector<16xi32>
        %get3A_279 = arith.index_cast %mul3A_266 : i32 to index
        %get3A_280 = tpu.vector_load %arg13[%get3A_279] {strides = array<i32>} : memref<2496xi32, #tpu.memory_space<vmem>>, vector<16xi32>,
        %get3A_281 = vector.shape_cast %get3A_280 : vector<16xi32> to vector<16xi32>
        %shift_left3A_282 = arith.constant 9 : i32
        %shift_left3A_283 = vector.broadcast %shift_left3A_282 : i32 to vector<16xi32>
        %shift_left3A_284 = arith.shli %get3A_281, %shift_left3A_283 : vector<16xi32>
        %add3A_285 = arith.addi %shift_left3A_278, %shift_left3A_284 : vector<16xi32>
        %get3A_286 = arith.index_cast %mul3A_266 : i32 to index
        %get3A_287 = tpu.vector_load %arg14[%get3A_286] {strides = array<i32>} : memref<2496xi32, #tpu.memory_space<vmem>>, vector<16xi32>,
        %get3A_288 = vector.shape_cast %get3A_287 : vector<16xi32> to vector<16xi32>
        %add3A_289 = arith.addi %add3A_285, %get3A_288 : vector<16xi32>
        %swap3A_290 = arith.index_cast %mul3A_266 : i32 to index
        %swap3A_291 = tpu.vector_load %arg21[%swap3A_290] {strides = array<i32>} : memref<2496xi32, #tpu.memory_space<vmem>>, vector<16xi32>,
        %swap3A_292 = vector.shape_cast %swap3A_291 : vector<16xi32> to vector<16xi32>
        %swap3A_293 = vector.shape_cast %add3A_289 : vector<16xi32> to vector<16xi32>
        tpu.vector_store %arg21[%swap3A_290], %swap3A_293 {strides = array<i32>} : memref<2496xi32, #tpu.memory_space<vmem>>, vector<16xi32>,
        %get3A_294 = arith.index_cast %mul3A_266 : i32 to index
        %get3A_295 = tpu.vector_load %arg15[%get3A_294] {strides = array<i32>} : memref<2496xi32, #tpu.memory_space<vmem>>, vector<16xi32>,
        %get3A_296 = vector.shape_cast %get3A_295 : vector<16xi32> to vector<16xi32>
        %shift_left3A_297 = arith.constant 9 : i32
        %shift_left3A_298 = vector.broadcast %shift_left3A_297 : i32 to vector<16xi32>
        %shift_left3A_299 = arith.shli %get3A_296, %shift_left3A_298 : vector<16xi32>
        %add3A_300 = arith.addi %shift_left3A_278, %shift_left3A_299 : vector<16xi32>
        %get3A_301 = arith.index_cast %mul3A_266 : i32 to index
        %get3A_302 = tpu.vector_load %arg16[%get3A_301] {strides = array<i32>} : memref<2496xi32, #tpu.memory_space<vmem>>, vector<16xi32>,
        %get3A_303 = vector.shape_cast %get3A_302 : vector<16xi32> to vector<16xi32>
        %add3A_304 = arith.addi %add3A_300, %get3A_303 : vector<16xi32>
        %swap3A_305 = arith.index_cast %mul3A_266 : i32 to index
        %swap3A_306 = tpu.vector_load %arg22[%swap3A_305] {strides = array<i32>} : memref<2496xi32, #tpu.memory_space<vmem>>, vector<16xi32>,
        %swap3A_307 = vector.shape_cast %swap3A_306 : vector<16xi32> to vector<16xi32>
        %swap3A_308 = vector.shape_cast %add3A_304 : vector<16xi32> to vector<16xi32>
        tpu.vector_store %arg22[%swap3A_305], %swap3A_308 {strides = array<i32>} : memref<2496xi32, #tpu.memory_space<vmem>>, vector<16xi32>,
        %scan3A_309 = arith.constant 0 : i32
        %scan3A_310 = arith.constant 3 : i32
        %scan3A_311 = arith.addi %scan3A_173, %scan3A_310 : i32
        %mul3A_312 = arith.constant 16 : i32
        %mul3A_313 = arith.muli %scan3A_311, %mul3A_312 : i32
        %iota3A_314 = tpu.iota {dimensions = array<i32: 0>} : vector<16xi32>
        %mul3A_315 = arith.constant 16 : i32
        %mul3A_316 = arith.muli %scan3A_311, %mul3A_315 : i32
        %add3A_317 = arith.addi %add3A_121, %mul3A_316 : i32
        %add3A_318 = vector.broadcast %add3A_317 : i32 to vector<16xi32>
        %add3A_319 = arith.addi %iota3A_314, %add3A_318 : vector<16xi32>
        %div3A_320 = arith.constant 100000 : i32
        %div3A_321 = vector.broadcast %div3A_320 : i32 to vector<16xi32>
        %div3A_322 = arith.divsi %add3A_319, %div3A_321 : vector<16xi32>
        %shift_left3A_323 = arith.constant 18 : i32
        %shift_left3A_324 = vector.broadcast %shift_left3A_323 : i32 to vector<16xi32>
        %shift_left3A_325 = arith.shli %div3A_322, %shift_left3A_324 : vector<16xi32>
        %get3A_326 = arith.index_cast %mul3A_313 : i32 to index
        %get3A_327 = tpu.vector_load %arg13[%get3A_326] {strides = array<i32>} : memref<2496xi32, #tpu.memory_space<vmem>>, vector<16xi32>,
        %get3A_328 = vector.shape_cast %get3A_327 : vector<16xi32> to vector<16xi32>
        %shift_left3A_329 = arith.constant 9 : i32
        %shift_left3A_330 = vector.broadcast %shift_left3A_329 : i32 to vector<16xi32>
        %shift_left3A_331 = arith.shli %get3A_328, %shift_left3A_330 : vector<16xi32>
        %add3A_332 = arith.addi %shift_left3A_325, %shift_left3A_331 : vector<16xi32>
        %get3A_333 = arith.index_cast %mul3A_313 : i32 to index
        %get3A_334 = tpu.vector_load %arg14[%get3A_333] {strides = array<i32>} : memref<2496xi32, #tpu.memory_space<vmem>>, vector<16xi32>,
        %get3A_335 = vector.shape_cast %get3A_334 : vector<16xi32> to vector<16xi32>
        %add3A_336 = arith.addi %add3A_332, %get3A_335 : vector<16xi32>
        %swap3A_337 = arith.index_cast %mul3A_313 : i32 to index
        %swap3A_338 = tpu.vector_load %arg21[%swap3A_337] {strides = array<i32>} : memref<2496xi32, #tpu.memory_space<vmem>>, vector<16xi32>,
        %swap3A_339 = vector.shape_cast %swap3A_338 : vector<16xi32> to vector<16xi32>
        %swap3A_340 = vector.shape_cast %add3A_336 : vector<16xi32> to vector<16xi32>
        tpu.vector_store %arg21[%swap3A_337], %swap3A_340 {strides = array<i32>} : memref<2496xi32, #tpu.memory_space<vmem>>, vector<16xi32>,
        %get3A_341 = arith.index_cast %mul3A_313 : i32 to index
        %get3A_342 = tpu.vector_load %arg15[%get3A_341] {strides = array<i32>} : memref<2496xi32, #tpu.memory_space<vmem>>, vector<16xi32>,
        %get3A_343 = vector.shape_cast %get3A_342 : vector<16xi32> to vector<16xi32>
        %shift_left3A_344 = arith.constant 9 : i32
        %shift_left3A_345 = vector.broadcast %shift_left3A_344 : i32 to vector<16xi32>
        %shift_left3A_346 = arith.shli %get3A_343, %shift_left3A_345 : vector<16xi32>
        %add3A_347 = arith.addi %shift_left3A_325, %shift_left3A_346 : vector<16xi32>
        %get3A_348 = arith.index_cast %mul3A_313 : i32 to index
        %get3A_349 = tpu.vector_load %arg16[%get3A_348] {strides = array<i32>} : memref<2496xi32, #tpu.memory_space<vmem>>, vector<16xi32>,
        %get3A_350 = vector.shape_cast %get3A_349 : vector<16xi32> to vector<16xi32>
        %add3A_351 = arith.addi %add3A_347, %get3A_350 : vector<16xi32>
        %swap3A_352 = arith.index_cast %mul3A_313 : i32 to index
        %swap3A_353 = tpu.vector_load %arg22[%swap3A_352] {strides = array<i32>} : memref<2496xi32, #tpu.memory_space<vmem>>, vector<16xi32>,
        %swap3A_354 = vector.shape_cast %swap3A_353 : vector<16xi32> to vector<16xi32>
        %swap3A_355 = vector.shape_cast %add3A_351 : vector<16xi32> to vector<16xi32>
        tpu.vector_store %arg22[%swap3A_352], %swap3A_355 {strides = array<i32>} : memref<2496xi32, #tpu.memory_space<vmem>>, vector<16xi32>,
        %scan3A_356 = arith.constant 0 : i32
        scf.yield %scan3A_356 : i32
      }
      %scan3A_128 = arith.constant 156 : i32
      %dma_start3A_129 = arith.constant 0 : i32
      %dma_start3A_130 = tpu.memref_slice %arg2[%dma_start3A_129] : memref<2097152xf32, #tpu.memory_space<hbm>> -> memref<2097152xf32, #tpu.memory_space<hbm>>
      tpu.enqueue_indirect_dma source(%dma_start3A_130 : memref<2097152xf32, #tpu.memory_space<hbm>>) target(%arg25 : memref<2496xf32, #tpu.memory_space<vmem>>) offsets(%arg21 : memref<2496xi32, #tpu.memory_space<vmem>>) semaphore(%arg42 : memref<!tpu.dma_semaphore, #tpu.memory_space<semaphore_mem>>)
      %dma_start3A_131 = arith.constant 0 : i32
      %dma_start3A_132 = tpu.memref_slice %arg2[%dma_start3A_131] : memref<2097152xf32, #tpu.memory_space<hbm>> -> memref<2097152xf32, #tpu.memory_space<hbm>>
      tpu.enqueue_indirect_dma source(%dma_start3A_132 : memref<2097152xf32, #tpu.memory_space<hbm>>) target(%arg26 : memref<2496xf32, #tpu.memory_space<vmem>>) offsets(%arg22 : memref<2496xi32, #tpu.memory_space<vmem>>) semaphore(%arg45 : memref<!tpu.dma_semaphore, #tpu.memory_space<semaphore_mem>>)
      %add3A_133 = arith.constant 1 : i32
      %add3A_134 = arith.addi %mul3A_97, %add3A_133 : i32
      %mul3A_135 = arith.constant 2496 : i32
      %mul3A_136 = arith.muli %add3A_134, %mul3A_135 : i32
      %add3A_137 = arith.addi %mul3A_2, %mul3A_136 : i32
      %dma_start3A_138 = tpu.memref_slice %arg7[%add3A_137] : memref<800000xf32, #tpu.memory_space<hbm>> -> memref<2496xf32, #tpu.memory_space<hbm>>
      %dma_start3A_139 = tpu.memref_slice %arg7[%add3A_137] : memref<800000xf32, #tpu.memory_space<hbm>> -> memref<2496xf32, #tpu.memory_space<hbm>>
      tpu.enqueue_dma source(%dma_start3A_139 : memref<2496xf32, #tpu.memory_space<hbm>>) target(%arg18 : memref<2496xf32, #tpu.memory_space<vmem>>) target_semaphore(%arg40 : memref<!tpu.dma_semaphore, #tpu.memory_space<semaphore_mem>>)
      %dma_wait3A_140 = arith.constant 0 : i32
      %dma_wait3A_141 = tpu.memref_slice %arg2[%dma_wait3A_140] : memref<2097152xf32, #tpu.memory_space<hbm>> -> memref<2097152xf32, #tpu.memory_space<hbm>>
      tpu.wait_indirect_dma semaphore(%arg41 : memref<!tpu.dma_semaphore, #tpu.memory_space<semaphore_mem>>) src(%dma_wait3A_141 : memref<2097152xf32, #tpu.memory_space<hbm>>) dst(%arg23 : memref<2496xf32, #tpu.memory_space<vmem>>)
      %dma_wait3A_142 = arith.constant 0 : i32
      %dma_wait3A_143 = tpu.memref_slice %arg2[%dma_wait3A_142] : memref<2097152xf32, #tpu.memory_space<hbm>> -> memref<2097152xf32, #tpu.memory_space<hbm>>
      tpu.wait_indirect_dma semaphore(%arg44 : memref<!tpu.dma_semaphore, #tpu.memory_space<semaphore_mem>>) src(%dma_wait3A_143 : memref<2097152xf32, #tpu.memory_space<hbm>>) dst(%arg24 : memref<2496xf32, #tpu.memory_space<vmem>>)
      %dma_wait3A_144 = arith.constant 0 : i32
      %dma_wait3A_145 = tpu.memref_slice %arg7[%dma_wait3A_144] : memref<800000xf32, #tpu.memory_space<hbm>> -> memref<2496xf32, #tpu.memory_space<hbm>>
      %dma_wait3A_146 = arith.constant 0 : i32
      %dma_wait3A_147 = tpu.memref_slice %arg7[%dma_wait3A_146] : memref<800000xf32, #tpu.memory_space<hbm>> -> memref<2496xf32, #tpu.memory_space<hbm>>
      tpu.wait_dma2 semaphore(%arg39 : memref<!tpu.dma_semaphore, #tpu.memory_space<semaphore_mem>>) src(%dma_wait3A_147 : memref<2496xf32, #tpu.memory_space<hbm>>) dst(%arg17 : memref<2496xf32, #tpu.memory_space<vmem>>)
      %scan3A_148 = arith.constant 0 : i32
      %scan3A_149 = arith.constant 156 : i32
      %scan3A_150 = arith.addi %scan3A_148, %scan3A_149 : i32
      %scan3A_151 = arith.constant 4 : i32
      %scan3A_152 = scf.for %scan3A_173 = %scan3A_148 to %scan3A_150 step %scan3A_151 iter_args(%scan3A_174 = %scan3A_95) -> (vector<16xf32>)  : i32 {
        %mul3A_175 = arith.constant 16 : i32
        %mul3A_176 = arith.muli %scan3A_173, %mul3A_175 : i32
        %get3A = arith.index_cast %mul3A_176 : i32 to index
        %get3A_177 = tpu.vector_load %arg23[%get3A] {strides = array<i32>} : memref<2496xf32, #tpu.memory_space<vmem>>, vector<16xf32>,
        %get3A_178 = vector.shape_cast %get3A_177 : vector<16xf32> to vector<16xf32>
        %get3A_179 = arith.index_cast %mul3A_176 : i32 to index
        %get3A_180 = tpu.vector_load %arg24[%get3A_179] {strides = array<i32>} : memref<2496xf32, #tpu.memory_space<vmem>>, vector<16xf32>,
        %get3A_181 = vector.shape_cast %get3A_180 : vector<16xf32> to vector<16xf32>
        %get3A_182 = arith.index_cast %mul3A_176 : i32 to index
        %get3A_183 = tpu.vector_load %arg17[%get3A_182] {strides = array<i32>} : memref<2496xf32, #tpu.memory_space<vmem>>, vector<16xf32>,
        %get3A_184 = vector.shape_cast %get3A_183 : vector<16xf32> to vector<16xf32>
        %sub3A_185 = arith.subf %get3A_178, %get3A_181 : vector<16xf32>
        %mul3A_186 = arith.mulf %get3A_184, %get3A_184 : vector<16xf32>
        %mul3A_187 = arith.mulf %sub3A_185, %get3A_184 : vector<16xf32>
        %neg3A = arith.constant 0.000000e+00 : f32
        %neg3A_188 = vector.broadcast %neg3A : f32 to vector<16xf32>
        %neg3A_189 = arith.subf %neg3A_188, %mul3A_187 : vector<16xf32>
        %abs3A = math.absf %neg3A_189 : vector<16xf32>
        %neg3A_190 = arith.constant 0.000000e+00 : f32
        %neg3A_191 = vector.broadcast %neg3A_190 : f32 to vector<16xf32>
        %neg3A_192 = arith.subf %neg3A_191, %abs3A : vector<16xf32>
        %exp3A = math.exp %neg3A_192 : vector<16xf32>
        %add3A_193 = arith.constant 2.000000e+00 : f32
        %add3A_194 = vector.broadcast %add3A_193 : f32 to vector<16xf32>
        %add3A_195 = arith.addf %add3A_194, %exp3A : vector<16xf32>
        %div3A = arith.divf %exp3A, %add3A_195 : vector<16xf32>
        %mul3A_196 = arith.mulf %div3A, %div3A : vector<16xf32>
        %mul3A_197 = arith.constant 0.142857149 : f32
        %mul3A_198 = vector.broadcast %mul3A_197 : f32 to vector<16xf32>
        %mul3A_199 = arith.mulf %mul3A_196, %mul3A_198 : vector<16xf32>
        %add3A_200 = arith.constant 2.000000e-01 : f32
        %add3A_201 = vector.broadcast %add3A_200 : f32 to vector<16xf32>
        %add3A_202 = arith.addf %mul3A_199, %add3A_201 : vector<16xf32>
        %mul3A_203 = arith.mulf %mul3A_196, %add3A_202 : vector<16xf32>
        %add3A_204 = arith.constant 0.333333343 : f32
        %add3A_205 = vector.broadcast %add3A_204 : f32 to vector<16xf32>
        %add3A_206 = arith.addf %mul3A_203, %add3A_205 : vector<16xf32>
        %mul3A_207 = arith.mulf %mul3A_196, %add3A_206 : vector<16xf32>
        %add3A_208 = arith.constant 1.000000e+00 : f32
        %add3A_209 = vector.broadcast %add3A_208 : f32 to vector<16xf32>
        %add3A_210 = arith.addf %mul3A_207, %add3A_209 : vector<16xf32>
        %mul3A_211 = arith.constant 2.000000e+00 : f32
        %mul3A_212 = vector.broadcast %mul3A_211 : f32 to vector<16xf32>
        %mul3A_213 = arith.mulf %mul3A_212, %div3A : vector<16xf32>
        %mul3A_214 = arith.mulf %mul3A_213, %add3A_210 : vector<16xf32>
        %max3A_215 = arith.constant 0.000000e+00 : f32
        %max3A_216 = vector.broadcast %max3A_215 : f32 to vector<16xf32>
        %max3A_217 = arith.maximumf %neg3A_189, %max3A_216 : vector<16xf32>
        %add3A_218 = arith.addf %max3A_217, %mul3A_214 : vector<16xf32>
        %mul3A_219 = arith.mulf %mul3A_186, %add3A_218 : vector<16xf32>
        %sub3A_220 = arith.constant 1.000000e+00 : f32
        %sub3A_221 = vector.broadcast %sub3A_220 : f32 to vector<16xf32>
        %sub3A_222 = arith.subf %sub3A_221, %mul3A_186 : vector<16xf32>
        %mul3A_223 = arith.mulf %sub3A_185, %sub3A_185 : vector<16xf32>
        %mul3A_224 = arith.mulf %sub3A_222, %mul3A_223 : vector<16xf32>
        %add3A_225 = arith.addf %mul3A_219, %mul3A_224 : vector<16xf32>
        %add3A_226 = arith.addf %scan3A_174, %add3A_225 : vector<16xf32>
        %scan3A_227 = arith.constant 1 : i32
        %scan3A_228 = arith.addi %scan3A_173, %scan3A_227 : i32
        %mul3A_229 = arith.constant 16 : i32
        %mul3A_230 = arith.muli %scan3A_228, %mul3A_229 : i32
        %get3A_231 = arith.index_cast %mul3A_230 : i32 to index
        %get3A_232 = tpu.vector_load %arg23[%get3A_231] {strides = array<i32>} : memref<2496xf32, #tpu.memory_space<vmem>>, vector<16xf32>,
        %get3A_233 = vector.shape_cast %get3A_232 : vector<16xf32> to vector<16xf32>
        %get3A_234 = arith.index_cast %mul3A_230 : i32 to index
        %get3A_235 = tpu.vector_load %arg24[%get3A_234] {strides = array<i32>} : memref<2496xf32, #tpu.memory_space<vmem>>, vector<16xf32>,
        %get3A_236 = vector.shape_cast %get3A_235 : vector<16xf32> to vector<16xf32>
        %get3A_237 = arith.index_cast %mul3A_230 : i32 to index
        %get3A_238 = tpu.vector_load %arg17[%get3A_237] {strides = array<i32>} : memref<2496xf32, #tpu.memory_space<vmem>>, vector<16xf32>,
        %get3A_239 = vector.shape_cast %get3A_238 : vector<16xf32> to vector<16xf32>
        %sub3A_240 = arith.subf %get3A_233, %get3A_236 : vector<16xf32>
        %mul3A_241 = arith.mulf %get3A_239, %get3A_239 : vector<16xf32>
        %mul3A_242 = arith.mulf %sub3A_240, %get3A_239 : vector<16xf32>
        %neg3A_243 = arith.constant 0.000000e+00 : f32
        %neg3A_244 = vector.broadcast %neg3A_243 : f32 to vector<16xf32>
        %neg3A_245 = arith.subf %neg3A_244, %mul3A_242 : vector<16xf32>
        %abs3A_246 = math.absf %neg3A_245 : vector<16xf32>
        %neg3A_247 = arith.constant 0.000000e+00 : f32
        %neg3A_248 = vector.broadcast %neg3A_247 : f32 to vector<16xf32>
        %neg3A_249 = arith.subf %neg3A_248, %abs3A_246 : vector<16xf32>
        %exp3A_250 = math.exp %neg3A_249 : vector<16xf32>
        %add3A_251 = arith.constant 2.000000e+00 : f32
        %add3A_252 = vector.broadcast %add3A_251 : f32 to vector<16xf32>
        %add3A_253 = arith.addf %add3A_252, %exp3A_250 : vector<16xf32>
        %div3A_254 = arith.divf %exp3A_250, %add3A_253 : vector<16xf32>
        %mul3A_255 = arith.mulf %div3A_254, %div3A_254 : vector<16xf32>
        %mul3A_256 = arith.constant 0.142857149 : f32
        %mul3A_257 = vector.broadcast %mul3A_256 : f32 to vector<16xf32>
        %mul3A_258 = arith.mulf %mul3A_255, %mul3A_257 : vector<16xf32>
        %add3A_259 = arith.constant 2.000000e-01 : f32
        %add3A_260 = vector.broadcast %add3A_259 : f32 to vector<16xf32>
        %add3A_261 = arith.addf %mul3A_258, %add3A_260 : vector<16xf32>
        %mul3A_262 = arith.mulf %mul3A_255, %add3A_261 : vector<16xf32>
        %add3A_263 = arith.constant 0.333333343 : f32
        %add3A_264 = vector.broadcast %add3A_263 : f32 to vector<16xf32>
        %add3A_265 = arith.addf %mul3A_262, %add3A_264 : vector<16xf32>
        %mul3A_266 = arith.mulf %mul3A_255, %add3A_265 : vector<16xf32>
        %add3A_267 = arith.constant 1.000000e+00 : f32
        %add3A_268 = vector.broadcast %add3A_267 : f32 to vector<16xf32>
        %add3A_269 = arith.addf %mul3A_266, %add3A_268 : vector<16xf32>
        %mul3A_270 = arith.constant 2.000000e+00 : f32
        %mul3A_271 = vector.broadcast %mul3A_270 : f32 to vector<16xf32>
        %mul3A_272 = arith.mulf %mul3A_271, %div3A_254 : vector<16xf32>
        %mul3A_273 = arith.mulf %mul3A_272, %add3A_269 : vector<16xf32>
        %max3A_274 = arith.constant 0.000000e+00 : f32
        %max3A_275 = vector.broadcast %max3A_274 : f32 to vector<16xf32>
        %max3A_276 = arith.maximumf %neg3A_245, %max3A_275 : vector<16xf32>
        %add3A_277 = arith.addf %max3A_276, %mul3A_273 : vector<16xf32>
        %mul3A_278 = arith.mulf %mul3A_241, %add3A_277 : vector<16xf32>
        %sub3A_279 = arith.constant 1.000000e+00 : f32
        %sub3A_280 = vector.broadcast %sub3A_279 : f32 to vector<16xf32>
        %sub3A_281 = arith.subf %sub3A_280, %mul3A_241 : vector<16xf32>
        %mul3A_282 = arith.mulf %sub3A_240, %sub3A_240 : vector<16xf32>
        %mul3A_283 = arith.mulf %sub3A_281, %mul3A_282 : vector<16xf32>
        %add3A_284 = arith.addf %mul3A_278, %mul3A_283 : vector<16xf32>
        %add3A_285 = arith.addf %add3A_226, %add3A_284 : vector<16xf32>
        %scan3A_286 = arith.constant 2 : i32
        %scan3A_287 = arith.addi %scan3A_173, %scan3A_286 : i32
        %mul3A_288 = arith.constant 16 : i32
        %mul3A_289 = arith.muli %scan3A_287, %mul3A_288 : i32
        %get3A_290 = arith.index_cast %mul3A_289 : i32 to index
        %get3A_291 = tpu.vector_load %arg23[%get3A_290] {strides = array<i32>} : memref<2496xf32, #tpu.memory_space<vmem>>, vector<16xf32>,
        %get3A_292 = vector.shape_cast %get3A_291 : vector<16xf32> to vector<16xf32>
        %get3A_293 = arith.index_cast %mul3A_289 : i32 to index
        %get3A_294 = tpu.vector_load %arg24[%get3A_293] {strides = array<i32>} : memref<2496xf32, #tpu.memory_space<vmem>>, vector<16xf32>,
        %get3A_295 = vector.shape_cast %get3A_294 : vector<16xf32> to vector<16xf32>
        %get3A_296 = arith.index_cast %mul3A_289 : i32 to index
        %get3A_297 = tpu.vector_load %arg17[%get3A_296] {strides = array<i32>} : memref<2496xf32, #tpu.memory_space<vmem>>, vector<16xf32>,
        %get3A_298 = vector.shape_cast %get3A_297 : vector<16xf32> to vector<16xf32>
        %sub3A_299 = arith.subf %get3A_292, %get3A_295 : vector<16xf32>
        %mul3A_300 = arith.mulf %get3A_298, %get3A_298 : vector<16xf32>
        %mul3A_301 = arith.mulf %sub3A_299, %get3A_298 : vector<16xf32>
        %neg3A_302 = arith.constant 0.000000e+00 : f32
        %neg3A_303 = vector.broadcast %neg3A_302 : f32 to vector<16xf32>
        %neg3A_304 = arith.subf %neg3A_303, %mul3A_301 : vector<16xf32>
        %abs3A_305 = math.absf %neg3A_304 : vector<16xf32>
        %neg3A_306 = arith.constant 0.000000e+00 : f32
        %neg3A_307 = vector.broadcast %neg3A_306 : f32 to vector<16xf32>
        %neg3A_308 = arith.subf %neg3A_307, %abs3A_305 : vector<16xf32>
        %exp3A_309 = math.exp %neg3A_308 : vector<16xf32>
        %add3A_310 = arith.constant 2.000000e+00 : f32
        %add3A_311 = vector.broadcast %add3A_310 : f32 to vector<16xf32>
        %add3A_312 = arith.addf %add3A_311, %exp3A_309 : vector<16xf32>
        %div3A_313 = arith.divf %exp3A_309, %add3A_312 : vector<16xf32>
        %mul3A_314 = arith.mulf %div3A_313, %div3A_313 : vector<16xf32>
        %mul3A_315 = arith.constant 0.142857149 : f32
        %mul3A_316 = vector.broadcast %mul3A_315 : f32 to vector<16xf32>
        %mul3A_317 = arith.mulf %mul3A_314, %mul3A_316 : vector<16xf32>
        %add3A_318 = arith.constant 2.000000e-01 : f32
        %add3A_319 = vector.broadcast %add3A_318 : f32 to vector<16xf32>
        %add3A_320 = arith.addf %mul3A_317, %add3A_319 : vector<16xf32>
        %mul3A_321 = arith.mulf %mul3A_314, %add3A_320 : vector<16xf32>
        %add3A_322 = arith.constant 0.333333343 : f32
        %add3A_323 = vector.broadcast %add3A_322 : f32 to vector<16xf32>
        %add3A_324 = arith.addf %mul3A_321, %add3A_323 : vector<16xf32>
        %mul3A_325 = arith.mulf %mul3A_314, %add3A_324 : vector<16xf32>
        %add3A_326 = arith.constant 1.000000e+00 : f32
        %add3A_327 = vector.broadcast %add3A_326 : f32 to vector<16xf32>
        %add3A_328 = arith.addf %mul3A_325, %add3A_327 : vector<16xf32>
        %mul3A_329 = arith.constant 2.000000e+00 : f32
        %mul3A_330 = vector.broadcast %mul3A_329 : f32 to vector<16xf32>
        %mul3A_331 = arith.mulf %mul3A_330, %div3A_313 : vector<16xf32>
        %mul3A_332 = arith.mulf %mul3A_331, %add3A_328 : vector<16xf32>
        %max3A_333 = arith.constant 0.000000e+00 : f32
        %max3A_334 = vector.broadcast %max3A_333 : f32 to vector<16xf32>
        %max3A_335 = arith.maximumf %neg3A_304, %max3A_334 : vector<16xf32>
        %add3A_336 = arith.addf %max3A_335, %mul3A_332 : vector<16xf32>
        %mul3A_337 = arith.mulf %mul3A_300, %add3A_336 : vector<16xf32>
        %sub3A_338 = arith.constant 1.000000e+00 : f32
        %sub3A_339 = vector.broadcast %sub3A_338 : f32 to vector<16xf32>
        %sub3A_340 = arith.subf %sub3A_339, %mul3A_300 : vector<16xf32>
        %mul3A_341 = arith.mulf %sub3A_299, %sub3A_299 : vector<16xf32>
        %mul3A_342 = arith.mulf %sub3A_340, %mul3A_341 : vector<16xf32>
        %add3A_343 = arith.addf %mul3A_337, %mul3A_342 : vector<16xf32>
        %add3A_344 = arith.addf %add3A_285, %add3A_343 : vector<16xf32>
        %scan3A_345 = arith.constant 3 : i32
        %scan3A_346 = arith.addi %scan3A_173, %scan3A_345 : i32
        %mul3A_347 = arith.constant 16 : i32
        %mul3A_348 = arith.muli %scan3A_346, %mul3A_347 : i32
        %get3A_349 = arith.index_cast %mul3A_348 : i32 to index
        %get3A_350 = tpu.vector_load %arg23[%get3A_349] {strides = array<i32>} : memref<2496xf32, #tpu.memory_space<vmem>>, vector<16xf32>,
        %get3A_351 = vector.shape_cast %get3A_350 : vector<16xf32> to vector<16xf32>
        %get3A_352 = arith.index_cast %mul3A_348 : i32 to index
        %get3A_353 = tpu.vector_load %arg24[%get3A_352] {strides = array<i32>} : memref<2496xf32, #tpu.memory_space<vmem>>, vector<16xf32>,
        %get3A_354 = vector.shape_cast %get3A_353 : vector<16xf32> to vector<16xf32>
        %get3A_355 = arith.index_cast %mul3A_348 : i32 to index
        %get3A_356 = tpu.vector_load %arg17[%get3A_355] {strides = array<i32>} : memref<2496xf32, #tpu.memory_space<vmem>>, vector<16xf32>,
        %get3A_357 = vector.shape_cast %get3A_356 : vector<16xf32> to vector<16xf32>
        %sub3A_358 = arith.subf %get3A_351, %get3A_354 : vector<16xf32>
        %mul3A_359 = arith.mulf %get3A_357, %get3A_357 : vector<16xf32>
        %mul3A_360 = arith.mulf %sub3A_358, %get3A_357 : vector<16xf32>
        %neg3A_361 = arith.constant 0.000000e+00 : f32
        %neg3A_362 = vector.broadcast %neg3A_361 : f32 to vector<16xf32>
        %neg3A_363 = arith.subf %neg3A_362, %mul3A_360 : vector<16xf32>
        %abs3A_364 = math.absf %neg3A_363 : vector<16xf32>
        %neg3A_365 = arith.constant 0.000000e+00 : f32
        %neg3A_366 = vector.broadcast %neg3A_365 : f32 to vector<16xf32>
        %neg3A_367 = arith.subf %neg3A_366, %abs3A_364 : vector<16xf32>
        %exp3A_368 = math.exp %neg3A_367 : vector<16xf32>
        %add3A_369 = arith.constant 2.000000e+00 : f32
        %add3A_370 = vector.broadcast %add3A_369 : f32 to vector<16xf32>
        %add3A_371 = arith.addf %add3A_370, %exp3A_368 : vector<16xf32>
        %div3A_372 = arith.divf %exp3A_368, %add3A_371 : vector<16xf32>
        %mul3A_373 = arith.mulf %div3A_372, %div3A_372 : vector<16xf32>
        %mul3A_374 = arith.constant 0.142857149 : f32
        %mul3A_375 = vector.broadcast %mul3A_374 : f32 to vector<16xf32>
        %mul3A_376 = arith.mulf %mul3A_373, %mul3A_375 : vector<16xf32>
        %add3A_377 = arith.constant 2.000000e-01 : f32
        %add3A_378 = vector.broadcast %add3A_377 : f32 to vector<16xf32>
        %add3A_379 = arith.addf %mul3A_376, %add3A_378 : vector<16xf32>
        %mul3A_380 = arith.mulf %mul3A_373, %add3A_379 : vector<16xf32>
        %add3A_381 = arith.constant 0.333333343 : f32
        %add3A_382 = vector.broadcast %add3A_381 : f32 to vector<16xf32>
        %add3A_383 = arith.addf %mul3A_380, %add3A_382 : vector<16xf32>
        %mul3A_384 = arith.mulf %mul3A_373, %add3A_383 : vector<16xf32>
        %add3A_385 = arith.constant 1.000000e+00 : f32
        %add3A_386 = vector.broadcast %add3A_385 : f32 to vector<16xf32>
        %add3A_387 = arith.addf %mul3A_384, %add3A_386 : vector<16xf32>
        %mul3A_388 = arith.constant 2.000000e+00 : f32
        %mul3A_389 = vector.broadcast %mul3A_388 : f32 to vector<16xf32>
        %mul3A_390 = arith.mulf %mul3A_389, %div3A_372 : vector<16xf32>
        %mul3A_391 = arith.mulf %mul3A_390, %add3A_387 : vector<16xf32>
        %max3A_392 = arith.constant 0.000000e+00 : f32
        %max3A_393 = vector.broadcast %max3A_392 : f32 to vector<16xf32>
        %max3A_394 = arith.maximumf %neg3A_363, %max3A_393 : vector<16xf32>
        %add3A_395 = arith.addf %max3A_394, %mul3A_391 : vector<16xf32>
        %mul3A_396 = arith.mulf %mul3A_359, %add3A_395 : vector<16xf32>
        %sub3A_397 = arith.constant 1.000000e+00 : f32
        %sub3A_398 = vector.broadcast %sub3A_397 : f32 to vector<16xf32>
        %sub3A_399 = arith.subf %sub3A_398, %mul3A_359 : vector<16xf32>
        %mul3A_400 = arith.mulf %sub3A_358, %sub3A_358 : vector<16xf32>
        %mul3A_401 = arith.mulf %sub3A_399, %mul3A_400 : vector<16xf32>
        %add3A_402 = arith.addf %mul3A_396, %mul3A_401 : vector<16xf32>
        %add3A_403 = arith.addf %add3A_344, %add3A_402 : vector<16xf32>
        scf.yield %add3A_403 : vector<16xf32>
      }
      %scan3A_153 = arith.constant 156 : i32
      %le3A_154 = arith.constant 3 : i32
      %le3A_155 = arith.cmpi sle, %scan3A_94, %le3A_154 : i32
      %convert_element_type3A_156 = arith.extui %le3A_155 : i1 to i32
      %cond3A_157 = arith.constant 0 : i32
      %cond3A_158 = arith.cmpi ne, %convert_element_type3A_156, %cond3A_157 : i32
      scf.if %cond3A_158 {
        %add3A_173 = arith.constant 3 : i32
        %add3A_174 = arith.addi %mul3A_97, %add3A_173 : i32
        %mul3A_175 = arith.constant 2496 : i32
        %mul3A_176 = arith.muli %add3A_174, %mul3A_175 : i32
        %add3A_177 = arith.addi %mul3A_2, %mul3A_176 : i32
        %dma_start3A_178 = tpu.memref_slice %arg3[%add3A_177] : memref<800000xi32, #tpu.memory_space<hbm>> -> memref<2496xi32, #tpu.memory_space<hbm>>
        %dma_start3A_179 = tpu.memref_slice %arg3[%add3A_177] : memref<800000xi32, #tpu.memory_space<hbm>> -> memref<2496xi32, #tpu.memory_space<hbm>>
        tpu.enqueue_dma source(%dma_start3A_179 : memref<2496xi32, #tpu.memory_space<hbm>>) target(%arg13 : memref<2496xi32, #tpu.memory_space<vmem>>) target_semaphore(%arg38 : memref<!tpu.dma_semaphore, #tpu.memory_space<semaphore_mem>>)
        %dma_start3A_180 = tpu.memref_slice %arg4[%add3A_177] : memref<800000xi32, #tpu.memory_space<hbm>> -> memref<2496xi32, #tpu.memory_space<hbm>>
        %dma_start3A_181 = tpu.memref_slice %arg4[%add3A_177] : memref<800000xi32, #tpu.memory_space<hbm>> -> memref<2496xi32, #tpu.memory_space<hbm>>
        tpu.enqueue_dma source(%dma_start3A_181 : memref<2496xi32, #tpu.memory_space<hbm>>) target(%arg14 : memref<2496xi32, #tpu.memory_space<vmem>>) target_semaphore(%arg38 : memref<!tpu.dma_semaphore, #tpu.memory_space<semaphore_mem>>)
        %dma_start3A_182 = tpu.memref_slice %arg5[%add3A_177] : memref<800000xi32, #tpu.memory_space<hbm>> -> memref<2496xi32, #tpu.memory_space<hbm>>
        %dma_start3A_183 = tpu.memref_slice %arg5[%add3A_177] : memref<800000xi32, #tpu.memory_space<hbm>> -> memref<2496xi32, #tpu.memory_space<hbm>>
        tpu.enqueue_dma source(%dma_start3A_183 : memref<2496xi32, #tpu.memory_space<hbm>>) target(%arg15 : memref<2496xi32, #tpu.memory_space<vmem>>) target_semaphore(%arg38 : memref<!tpu.dma_semaphore, #tpu.memory_space<semaphore_mem>>)
        %dma_start3A_184 = tpu.memref_slice %arg6[%add3A_177] : memref<800000xi32, #tpu.memory_space<hbm>> -> memref<2496xi32, #tpu.memory_space<hbm>>
        %dma_start3A_185 = tpu.memref_slice %arg6[%add3A_177] : memref<800000xi32, #tpu.memory_space<hbm>> -> memref<2496xi32, #tpu.memory_space<hbm>>
        tpu.enqueue_dma source(%dma_start3A_185 : memref<2496xi32, #tpu.memory_space<hbm>>) target(%arg16 : memref<2496xi32, #tpu.memory_space<vmem>>) target_semaphore(%arg38 : memref<!tpu.dma_semaphore, #tpu.memory_space<semaphore_mem>>)
        %dma_wait3A_186 = arith.constant 0 : i32
        %dma_wait3A_187 = tpu.memref_slice %arg3[%dma_wait3A_186] : memref<800000xi32, #tpu.memory_space<hbm>> -> memref<2496xi32, #tpu.memory_space<hbm>>
        %dma_wait3A_188 = arith.constant 0 : i32
        %dma_wait3A_189 = tpu.memref_slice %arg3[%dma_wait3A_188] : memref<800000xi32, #tpu.memory_space<hbm>> -> memref<2496xi32, #tpu.memory_space<hbm>>
        tpu.wait_dma2 semaphore(%arg37 : memref<!tpu.dma_semaphore, #tpu.memory_space<semaphore_mem>>) src(%dma_wait3A_189 : memref<2496xi32, #tpu.memory_space<hbm>>) dst(%arg9 : memref<2496xi32, #tpu.memory_space<vmem>>)
        %dma_wait3A_190 = arith.constant 0 : i32
        %dma_wait3A_191 = tpu.memref_slice %arg4[%dma_wait3A_190] : memref<800000xi32, #tpu.memory_space<hbm>> -> memref<2496xi32, #tpu.memory_space<hbm>>
        %dma_wait3A_192 = arith.constant 0 : i32
        %dma_wait3A_193 = tpu.memref_slice %arg4[%dma_wait3A_192] : memref<800000xi32, #tpu.memory_space<hbm>> -> memref<2496xi32, #tpu.memory_space<hbm>>
        tpu.wait_dma2 semaphore(%arg37 : memref<!tpu.dma_semaphore, #tpu.memory_space<semaphore_mem>>) src(%dma_wait3A_193 : memref<2496xi32, #tpu.memory_space<hbm>>) dst(%arg10 : memref<2496xi32, #tpu.memory_space<vmem>>)
        %dma_wait3A_194 = arith.constant 0 : i32
        %dma_wait3A_195 = tpu.memref_slice %arg5[%dma_wait3A_194] : memref<800000xi32, #tpu.memory_space<hbm>> -> memref<2496xi32, #tpu.memory_space<hbm>>
        %dma_wait3A_196 = arith.constant 0 : i32
        %dma_wait3A_197 = tpu.memref_slice %arg5[%dma_wait3A_196] : memref<800000xi32, #tpu.memory_space<hbm>> -> memref<2496xi32, #tpu.memory_space<hbm>>
        tpu.wait_dma2 semaphore(%arg37 : memref<!tpu.dma_semaphore, #tpu.memory_space<semaphore_mem>>) src(%dma_wait3A_197 : memref<2496xi32, #tpu.memory_space<hbm>>) dst(%arg11 : memref<2496xi32, #tpu.memory_space<vmem>>)
        %dma_wait3A_198 = arith.constant 0 : i32
        %dma_wait3A_199 = tpu.memref_slice %arg6[%dma_wait3A_198] : memref<800000xi32, #tpu.memory_space<hbm>> -> memref<2496xi32, #tpu.memory_space<hbm>>
        %dma_wait3A_200 = arith.constant 0 : i32
        %dma_wait3A_201 = tpu.memref_slice %arg6[%dma_wait3A_200] : memref<800000xi32, #tpu.memory_space<hbm>> -> memref<2496xi32, #tpu.memory_space<hbm>>
        tpu.wait_dma2 semaphore(%arg37 : memref<!tpu.dma_semaphore, #tpu.memory_space<semaphore_mem>>) src(%dma_wait3A_201 : memref<2496xi32, #tpu.memory_space<hbm>>) dst(%arg12 : memref<2496xi32, #tpu.memory_space<vmem>>)
        %add3A_202 = arith.constant 2 : i32
        %add3A_203 = arith.addi %mul3A_97, %add3A_202 : i32
        %mul3A_204 = arith.constant 2496 : i32
        %mul3A_205 = arith.muli %add3A_203, %mul3A_204 : i32
        %add3A_206 = arith.addi %mul3A_2, %mul3A_205 : i32
        %scan3A_207 = arith.constant 0 : i32
        %scan3A_208 = arith.constant 0 : i32
        %scan3A_209 = arith.constant 156 : i32
        %scan3A_210 = arith.addi %scan3A_208, %scan3A_209 : i32
        %scan3A_211 = arith.constant 4 : i32
        %scan3A_212 = scf.for %scan3A_225 = %scan3A_208 to %scan3A_210 step %scan3A_211 iter_args(%scan3A_226 = %scan3A_207) -> (i32)  : i32 {
          %mul3A_227 = arith.constant 16 : i32
          %mul3A_228 = arith.muli %scan3A_225, %mul3A_227 : i32
          %iota3A = tpu.iota {dimensions = array<i32: 0>} : vector<16xi32>
          %mul3A_229 = arith.constant 16 : i32
          %mul3A_230 = arith.muli %scan3A_225, %mul3A_229 : i32
          %add3A_231 = arith.addi %add3A_206, %mul3A_230 : i32
          %add3A_232 = vector.broadcast %add3A_231 : i32 to vector<16xi32>
          %add3A_233 = arith.addi %iota3A, %add3A_232 : vector<16xi32>
          %div3A = arith.constant 100000 : i32
          %div3A_234 = vector.broadcast %div3A : i32 to vector<16xi32>
          %div3A_235 = arith.divsi %add3A_233, %div3A_234 : vector<16xi32>
          %shift_left3A = arith.constant 18 : i32
          %shift_left3A_236 = vector.broadcast %shift_left3A : i32 to vector<16xi32>
          %shift_left3A_237 = arith.shli %div3A_235, %shift_left3A_236 : vector<16xi32>
          %get3A = arith.index_cast %mul3A_228 : i32 to index
          %get3A_238 = tpu.vector_load %arg9[%get3A] {strides = array<i32>} : memref<2496xi32, #tpu.memory_space<vmem>>, vector<16xi32>,
          %get3A_239 = vector.shape_cast %get3A_238 : vector<16xi32> to vector<16xi32>
          %shift_left3A_240 = arith.constant 9 : i32
          %shift_left3A_241 = vector.broadcast %shift_left3A_240 : i32 to vector<16xi32>
          %shift_left3A_242 = arith.shli %get3A_239, %shift_left3A_241 : vector<16xi32>
          %add3A_243 = arith.addi %shift_left3A_237, %shift_left3A_242 : vector<16xi32>
          %get3A_244 = arith.index_cast %mul3A_228 : i32 to index
          %get3A_245 = tpu.vector_load %arg10[%get3A_244] {strides = array<i32>} : memref<2496xi32, #tpu.memory_space<vmem>>, vector<16xi32>,
          %get3A_246 = vector.shape_cast %get3A_245 : vector<16xi32> to vector<16xi32>
          %add3A_247 = arith.addi %add3A_243, %get3A_246 : vector<16xi32>
          %swap3A_248 = arith.index_cast %mul3A_228 : i32 to index
          %swap3A_249 = tpu.vector_load %arg19[%swap3A_248] {strides = array<i32>} : memref<2496xi32, #tpu.memory_space<vmem>>, vector<16xi32>,
          %swap3A_250 = vector.shape_cast %swap3A_249 : vector<16xi32> to vector<16xi32>
          %swap3A_251 = vector.shape_cast %add3A_247 : vector<16xi32> to vector<16xi32>
          tpu.vector_store %arg19[%swap3A_248], %swap3A_251 {strides = array<i32>} : memref<2496xi32, #tpu.memory_space<vmem>>, vector<16xi32>,
          %get3A_252 = arith.index_cast %mul3A_228 : i32 to index
          %get3A_253 = tpu.vector_load %arg11[%get3A_252] {strides = array<i32>} : memref<2496xi32, #tpu.memory_space<vmem>>, vector<16xi32>,
          %get3A_254 = vector.shape_cast %get3A_253 : vector<16xi32> to vector<16xi32>
          %shift_left3A_255 = arith.constant 9 : i32
          %shift_left3A_256 = vector.broadcast %shift_left3A_255 : i32 to vector<16xi32>
          %shift_left3A_257 = arith.shli %get3A_254, %shift_left3A_256 : vector<16xi32>
          %add3A_258 = arith.addi %shift_left3A_237, %shift_left3A_257 : vector<16xi32>
          %get3A_259 = arith.index_cast %mul3A_228 : i32 to index
          %get3A_260 = tpu.vector_load %arg12[%get3A_259] {strides = array<i32>} : memref<2496xi32, #tpu.memory_space<vmem>>, vector<16xi32>,
          %get3A_261 = vector.shape_cast %get3A_260 : vector<16xi32> to vector<16xi32>
          %add3A_262 = arith.addi %add3A_258, %get3A_261 : vector<16xi32>
          %swap3A_263 = arith.index_cast %mul3A_228 : i32 to index
          %swap3A_264 = tpu.vector_load %arg20[%swap3A_263] {strides = array<i32>} : memref<2496xi32, #tpu.memory_space<vmem>>, vector<16xi32>,
          %swap3A_265 = vector.shape_cast %swap3A_264 : vector<16xi32> to vector<16xi32>
          %swap3A_266 = vector.shape_cast %add3A_262 : vector<16xi32> to vector<16xi32>
          tpu.vector_store %arg20[%swap3A_263], %swap3A_266 {strides = array<i32>} : memref<2496xi32, #tpu.memory_space<vmem>>, vector<16xi32>,
          %scan3A_267 = arith.constant 0 : i32
          %scan3A_268 = arith.constant 1 : i32
          %scan3A_269 = arith.addi %scan3A_225, %scan3A_268 : i32
          %mul3A_270 = arith.constant 16 : i32
          %mul3A_271 = arith.muli %scan3A_269, %mul3A_270 : i32
          %iota3A_272 = tpu.iota {dimensions = array<i32: 0>} : vector<16xi32>
          %mul3A_273 = arith.constant 16 : i32
          %mul3A_274 = arith.muli %scan3A_269, %mul3A_273 : i32
          %add3A_275 = arith.addi %add3A_206, %mul3A_274 : i32
          %add3A_276 = vector.broadcast %add3A_275 : i32 to vector<16xi32>
          %add3A_277 = arith.addi %iota3A_272, %add3A_276 : vector<16xi32>
          %div3A_278 = arith.constant 100000 : i32
          %div3A_279 = vector.broadcast %div3A_278 : i32 to vector<16xi32>
          %div3A_280 = arith.divsi %add3A_277, %div3A_279 : vector<16xi32>
          %shift_left3A_281 = arith.constant 18 : i32
          %shift_left3A_282 = vector.broadcast %shift_left3A_281 : i32 to vector<16xi32>
          %shift_left3A_283 = arith.shli %div3A_280, %shift_left3A_282 : vector<16xi32>
          %get3A_284 = arith.index_cast %mul3A_271 : i32 to index
          %get3A_285 = tpu.vector_load %arg9[%get3A_284] {strides = array<i32>} : memref<2496xi32, #tpu.memory_space<vmem>>, vector<16xi32>,
          %get3A_286 = vector.shape_cast %get3A_285 : vector<16xi32> to vector<16xi32>
          %shift_left3A_287 = arith.constant 9 : i32
          %shift_left3A_288 = vector.broadcast %shift_left3A_287 : i32 to vector<16xi32>
          %shift_left3A_289 = arith.shli %get3A_286, %shift_left3A_288 : vector<16xi32>
          %add3A_290 = arith.addi %shift_left3A_283, %shift_left3A_289 : vector<16xi32>
          %get3A_291 = arith.index_cast %mul3A_271 : i32 to index
          %get3A_292 = tpu.vector_load %arg10[%get3A_291] {strides = array<i32>} : memref<2496xi32, #tpu.memory_space<vmem>>, vector<16xi32>,
          %get3A_293 = vector.shape_cast %get3A_292 : vector<16xi32> to vector<16xi32>
          %add3A_294 = arith.addi %add3A_290, %get3A_293 : vector<16xi32>
          %swap3A_295 = arith.index_cast %mul3A_271 : i32 to index
          %swap3A_296 = tpu.vector_load %arg19[%swap3A_295] {strides = array<i32>} : memref<2496xi32, #tpu.memory_space<vmem>>, vector<16xi32>,
          %swap3A_297 = vector.shape_cast %swap3A_296 : vector<16xi32> to vector<16xi32>
          %swap3A_298 = vector.shape_cast %add3A_294 : vector<16xi32> to vector<16xi32>
          tpu.vector_store %arg19[%swap3A_295], %swap3A_298 {strides = array<i32>} : memref<2496xi32, #tpu.memory_space<vmem>>, vector<16xi32>,
          %get3A_299 = arith.index_cast %mul3A_271 : i32 to index
          %get3A_300 = tpu.vector_load %arg11[%get3A_299] {strides = array<i32>} : memref<2496xi32, #tpu.memory_space<vmem>>, vector<16xi32>,
          %get3A_301 = vector.shape_cast %get3A_300 : vector<16xi32> to vector<16xi32>
          %shift_left3A_302 = arith.constant 9 : i32
          %shift_left3A_303 = vector.broadcast %shift_left3A_302 : i32 to vector<16xi32>
          %shift_left3A_304 = arith.shli %get3A_301, %shift_left3A_303 : vector<16xi32>
          %add3A_305 = arith.addi %shift_left3A_283, %shift_left3A_304 : vector<16xi32>
          %get3A_306 = arith.index_cast %mul3A_271 : i32 to index
          %get3A_307 = tpu.vector_load %arg12[%get3A_306] {strides = array<i32>} : memref<2496xi32, #tpu.memory_space<vmem>>, vector<16xi32>,
          %get3A_308 = vector.shape_cast %get3A_307 : vector<16xi32> to vector<16xi32>
          %add3A_309 = arith.addi %add3A_305, %get3A_308 : vector<16xi32>
          %swap3A_310 = arith.index_cast %mul3A_271 : i32 to index
          %swap3A_311 = tpu.vector_load %arg20[%swap3A_310] {strides = array<i32>} : memref<2496xi32, #tpu.memory_space<vmem>>, vector<16xi32>,
          %swap3A_312 = vector.shape_cast %swap3A_311 : vector<16xi32> to vector<16xi32>
          %swap3A_313 = vector.shape_cast %add3A_309 : vector<16xi32> to vector<16xi32>
          tpu.vector_store %arg20[%swap3A_310], %swap3A_313 {strides = array<i32>} : memref<2496xi32, #tpu.memory_space<vmem>>, vector<16xi32>,
          %scan3A_314 = arith.constant 0 : i32
          %scan3A_315 = arith.constant 2 : i32
          %scan3A_316 = arith.addi %scan3A_225, %scan3A_315 : i32
          %mul3A_317 = arith.constant 16 : i32
          %mul3A_318 = arith.muli %scan3A_316, %mul3A_317 : i32
          %iota3A_319 = tpu.iota {dimensions = array<i32: 0>} : vector<16xi32>
          %mul3A_320 = arith.constant 16 : i32
          %mul3A_321 = arith.muli %scan3A_316, %mul3A_320 : i32
          %add3A_322 = arith.addi %add3A_206, %mul3A_321 : i32
          %add3A_323 = vector.broadcast %add3A_322 : i32 to vector<16xi32>
          %add3A_324 = arith.addi %iota3A_319, %add3A_323 : vector<16xi32>
          %div3A_325 = arith.constant 100000 : i32
          %div3A_326 = vector.broadcast %div3A_325 : i32 to vector<16xi32>
          %div3A_327 = arith.divsi %add3A_324, %div3A_326 : vector<16xi32>
          %shift_left3A_328 = arith.constant 18 : i32
          %shift_left3A_329 = vector.broadcast %shift_left3A_328 : i32 to vector<16xi32>
          %shift_left3A_330 = arith.shli %div3A_327, %shift_left3A_329 : vector<16xi32>
          %get3A_331 = arith.index_cast %mul3A_318 : i32 to index
          %get3A_332 = tpu.vector_load %arg9[%get3A_331] {strides = array<i32>} : memref<2496xi32, #tpu.memory_space<vmem>>, vector<16xi32>,
          %get3A_333 = vector.shape_cast %get3A_332 : vector<16xi32> to vector<16xi32>
          %shift_left3A_334 = arith.constant 9 : i32
          %shift_left3A_335 = vector.broadcast %shift_left3A_334 : i32 to vector<16xi32>
          %shift_left3A_336 = arith.shli %get3A_333, %shift_left3A_335 : vector<16xi32>
          %add3A_337 = arith.addi %shift_left3A_330, %shift_left3A_336 : vector<16xi32>
          %get3A_338 = arith.index_cast %mul3A_318 : i32 to index
          %get3A_339 = tpu.vector_load %arg10[%get3A_338] {strides = array<i32>} : memref<2496xi32, #tpu.memory_space<vmem>>, vector<16xi32>,
          %get3A_340 = vector.shape_cast %get3A_339 : vector<16xi32> to vector<16xi32>
          %add3A_341 = arith.addi %add3A_337, %get3A_340 : vector<16xi32>
          %swap3A_342 = arith.index_cast %mul3A_318 : i32 to index
          %swap3A_343 = tpu.vector_load %arg19[%swap3A_342] {strides = array<i32>} : memref<2496xi32, #tpu.memory_space<vmem>>, vector<16xi32>,
          %swap3A_344 = vector.shape_cast %swap3A_343 : vector<16xi32> to vector<16xi32>
          %swap3A_345 = vector.shape_cast %add3A_341 : vector<16xi32> to vector<16xi32>
          tpu.vector_store %arg19[%swap3A_342], %swap3A_345 {strides = array<i32>} : memref<2496xi32, #tpu.memory_space<vmem>>, vector<16xi32>,
          %get3A_346 = arith.index_cast %mul3A_318 : i32 to index
          %get3A_347 = tpu.vector_load %arg11[%get3A_346] {strides = array<i32>} : memref<2496xi32, #tpu.memory_space<vmem>>, vector<16xi32>,
          %get3A_348 = vector.shape_cast %get3A_347 : vector<16xi32> to vector<16xi32>
          %shift_left3A_349 = arith.constant 9 : i32
          %shift_left3A_350 = vector.broadcast %shift_left3A_349 : i32 to vector<16xi32>
          %shift_left3A_351 = arith.shli %get3A_348, %shift_left3A_350 : vector<16xi32>
          %add3A_352 = arith.addi %shift_left3A_330, %shift_left3A_351 : vector<16xi32>
          %get3A_353 = arith.index_cast %mul3A_318 : i32 to index
          %get3A_354 = tpu.vector_load %arg12[%get3A_353] {strides = array<i32>} : memref<2496xi32, #tpu.memory_space<vmem>>, vector<16xi32>,
          %get3A_355 = vector.shape_cast %get3A_354 : vector<16xi32> to vector<16xi32>
          %add3A_356 = arith.addi %add3A_352, %get3A_355 : vector<16xi32>
          %swap3A_357 = arith.index_cast %mul3A_318 : i32 to index
          %swap3A_358 = tpu.vector_load %arg20[%swap3A_357] {strides = array<i32>} : memref<2496xi32, #tpu.memory_space<vmem>>, vector<16xi32>,
          %swap3A_359 = vector.shape_cast %swap3A_358 : vector<16xi32> to vector<16xi32>
          %swap3A_360 = vector.shape_cast %add3A_356 : vector<16xi32> to vector<16xi32>
          tpu.vector_store %arg20[%swap3A_357], %swap3A_360 {strides = array<i32>} : memref<2496xi32, #tpu.memory_space<vmem>>, vector<16xi32>,
          %scan3A_361 = arith.constant 0 : i32
          %scan3A_362 = arith.constant 3 : i32
          %scan3A_363 = arith.addi %scan3A_225, %scan3A_362 : i32
          %mul3A_364 = arith.constant 16 : i32
          %mul3A_365 = arith.muli %scan3A_363, %mul3A_364 : i32
          %iota3A_366 = tpu.iota {dimensions = array<i32: 0>} : vector<16xi32>
          %mul3A_367 = arith.constant 16 : i32
          %mul3A_368 = arith.muli %scan3A_363, %mul3A_367 : i32
          %add3A_369 = arith.addi %add3A_206, %mul3A_368 : i32
          %add3A_370 = vector.broadcast %add3A_369 : i32 to vector<16xi32>
          %add3A_371 = arith.addi %iota3A_366, %add3A_370 : vector<16xi32>
          %div3A_372 = arith.constant 100000 : i32
          %div3A_373 = vector.broadcast %div3A_372 : i32 to vector<16xi32>
          %div3A_374 = arith.divsi %add3A_371, %div3A_373 : vector<16xi32>
          %shift_left3A_375 = arith.constant 18 : i32
          %shift_left3A_376 = vector.broadcast %shift_left3A_375 : i32 to vector<16xi32>
          %shift_left3A_377 = arith.shli %div3A_374, %shift_left3A_376 : vector<16xi32>
          %get3A_378 = arith.index_cast %mul3A_365 : i32 to index
          %get3A_379 = tpu.vector_load %arg9[%get3A_378] {strides = array<i32>} : memref<2496xi32, #tpu.memory_space<vmem>>, vector<16xi32>,
          %get3A_380 = vector.shape_cast %get3A_379 : vector<16xi32> to vector<16xi32>
          %shift_left3A_381 = arith.constant 9 : i32
          %shift_left3A_382 = vector.broadcast %shift_left3A_381 : i32 to vector<16xi32>
          %shift_left3A_383 = arith.shli %get3A_380, %shift_left3A_382 : vector<16xi32>
          %add3A_384 = arith.addi %shift_left3A_377, %shift_left3A_383 : vector<16xi32>
          %get3A_385 = arith.index_cast %mul3A_365 : i32 to index
          %get3A_386 = tpu.vector_load %arg10[%get3A_385] {strides = array<i32>} : memref<2496xi32, #tpu.memory_space<vmem>>, vector<16xi32>,
          %get3A_387 = vector.shape_cast %get3A_386 : vector<16xi32> to vector<16xi32>
          %add3A_388 = arith.addi %add3A_384, %get3A_387 : vector<16xi32>
          %swap3A_389 = arith.index_cast %mul3A_365 : i32 to index
          %swap3A_390 = tpu.vector_load %arg19[%swap3A_389] {strides = array<i32>} : memref<2496xi32, #tpu.memory_space<vmem>>, vector<16xi32>,
          %swap3A_391 = vector.shape_cast %swap3A_390 : vector<16xi32> to vector<16xi32>
          %swap3A_392 = vector.shape_cast %add3A_388 : vector<16xi32> to vector<16xi32>
          tpu.vector_store %arg19[%swap3A_389], %swap3A_392 {strides = array<i32>} : memref<2496xi32, #tpu.memory_space<vmem>>, vector<16xi32>,
          %get3A_393 = arith.index_cast %mul3A_365 : i32 to index
          %get3A_394 = tpu.vector_load %arg11[%get3A_393] {strides = array<i32>} : memref<2496xi32, #tpu.memory_space<vmem>>, vector<16xi32>,
          %get3A_395 = vector.shape_cast %get3A_394 : vector<16xi32> to vector<16xi32>
          %shift_left3A_396 = arith.constant 9 : i32
          %shift_left3A_397 = vector.broadcast %shift_left3A_396 : i32 to vector<16xi32>
          %shift_left3A_398 = arith.shli %get3A_395, %shift_left3A_397 : vector<16xi32>
          %add3A_399 = arith.addi %shift_left3A_377, %shift_left3A_398 : vector<16xi32>
          %get3A_400 = arith.index_cast %mul3A_365 : i32 to index
          %get3A_401 = tpu.vector_load %arg12[%get3A_400] {strides = array<i32>} : memref<2496xi32, #tpu.memory_space<vmem>>, vector<16xi32>,
          %get3A_402 = vector.shape_cast %get3A_401 : vector<16xi32> to vector<16xi32>
          %add3A_403 = arith.addi %add3A_399, %get3A_402 : vector<16xi32>
          %swap3A_404 = arith.index_cast %mul3A_365 : i32 to index
          %swap3A_405 = tpu.vector_load %arg20[%swap3A_404] {strides = array<i32>} : memref<2496xi32, #tpu.memory_space<vmem>>, vector<16xi32>,
          %swap3A_406 = vector.shape_cast %swap3A_405 : vector<16xi32> to vector<16xi32>
          %swap3A_407 = vector.shape_cast %add3A_403 : vector<16xi32> to vector<16xi32>
          tpu.vector_store %arg20[%swap3A_404], %swap3A_407 {strides = array<i32>} : memref<2496xi32, #tpu.memory_space<vmem>>, vector<16xi32>,
          %scan3A_408 = arith.constant 0 : i32
          scf.yield %scan3A_408 : i32
        }
        %scan3A_213 = arith.constant 156 : i32
        %dma_start3A_214 = arith.constant 0 : i32
        %dma_start3A_215 = tpu.memref_slice %arg2[%dma_start3A_214] : memref<2097152xf32, #tpu.memory_space<hbm>> -> memref<2097152xf32, #tpu.memory_space<hbm>>
        tpu.enqueue_indirect_dma source(%dma_start3A_215 : memref<2097152xf32, #tpu.memory_space<hbm>>) target(%arg23 : memref<2496xf32, #tpu.memory_space<vmem>>) offsets(%arg19 : memref<2496xi32, #tpu.memory_space<vmem>>) semaphore(%arg41 : memref<!tpu.dma_semaphore, #tpu.memory_space<semaphore_mem>>)
        %dma_start3A_216 = arith.constant 0 : i32
        %dma_start3A_217 = tpu.memref_slice %arg2[%dma_start3A_216] : memref<2097152xf32, #tpu.memory_space<hbm>> -> memref<2097152xf32, #tpu.memory_space<hbm>>
        tpu.enqueue_indirect_dma source(%dma_start3A_217 : memref<2097152xf32, #tpu.memory_space<hbm>>) target(%arg24 : memref<2496xf32, #tpu.memory_space<vmem>>) offsets(%arg20 : memref<2496xi32, #tpu.memory_space<vmem>>) semaphore(%arg44 : memref<!tpu.dma_semaphore, #tpu.memory_space<semaphore_mem>>)
        %add3A_218 = arith.constant 2 : i32
        %add3A_219 = arith.addi %mul3A_97, %add3A_218 : i32
        %mul3A_220 = arith.constant 2496 : i32
        %mul3A_221 = arith.muli %add3A_219, %mul3A_220 : i32
        %add3A_222 = arith.addi %mul3A_2, %mul3A_221 : i32
        %dma_start3A_223 = tpu.memref_slice %arg7[%add3A_222] : memref<800000xf32, #tpu.memory_space<hbm>> -> memref<2496xf32, #tpu.memory_space<hbm>>
        %dma_start3A_224 = tpu.memref_slice %arg7[%add3A_222] : memref<800000xf32, #tpu.memory_space<hbm>> -> memref<2496xf32, #tpu.memory_space<hbm>>
        tpu.enqueue_dma source(%dma_start3A_224 : memref<2496xf32, #tpu.memory_space<hbm>>) target(%arg17 : memref<2496xf32, #tpu.memory_space<vmem>>) target_semaphore(%arg39 : memref<!tpu.dma_semaphore, #tpu.memory_space<semaphore_mem>>)
      } else {
      }
      %dma_wait3A_159 = arith.constant 0 : i32
      %dma_wait3A_160 = tpu.memref_slice %arg2[%dma_wait3A_159] : memref<2097152xf32, #tpu.memory_space<hbm>> -> memref<2097152xf32, #tpu.memory_space<hbm>>
      tpu.wait_indirect_dma semaphore(%arg42 : memref<!tpu.dma_semaphore, #tpu.memory_space<semaphore_mem>>) src(%dma_wait3A_160 : memref<2097152xf32, #tpu.memory_space<hbm>>) dst(%arg25 : memref<2496xf32, #tpu.memory_space<vmem>>)
      %dma_wait3A_161 = arith.constant 0 : i32
      %dma_wait3A_162 = tpu.memref_slice %arg2[%dma_wait3A_161] : memref<2097152xf32, #tpu.memory_space<hbm>> -> memref<2097152xf32, #tpu.memory_space<hbm>>
      tpu.wait_indirect_dma semaphore(%arg45 : memref<!tpu.dma_semaphore, #tpu.memory_space<semaphore_mem>>) src(%dma_wait3A_162 : memref<2097152xf32, #tpu.memory_space<hbm>>) dst(%arg26 : memref<2496xf32, #tpu.memory_space<vmem>>)
      %dma_wait3A_163 = arith.constant 0 : i32
      %dma_wait3A_164 = tpu.memref_slice %arg7[%dma_wait3A_163] : memref<800000xf32, #tpu.memory_space<hbm>> -> memref<2496xf32, #tpu.memory_space<hbm>>
      %dma_wait3A_165 = arith.constant 0 : i32
      %dma_wait3A_166 = tpu.memref_slice %arg7[%dma_wait3A_165] : memref<800000xf32, #tpu.memory_space<hbm>> -> memref<2496xf32, #tpu.memory_space<hbm>>
      tpu.wait_dma2 semaphore(%arg40 : memref<!tpu.dma_semaphore, #tpu.memory_space<semaphore_mem>>) src(%dma_wait3A_166 : memref<2496xf32, #tpu.memory_space<hbm>>) dst(%arg18 : memref<2496xf32, #tpu.memory_space<vmem>>)
      %scan3A_167 = arith.constant 0 : i32
      %scan3A_168 = arith.constant 156 : i32
      %scan3A_169 = arith.addi %scan3A_167, %scan3A_168 : i32
      %scan3A_170 = arith.constant 4 : i32
      %scan3A_171 = scf.for %scan3A_173 = %scan3A_167 to %scan3A_169 step %scan3A_170 iter_args(%scan3A_174 = %scan3A_152) -> (vector<16xf32>)  : i32 {
        %mul3A_175 = arith.constant 16 : i32
        %mul3A_176 = arith.muli %scan3A_173, %mul3A_175 : i32
        %get3A = arith.index_cast %mul3A_176 : i32 to index
        %get3A_177 = tpu.vector_load %arg25[%get3A] {strides = array<i32>} : memref<2496xf32, #tpu.memory_space<vmem>>, vector<16xf32>,
        %get3A_178 = vector.shape_cast %get3A_177 : vector<16xf32> to vector<16xf32>
        %get3A_179 = arith.index_cast %mul3A_176 : i32 to index
        %get3A_180 = tpu.vector_load %arg26[%get3A_179] {strides = array<i32>} : memref<2496xf32, #tpu.memory_space<vmem>>, vector<16xf32>,
        %get3A_181 = vector.shape_cast %get3A_180 : vector<16xf32> to vector<16xf32>
        %get3A_182 = arith.index_cast %mul3A_176 : i32 to index
        %get3A_183 = tpu.vector_load %arg18[%get3A_182] {strides = array<i32>} : memref<2496xf32, #tpu.memory_space<vmem>>, vector<16xf32>,
        %get3A_184 = vector.shape_cast %get3A_183 : vector<16xf32> to vector<16xf32>
        %sub3A_185 = arith.subf %get3A_178, %get3A_181 : vector<16xf32>
        %mul3A_186 = arith.mulf %get3A_184, %get3A_184 : vector<16xf32>
        %mul3A_187 = arith.mulf %sub3A_185, %get3A_184 : vector<16xf32>
        %neg3A = arith.constant 0.000000e+00 : f32
        %neg3A_188 = vector.broadcast %neg3A : f32 to vector<16xf32>
        %neg3A_189 = arith.subf %neg3A_188, %mul3A_187 : vector<16xf32>
        %abs3A = math.absf %neg3A_189 : vector<16xf32>
        %neg3A_190 = arith.constant 0.000000e+00 : f32
        %neg3A_191 = vector.broadcast %neg3A_190 : f32 to vector<16xf32>
        %neg3A_192 = arith.subf %neg3A_191, %abs3A : vector<16xf32>
        %exp3A = math.exp %neg3A_192 : vector<16xf32>
        %add3A_193 = arith.constant 2.000000e+00 : f32
        %add3A_194 = vector.broadcast %add3A_193 : f32 to vector<16xf32>
        %add3A_195 = arith.addf %add3A_194, %exp3A : vector<16xf32>
        %div3A = arith.divf %exp3A, %add3A_195 : vector<16xf32>
        %mul3A_196 = arith.mulf %div3A, %div3A : vector<16xf32>
        %mul3A_197 = arith.constant 0.142857149 : f32
        %mul3A_198 = vector.broadcast %mul3A_197 : f32 to vector<16xf32>
        %mul3A_199 = arith.mulf %mul3A_196, %mul3A_198 : vector<16xf32>
        %add3A_200 = arith.constant 2.000000e-01 : f32
        %add3A_201 = vector.broadcast %add3A_200 : f32 to vector<16xf32>
        %add3A_202 = arith.addf %mul3A_199, %add3A_201 : vector<16xf32>
        %mul3A_203 = arith.mulf %mul3A_196, %add3A_202 : vector<16xf32>
        %add3A_204 = arith.constant 0.333333343 : f32
        %add3A_205 = vector.broadcast %add3A_204 : f32 to vector<16xf32>
        %add3A_206 = arith.addf %mul3A_203, %add3A_205 : vector<16xf32>
        %mul3A_207 = arith.mulf %mul3A_196, %add3A_206 : vector<16xf32>
        %add3A_208 = arith.constant 1.000000e+00 : f32
        %add3A_209 = vector.broadcast %add3A_208 : f32 to vector<16xf32>
        %add3A_210 = arith.addf %mul3A_207, %add3A_209 : vector<16xf32>
        %mul3A_211 = arith.constant 2.000000e+00 : f32
        %mul3A_212 = vector.broadcast %mul3A_211 : f32 to vector<16xf32>
        %mul3A_213 = arith.mulf %mul3A_212, %div3A : vector<16xf32>
        %mul3A_214 = arith.mulf %mul3A_213, %add3A_210 : vector<16xf32>
        %max3A_215 = arith.constant 0.000000e+00 : f32
        %max3A_216 = vector.broadcast %max3A_215 : f32 to vector<16xf32>
        %max3A_217 = arith.maximumf %neg3A_189, %max3A_216 : vector<16xf32>
        %add3A_218 = arith.addf %max3A_217, %mul3A_214 : vector<16xf32>
        %mul3A_219 = arith.mulf %mul3A_186, %add3A_218 : vector<16xf32>
        %sub3A_220 = arith.constant 1.000000e+00 : f32
        %sub3A_221 = vector.broadcast %sub3A_220 : f32 to vector<16xf32>
        %sub3A_222 = arith.subf %sub3A_221, %mul3A_186 : vector<16xf32>
        %mul3A_223 = arith.mulf %sub3A_185, %sub3A_185 : vector<16xf32>
        %mul3A_224 = arith.mulf %sub3A_222, %mul3A_223 : vector<16xf32>
        %add3A_225 = arith.addf %mul3A_219, %mul3A_224 : vector<16xf32>
        %add3A_226 = arith.addf %scan3A_174, %add3A_225 : vector<16xf32>
        %scan3A_227 = arith.constant 1 : i32
        %scan3A_228 = arith.addi %scan3A_173, %scan3A_227 : i32
        %mul3A_229 = arith.constant 16 : i32
        %mul3A_230 = arith.muli %scan3A_228, %mul3A_229 : i32
        %get3A_231 = arith.index_cast %mul3A_230 : i32 to index
        %get3A_232 = tpu.vector_load %arg25[%get3A_231] {strides = array<i32>} : memref<2496xf32, #tpu.memory_space<vmem>>, vector<16xf32>,
        %get3A_233 = vector.shape_cast %get3A_232 : vector<16xf32> to vector<16xf32>
        %get3A_234 = arith.index_cast %mul3A_230 : i32 to index
        %get3A_235 = tpu.vector_load %arg26[%get3A_234] {strides = array<i32>} : memref<2496xf32, #tpu.memory_space<vmem>>, vector<16xf32>,
        %get3A_236 = vector.shape_cast %get3A_235 : vector<16xf32> to vector<16xf32>
        %get3A_237 = arith.index_cast %mul3A_230 : i32 to index
        %get3A_238 = tpu.vector_load %arg18[%get3A_237] {strides = array<i32>} : memref<2496xf32, #tpu.memory_space<vmem>>, vector<16xf32>,
        %get3A_239 = vector.shape_cast %get3A_238 : vector<16xf32> to vector<16xf32>
        %sub3A_240 = arith.subf %get3A_233, %get3A_236 : vector<16xf32>
        %mul3A_241 = arith.mulf %get3A_239, %get3A_239 : vector<16xf32>
        %mul3A_242 = arith.mulf %sub3A_240, %get3A_239 : vector<16xf32>
        %neg3A_243 = arith.constant 0.000000e+00 : f32
        %neg3A_244 = vector.broadcast %neg3A_243 : f32 to vector<16xf32>
        %neg3A_245 = arith.subf %neg3A_244, %mul3A_242 : vector<16xf32>
        %abs3A_246 = math.absf %neg3A_245 : vector<16xf32>
        %neg3A_247 = arith.constant 0.000000e+00 : f32
        %neg3A_248 = vector.broadcast %neg3A_247 : f32 to vector<16xf32>
        %neg3A_249 = arith.subf %neg3A_248, %abs3A_246 : vector<16xf32>
        %exp3A_250 = math.exp %neg3A_249 : vector<16xf32>
        %add3A_251 = arith.constant 2.000000e+00 : f32
        %add3A_252 = vector.broadcast %add3A_251 : f32 to vector<16xf32>
        %add3A_253 = arith.addf %add3A_252, %exp3A_250 : vector<16xf32>
        %div3A_254 = arith.divf %exp3A_250, %add3A_253 : vector<16xf32>
        %mul3A_255 = arith.mulf %div3A_254, %div3A_254 : vector<16xf32>
        %mul3A_256 = arith.constant 0.142857149 : f32
        %mul3A_257 = vector.broadcast %mul3A_256 : f32 to vector<16xf32>
        %mul3A_258 = arith.mulf %mul3A_255, %mul3A_257 : vector<16xf32>
        %add3A_259 = arith.constant 2.000000e-01 : f32
        %add3A_260 = vector.broadcast %add3A_259 : f32 to vector<16xf32>
        %add3A_261 = arith.addf %mul3A_258, %add3A_260 : vector<16xf32>
        %mul3A_262 = arith.mulf %mul3A_255, %add3A_261 : vector<16xf32>
        %add3A_263 = arith.constant 0.333333343 : f32
        %add3A_264 = vector.broadcast %add3A_263 : f32 to vector<16xf32>
        %add3A_265 = arith.addf %mul3A_262, %add3A_264 : vector<16xf32>
        %mul3A_266 = arith.mulf %mul3A_255, %add3A_265 : vector<16xf32>
        %add3A_267 = arith.constant 1.000000e+00 : f32
        %add3A_268 = vector.broadcast %add3A_267 : f32 to vector<16xf32>
        %add3A_269 = arith.addf %mul3A_266, %add3A_268 : vector<16xf32>
        %mul3A_270 = arith.constant 2.000000e+00 : f32
        %mul3A_271 = vector.broadcast %mul3A_270 : f32 to vector<16xf32>
        %mul3A_272 = arith.mulf %mul3A_271, %div3A_254 : vector<16xf32>
        %mul3A_273 = arith.mulf %mul3A_272, %add3A_269 : vector<16xf32>
        %max3A_274 = arith.constant 0.000000e+00 : f32
        %max3A_275 = vector.broadcast %max3A_274 : f32 to vector<16xf32>
        %max3A_276 = arith.maximumf %neg3A_245, %max3A_275 : vector<16xf32>
        %add3A_277 = arith.addf %max3A_276, %mul3A_273 : vector<16xf32>
        %mul3A_278 = arith.mulf %mul3A_241, %add3A_277 : vector<16xf32>
        %sub3A_279 = arith.constant 1.000000e+00 : f32
        %sub3A_280 = vector.broadcast %sub3A_279 : f32 to vector<16xf32>
        %sub3A_281 = arith.subf %sub3A_280, %mul3A_241 : vector<16xf32>
        %mul3A_282 = arith.mulf %sub3A_240, %sub3A_240 : vector<16xf32>
        %mul3A_283 = arith.mulf %sub3A_281, %mul3A_282 : vector<16xf32>
        %add3A_284 = arith.addf %mul3A_278, %mul3A_283 : vector<16xf32>
        %add3A_285 = arith.addf %add3A_226, %add3A_284 : vector<16xf32>
        %scan3A_286 = arith.constant 2 : i32
        %scan3A_287 = arith.addi %scan3A_173, %scan3A_286 : i32
        %mul3A_288 = arith.constant 16 : i32
        %mul3A_289 = arith.muli %scan3A_287, %mul3A_288 : i32
        %get3A_290 = arith.index_cast %mul3A_289 : i32 to index
        %get3A_291 = tpu.vector_load %arg25[%get3A_290] {strides = array<i32>} : memref<2496xf32, #tpu.memory_space<vmem>>, vector<16xf32>,
        %get3A_292 = vector.shape_cast %get3A_291 : vector<16xf32> to vector<16xf32>
        %get3A_293 = arith.index_cast %mul3A_289 : i32 to index
        %get3A_294 = tpu.vector_load %arg26[%get3A_293] {strides = array<i32>} : memref<2496xf32, #tpu.memory_space<vmem>>, vector<16xf32>,
        %get3A_295 = vector.shape_cast %get3A_294 : vector<16xf32> to vector<16xf32>
        %get3A_296 = arith.index_cast %mul3A_289 : i32 to index
        %get3A_297 = tpu.vector_load %arg18[%get3A_296] {strides = array<i32>} : memref<2496xf32, #tpu.memory_space<vmem>>, vector<16xf32>,
        %get3A_298 = vector.shape_cast %get3A_297 : vector<16xf32> to vector<16xf32>
        %sub3A_299 = arith.subf %get3A_292, %get3A_295 : vector<16xf32>
        %mul3A_300 = arith.mulf %get3A_298, %get3A_298 : vector<16xf32>
        %mul3A_301 = arith.mulf %sub3A_299, %get3A_298 : vector<16xf32>
        %neg3A_302 = arith.constant 0.000000e+00 : f32
        %neg3A_303 = vector.broadcast %neg3A_302 : f32 to vector<16xf32>
        %neg3A_304 = arith.subf %neg3A_303, %mul3A_301 : vector<16xf32>
        %abs3A_305 = math.absf %neg3A_304 : vector<16xf32>
        %neg3A_306 = arith.constant 0.000000e+00 : f32
        %neg3A_307 = vector.broadcast %neg3A_306 : f32 to vector<16xf32>
        %neg3A_308 = arith.subf %neg3A_307, %abs3A_305 : vector<16xf32>
        %exp3A_309 = math.exp %neg3A_308 : vector<16xf32>
        %add3A_310 = arith.constant 2.000000e+00 : f32
        %add3A_311 = vector.broadcast %add3A_310 : f32 to vector<16xf32>
        %add3A_312 = arith.addf %add3A_311, %exp3A_309 : vector<16xf32>
        %div3A_313 = arith.divf %exp3A_309, %add3A_312 : vector<16xf32>
        %mul3A_314 = arith.mulf %div3A_313, %div3A_313 : vector<16xf32>
        %mul3A_315 = arith.constant 0.142857149 : f32
        %mul3A_316 = vector.broadcast %mul3A_315 : f32 to vector<16xf32>
        %mul3A_317 = arith.mulf %mul3A_314, %mul3A_316 : vector<16xf32>
        %add3A_318 = arith.constant 2.000000e-01 : f32
        %add3A_319 = vector.broadcast %add3A_318 : f32 to vector<16xf32>
        %add3A_320 = arith.addf %mul3A_317, %add3A_319 : vector<16xf32>
        %mul3A_321 = arith.mulf %mul3A_314, %add3A_320 : vector<16xf32>
        %add3A_322 = arith.constant 0.333333343 : f32
        %add3A_323 = vector.broadcast %add3A_322 : f32 to vector<16xf32>
        %add3A_324 = arith.addf %mul3A_321, %add3A_323 : vector<16xf32>
        %mul3A_325 = arith.mulf %mul3A_314, %add3A_324 : vector<16xf32>
        %add3A_326 = arith.constant 1.000000e+00 : f32
        %add3A_327 = vector.broadcast %add3A_326 : f32 to vector<16xf32>
        %add3A_328 = arith.addf %mul3A_325, %add3A_327 : vector<16xf32>
        %mul3A_329 = arith.constant 2.000000e+00 : f32
        %mul3A_330 = vector.broadcast %mul3A_329 : f32 to vector<16xf32>
        %mul3A_331 = arith.mulf %mul3A_330, %div3A_313 : vector<16xf32>
        %mul3A_332 = arith.mulf %mul3A_331, %add3A_328 : vector<16xf32>
        %max3A_333 = arith.constant 0.000000e+00 : f32
        %max3A_334 = vector.broadcast %max3A_333 : f32 to vector<16xf32>
        %max3A_335 = arith.maximumf %neg3A_304, %max3A_334 : vector<16xf32>
        %add3A_336 = arith.addf %max3A_335, %mul3A_332 : vector<16xf32>
        %mul3A_337 = arith.mulf %mul3A_300, %add3A_336 : vector<16xf32>
        %sub3A_338 = arith.constant 1.000000e+00 : f32
        %sub3A_339 = vector.broadcast %sub3A_338 : f32 to vector<16xf32>
        %sub3A_340 = arith.subf %sub3A_339, %mul3A_300 : vector<16xf32>
        %mul3A_341 = arith.mulf %sub3A_299, %sub3A_299 : vector<16xf32>
        %mul3A_342 = arith.mulf %sub3A_340, %mul3A_341 : vector<16xf32>
        %add3A_343 = arith.addf %mul3A_337, %mul3A_342 : vector<16xf32>
        %add3A_344 = arith.addf %add3A_285, %add3A_343 : vector<16xf32>
        %scan3A_345 = arith.constant 3 : i32
        %scan3A_346 = arith.addi %scan3A_173, %scan3A_345 : i32
        %mul3A_347 = arith.constant 16 : i32
        %mul3A_348 = arith.muli %scan3A_346, %mul3A_347 : i32
        %get3A_349 = arith.index_cast %mul3A_348 : i32 to index
        %get3A_350 = tpu.vector_load %arg25[%get3A_349] {strides = array<i32>} : memref<2496xf32, #tpu.memory_space<vmem>>, vector<16xf32>,
        %get3A_351 = vector.shape_cast %get3A_350 : vector<16xf32> to vector<16xf32>
        %get3A_352 = arith.index_cast %mul3A_348 : i32 to index
        %get3A_353 = tpu.vector_load %arg26[%get3A_352] {strides = array<i32>} : memref<2496xf32, #tpu.memory_space<vmem>>, vector<16xf32>,
        %get3A_354 = vector.shape_cast %get3A_353 : vector<16xf32> to vector<16xf32>
        %get3A_355 = arith.index_cast %mul3A_348 : i32 to index
        %get3A_356 = tpu.vector_load %arg18[%get3A_355] {strides = array<i32>} : memref<2496xf32, #tpu.memory_space<vmem>>, vector<16xf32>,
        %get3A_357 = vector.shape_cast %get3A_356 : vector<16xf32> to vector<16xf32>
        %sub3A_358 = arith.subf %get3A_351, %get3A_354 : vector<16xf32>
        %mul3A_359 = arith.mulf %get3A_357, %get3A_357 : vector<16xf32>
        %mul3A_360 = arith.mulf %sub3A_358, %get3A_357 : vector<16xf32>
        %neg3A_361 = arith.constant 0.000000e+00 : f32
        %neg3A_362 = vector.broadcast %neg3A_361 : f32 to vector<16xf32>
        %neg3A_363 = arith.subf %neg3A_362, %mul3A_360 : vector<16xf32>
        %abs3A_364 = math.absf %neg3A_363 : vector<16xf32>
        %neg3A_365 = arith.constant 0.000000e+00 : f32
        %neg3A_366 = vector.broadcast %neg3A_365 : f32 to vector<16xf32>
        %neg3A_367 = arith.subf %neg3A_366, %abs3A_364 : vector<16xf32>
        %exp3A_368 = math.exp %neg3A_367 : vector<16xf32>
        %add3A_369 = arith.constant 2.000000e+00 : f32
        %add3A_370 = vector.broadcast %add3A_369 : f32 to vector<16xf32>
        %add3A_371 = arith.addf %add3A_370, %exp3A_368 : vector<16xf32>
        %div3A_372 = arith.divf %exp3A_368, %add3A_371 : vector<16xf32>
        %mul3A_373 = arith.mulf %div3A_372, %div3A_372 : vector<16xf32>
        %mul3A_374 = arith.constant 0.142857149 : f32
        %mul3A_375 = vector.broadcast %mul3A_374 : f32 to vector<16xf32>
        %mul3A_376 = arith.mulf %mul3A_373, %mul3A_375 : vector<16xf32>
        %add3A_377 = arith.constant 2.000000e-01 : f32
        %add3A_378 = vector.broadcast %add3A_377 : f32 to vector<16xf32>
        %add3A_379 = arith.addf %mul3A_376, %add3A_378 : vector<16xf32>
        %mul3A_380 = arith.mulf %mul3A_373, %add3A_379 : vector<16xf32>
        %add3A_381 = arith.constant 0.333333343 : f32
        %add3A_382 = vector.broadcast %add3A_381 : f32 to vector<16xf32>
        %add3A_383 = arith.addf %mul3A_380, %add3A_382 : vector<16xf32>
        %mul3A_384 = arith.mulf %mul3A_373, %add3A_383 : vector<16xf32>
        %add3A_385 = arith.constant 1.000000e+00 : f32
        %add3A_386 = vector.broadcast %add3A_385 : f32 to vector<16xf32>
        %add3A_387 = arith.addf %mul3A_384, %add3A_386 : vector<16xf32>
        %mul3A_388 = arith.constant 2.000000e+00 : f32
        %mul3A_389 = vector.broadcast %mul3A_388 : f32 to vector<16xf32>
        %mul3A_390 = arith.mulf %mul3A_389, %div3A_372 : vector<16xf32>
        %mul3A_391 = arith.mulf %mul3A_390, %add3A_387 : vector<16xf32>
        %max3A_392 = arith.constant 0.000000e+00 : f32
        %max3A_393 = vector.broadcast %max3A_392 : f32 to vector<16xf32>
        %max3A_394 = arith.maximumf %neg3A_363, %max3A_393 : vector<16xf32>
        %add3A_395 = arith.addf %max3A_394, %mul3A_391 : vector<16xf32>
        %mul3A_396 = arith.mulf %mul3A_359, %add3A_395 : vector<16xf32>
        %sub3A_397 = arith.constant 1.000000e+00 : f32
        %sub3A_398 = vector.broadcast %sub3A_397 : f32 to vector<16xf32>
        %sub3A_399 = arith.subf %sub3A_398, %mul3A_359 : vector<16xf32>
        %mul3A_400 = arith.mulf %sub3A_358, %sub3A_358 : vector<16xf32>
        %mul3A_401 = arith.mulf %sub3A_399, %mul3A_400 : vector<16xf32>
        %add3A_402 = arith.addf %mul3A_396, %mul3A_401 : vector<16xf32>
        %add3A_403 = arith.addf %add3A_344, %add3A_402 : vector<16xf32>
        scf.yield %add3A_403 : vector<16xf32>
      }
      %scan3A_172 = arith.constant 156 : i32
      scf.yield %scan3A_171 : vector<16xf32>
    }
    %scan3A_90 = arith.constant 5 : i32
    %swap3A = arith.constant 0 : index
    %swap3A_91 = tpu.vector_load %arg36[%swap3A] {strides = array<i32>} : memref<16xf32, #tpu.memory_space<vmem>>, vector<16xf32>,
    %swap3A_92 = vector.shape_cast %swap3A_91 : vector<16xf32> to vector<16xf32>
    %swap3A_93 = vector.shape_cast %scan3A_89 : vector<16xf32> to vector<16xf32>
    tpu.vector_store %arg36[%swap3A], %swap3A_93 {strides = array<i32>} : memref<16xf32, #tpu.memory_space<vmem>>, vector<16xf32>,
    "tpu.region"() ({
      %run_scoped3A = tpu.sem_alloc : memref<!tpu.dma_semaphore, #tpu.memory_space<semaphore_mem>>
      %dma_start3A_94 = arith.constant 0 : i32
      %dma_start3A_95 = tpu.memref_slice %arg8[%add3A, %dma_start3A_94] : memref<32x16xf32, #tpu.memory_space<hbm>> -> memref<1x16xf32, #tpu.memory_space<hbm>>
      %dma_start3A_96 = tpu.memref_squeeze %dma_start3A_95 : memref<1x16xf32, #tpu.memory_space<hbm>> -> memref<16xf32, #tpu.memory_space<hbm>>
      %dma_start3A_97 = arith.constant 0 : i32
      %dma_start3A_98 = tpu.memref_slice %arg8[%add3A, %dma_start3A_97] : memref<32x16xf32, #tpu.memory_space<hbm>> -> memref<1x16xf32, #tpu.memory_space<hbm>>
      %dma_start3A_99 = tpu.memref_squeeze %dma_start3A_98 : memref<1x16xf32, #tpu.memory_space<hbm>> -> memref<16xf32, #tpu.memory_space<hbm>>
      tpu.enqueue_dma source(%arg36 : memref<16xf32, #tpu.memory_space<vmem>>) target(%dma_start3A_99 : memref<16xf32, #tpu.memory_space<hbm>>) target_semaphore(%run_scoped3A : memref<!tpu.dma_semaphore, #tpu.memory_space<semaphore_mem>>)
      %dma_wait3A_100 = arith.constant 0 : i32
      %dma_wait3A_101 = tpu.memref_slice %arg8[%add3A, %dma_wait3A_100] : memref<32x16xf32, #tpu.memory_space<hbm>> -> memref<1x16xf32, #tpu.memory_space<hbm>>
      %dma_wait3A_102 = tpu.memref_squeeze %dma_wait3A_101 : memref<1x16xf32, #tpu.memory_space<hbm>> -> memref<16xf32, #tpu.memory_space<hbm>>
      %dma_wait3A_103 = arith.constant 0 : i32
      %dma_wait3A_104 = tpu.memref_slice %arg8[%add3A, %dma_wait3A_103] : memref<32x16xf32, #tpu.memory_space<hbm>> -> memref<1x16xf32, #tpu.memory_space<hbm>>
      %dma_wait3A_105 = tpu.memref_squeeze %dma_wait3A_104 : memref<1x16xf32, #tpu.memory_space<hbm>> -> memref<16xf32, #tpu.memory_space<hbm>>
      tpu.wait_dma2 semaphore(%run_scoped3A : memref<!tpu.dma_semaphore, #tpu.memory_space<semaphore_mem>>) src(%arg36 : memref<16xf32, #tpu.memory_space<vmem>>) dst(%dma_wait3A_105 : memref<16xf32, #tpu.memory_space<hbm>>)
      tpu.yield
    }) : () -> ()
    return
  }
}

</mosaic_0001>

<sc_bundles>
// kernel: kernel.3.cloned.1.call-start
scs
__scs_entry_jumppad:
0x0: {  	(pc) =	sbr.rel $0x88, $3  }
0x1: {  	(tag) =	ssettag $0x0;
	lr =	simm.s32 $0x1  }
0x2: {  	[smem:$0x3F9B] =	sst lr;
	_ =	strace $0xD0000000  }
0x3: {  	_ = 	snop  }
0x4: {  	_ = 	snop  }
0x5: {  	_ = 	snop  }
0x6: {  	_ = 	snop  }
0x7: {  	_ = 	snop  }
__scs_overlays_trampoline_lowered:
0x8: {  	[smem:$0x3FAA] =	sst s0  }
0x9: {  	[smem:$0x3FAB] =	sst s1  }
0xa: {  	[smem:$0x3FAC] =	sst s2  }
0xb: {  	[smem:$0x3FAD] =	sst s3  }
0xc: {  	[smem:$0x3FAE] =	sst s4  }
0xd: {  	[smem:$0x3FAF] =	sst s5  }
0xe: {  	[smem:$0x3FB0] =	sst s6  }
0xf: {  	[smem:$0x3FB1] =	sst s7  }
0x10: {  	[smem:$0x3FB2] =	sst s8  }
0x11: {  	[smem:$0x3FB3] =	sst s9;
	s0 =	simm.s32 @!p0 $0x0  }
0x12: {  	s1 =	sld [smem:$0x3F99];
	s0 =	simm.s32 @p0 $0x1  }
0x13: {  	[smem:$0x3FB4] =	sst s0;
	s0 =	simm.s32 @!p1 $0x0  }
0x14: {  	s2 =	sld [smem:$0x3F98];
	s0 =	simm.s32 @p1 $0x1  }
0x15: {  	[smem:$0x3FB5] =	sst s0;
	s0 =	simm.s32 @!p2 $0x0  }
0x16: {  	s3 =	sld [smem:$0x3FDB];
	s0 =	simm.s32 @p2 $0x1  }
0x17: {  	s4 =	simm.s32 $0x1BF5;
	[smem:$0x3FB7] =	sst s0  }
0x18: {  	s0 =	sld [smem:$0x3F9A];
	_ =	swait.ge [sflag:s4], $0x0  }
0x19: {  	s7 =	sld [smem:$0x3F9B]  }
0x1a: {  	s8 =	sadd.s32 $0xFFFFE003, lr  }
0x1b: {  	s9 =	sadd.s32 $0xFFFFFEF7, lr;
	s5 =	simm.s32 $0xFFFFFFFF;
	p2 =	slt.u32 s8, $0xFFFFF086  }
0x1c: {  	p1 =	slt.u32 s9, $0xF7A;
	s5 =	simm.s32 @!p2 $0x0  }
0x1d: {  	s5 =	simm.s32 @p1 $0x1;
	p0 =	seq.s32 s7, s2  }
0x1e: {  	s7 =	smul.u32 @!p0 $0xF7A, s2;
	p2 =	seq.s32 @!p0 s5, $0x0  }
0x1f: {  	s9 =	smul.u32 $0xF7A, s1;
	s8 =	simm.s32 @!p0 $0x1BF5;
	p2 =	por !p2, p0  }
0x20: {  	[sflag:s8] =	ssyncset.s32 @!p0 $0xFFFFF086;
	s6 =	sadd.s32 @!p0 s3, s7;
	s7 =	simm.s32 @!p0 $0x108  }
0x21: {  	s3 =	sadd.s32 s3, s9;
	s6 =	sadd.s32 @!p0 $0x88, s6;
	s7 =	simm.s32 @p2 $0x1082  }
0x22: {  	[simem:s7], [sflag:s8] =	dma.local @!p0 [hbm:s6], $0xF7A  }
0x23: {  	s9 =	sor.u32 $0xD0000000, s2;
	s6 =	simm.s32 $0x108;
	_ =	swait.ge @!p0 [sflag:s8], $0x0  }
0x24: {  	s3 =	sadd.s32 $0x88, s3;
	s6 =	simm.s32 @!p1 $0x1082;
	[sflag:s4] =	ssyncset.s32 $0xFFFFF086  }
0x25: {  	[simem:s6], [sflag:s4] =	dma.local [hbm:s3], $0xF7A  }
0x26: {  	[smem:$0x3F9B] =	sst s1;
	(tag) =	ssettag s2;
	_ =	strace s9  }
0x27: {  	s1 =	sld [smem:$0x3FAB]  }
0x28: {  	s2 =	sld [smem:$0x3FAC]  }
0x29: {  	s4 =	sld [smem:$0x3FAE]  }
0x2a: {  	p0 =	seq.s32 s5, $0x0;
	s5 =	sld [smem:$0x3FAF]  }
0x2b: {  	s6 =	sld [smem:$0x3FB0]  }
0x2c: {  	s7 =	sld [smem:$0x3FB1]  }
0x2d: {  	s3 =	simm.s32 $0x108;
	s8 =	sld [smem:$0x3FB2]  }
0x2e: {  	s3 =	simm.s32 @!p0 $0x1082;
	s9 =	sld [smem:$0x3FB3]  }
0x2f: {  	lr =	sadd.s32 s0, s3;
	s0 =	sld [smem:$0x3FAA]  }
0x30: {  	s3 =	sld [smem:$0x3FAD]  }
0x31: {  	[smem:$0x3FB6] =	sst s10  }
0x32: {  	s10 =	sld [smem:$0x3FB4];
	_ =	sdelay $0x3  }
0x33: {  	p0 =	seq.s32 s10, $0x1;
	s10 =	sld [smem:$0x3FB6];
	_ =	sdelay $0x3  }
0x34: {  	[smem:$0x3FB6] =	sst s10  }
0x35: {  	s10 =	sld [smem:$0x3FB5];
	_ =	sdelay $0x3  }
0x36: {  	p1 =	seq.s32 s10, $0x1;
	s10 =	sld [smem:$0x3FB6];
	_ =	sdelay $0x3  }
0x37: {  	[smem:$0x3FB6] =	sst s10  }
0x38: {  	s10 =	sld [smem:$0x3FB7]  }
0x39: {  	_ = 	snop;
	(pc) =	sbr.ind lr, $3  }
0x3a: {  	_ = 	snop  }
0x3b: {  	_ = 	snop  }
0x3c: {  	p2 =	seq.s32 s10, $0x1;
	s10 =	sld [smem:$0x3FB6]  }
0x3d: {  	_ =	shalt  }
0x3e: {  	_ =	shalt  }
0x3f: {  	_ =	shalt  }
0x40: {  	_ =	shalt  }
0x41: {  	_ =	shalt  }
0x42: {  	_ =	shalt  }
0x43: {  	_ =	shalt  }
0x44: {  	_ =	shalt  }
0x45: {  	_ =	shalt  }
0x46: {  	_ =	shalt  }
0x47: {  	_ =	shalt  }
0x48: {  	_ =	shalt  }
0x49: {  	_ =	shalt  }
0x4a: {  	_ =	shalt  }
0x4b: {  	_ =	shalt  }
0x4c: {  	_ =	shalt  }
0x4d: {  	_ =	shalt  }
0x4e: {  	_ =	shalt  }
0x4f: {  	_ =	shalt  }
0x50: {  	_ =	shalt  }
0x51: {  	_ =	shalt  }
0x52: {  	_ =	shalt  }
0x53: {  	_ =	shalt  }
0x54: {  	_ =	shalt  }
0x55: {  	_ =	shalt  }
0x56: {  	_ =	shalt  }
0x57: {  	_ =	shalt  }
0x58: {  	_ =	shalt  }
0x59: {  	_ =	shalt  }
0x5a: {  	_ =	shalt  }
0x5b: {  	_ =	shalt  }
0x5c: {  	_ =	shalt  }
0x5d: {  	_ =	shalt  }
0x5e: {  	_ =	shalt  }
0x5f: {  	_ =	shalt  }
0x60: {  	_ =	shalt  }
0x61: {  	_ =	shalt  }
0x62: {  	_ =	shalt  }
0x63: {  	_ =	shalt  }
0x64: {  	_ =	shalt  }
0x65: {  	_ =	shalt  }
0x66: {  	_ =	shalt  }
0x67: {  	_ =	shalt  }
0x68: {  	_ =	shalt  }
0x69: {  	_ =	shalt  }
0x6a: {  	_ =	shalt  }
0x6b: {  	_ =	shalt  }
0x6c: {  	_ =	shalt  }
0x6d: {  	_ =	shalt  }
0x6e: {  	_ =	shalt  }
0x6f: {  	_ =	shalt  }
0x70: {  	_ =	shalt  }
0x71: {  	_ =	shalt  }
0x72: {  	_ =	shalt  }
0x73: {  	_ =	shalt  }
0x74: {  	_ =	shalt  }
0x75: {  	_ =	shalt  }
0x76: {  	_ =	shalt  }
0x77: {  	_ =	shalt  }
0x78: {  	_ =	shalt  }
0x79: {  	_ =	shalt  }
0x7a: {  	_ =	shalt  }
0x7b: {  	_ =	shalt  }
0x7c: {  	_ =	shalt  }
0x7d: {  	_ =	shalt  }
0x7e: {  	_ =	shalt  }
0x7f: {  	_ =	shalt  }
0x80: {  	_ =	shalt  }
0x81: {  	_ =	shalt  }
0x82: {  	_ =	shalt  }
0x83: {  	_ =	shalt  }
0x84: {  	_ =	shalt  }
0x85: {  	_ =	shalt  }
0x86: {  	_ =	shalt  }
0x87: {  	_ =	shalt  }
.Lfunc_end0:
.L_simem_size_0:
called_computation_lowered:
.L_overlay_start_0:
0x88: {  	s2 =	sld [smem:$0x3FD9]  }
0x89: {  	s3 =	sld [smem:$0x3FFE];
	_ =	sdelay $0x1  }
0x8a: {  	s1 =	srdreg.scid  }
0x8b: {  	s0 =	sand.u32 $0x1, s1  }
0x8c: {  	s16 =	sshll.u32 s0, $0xA;
	s2 =	sadd.s32 s3, s2  }
0x8d: {  	s2 =	sadd.s32 s2, s16  }
0x8e: {  	[smem:$0x3FC2] =	sst s2  }
0x8f: {  	_ = 	snop  }
0x90: {  	(tm) =	ssettm $0x1  }
0x91: {  	s17 =	sld [smem:$0x3FFB];
	_ =	sdelay $0x3  }
0x92: {  	_ =	strace s17  }
0x93: {  	s2 =	sld [smem:$0x3FFC];
	_ =	sdelay $0x3  }
0x94: {  	_ =	strace s2  }
0x95: {  	s2 =	sld [smem:$0x3FFD];
	_ =	sdelay $0x3  }
0x96: {  	_ =	strace s2  }
0x97: {  	_ =	strace $0x8FFFFFFF  }
0x98: {  	s18 =	sld [smem:$0x3FDB];
	_ =	sdelay $0x1  }
0x99: {  	s19 =	simm.s32 $_scs_section_size  }
0x9a: {  	s4 =	simm.s32 $_size__tile_overlayer_lowered;
	s5 =	simm.s32 $_tile_overlayer_lowered  }
0x9b: {  	s22 =	simm.s32 $0x1BFF;
	s21 =	sshll.u32 s5, $0x1;
	s2 =	sadd.s32 s19, s18  }
0x9c: {  	s6 =	simm.s32 $0x0;
	s20 =	sshll.u32 s4, $0x1;
	s4 =	sadd.s32 s21, s2  }
0x9d: {  	[timem:s6], [sflag:s22] =	dma.local [hbm:s4], s20  }
0x9e: {  	_ =	swait.ge [sflag:s22], s20  }
0x9f: {  	s3 =	ssub.s32 $0x0, s20;
	[sflag:s22] =	ssyncset.done $0x0  }
0xa0: {  	[sflag:s22] =	ssyncadd.s32 s3;
	_ =	sdelay $0x1  }
0xa1: {  	s23 =	simm.s32 $0x1B8B  }
0xa2: {  	_ =	swait.ge [sflag:s23], $0x1  }
0xa3: {  	[sflag:s23] =	ssyncset.done $0x0  }
0xa4: {  	s25 =	simm.s32 $0x1B8E;
	s24 =	sld [smem:$0x3FFE];
	[sflag:s23] =	ssyncadd.s32 $0xFFFFFFFF  }
0xa5: {  	s26 =	simm.s32 $execute0_lowered;
	[smem:$0x3FD2] =	sst s25  }
0xa6: {  	s4 =	sshll.u32 s26, $0x1;
	_ =	strace $0x80000046;
	[dreg:$0x1] =	wrdreg $0xFFFFFFFF  }
0xa7: {  	s28 =	simm.s32 $_size_execute0_lowered;
	s2 =	sadd.s32 s2, s4;
	[dreg:$0x0] =	wrdreg $0x0  }
0xa8: {  	s4 =	sshll.u32 s28, $0x1;
	[dreg:$0x2] =	wrdreg s2  }
0xa9: {  	[dreg:$0x3] =	wrdreg s4  }
0xaa: {  	[dreg:$0x4] =	wrdreg $0xC0  }
0xab: {  	_ =	task [dreg:s6], $0x5FFFF  }
0xac: {  	[dreg:$0x1] =	wrdreg $0xFFFFFFFF  }
0xad: {  	[dreg:$0x0] =	wrdreg $0x60  }
0xae: {  	[dreg:$0x2] =	wrdreg s24  }
0xaf: {  	[dreg:$0x3] =	wrdreg $0x9  }
0xb0: {  	_ =	task.clear_ibuf [dreg:s6], $0x4FFFF;
	_ =	strace $0x90000046  }
0xb1: {  	s29 =	simm.s32 $0x9;
	_ =	strace $0x80000048  }
0xb2: {  	_ =	swait.ge [sflag:s29], $0x1  }
0xb3: {  	[sflag:s29] =	ssyncadd.s32 $0xFFFFFFFF  }
0xb4: {  	_ =	strace $0x90000048  }
0xb5: {  	_ =	sfence  }
0xb6: {  	s30 =	sld [smem:$0x0];
	_ =	sdelay $0x2  }
0xb7: {  	s31 =	sshll.u32 s1, $0xD;
	s1 =	sshrl.u32 s1, $0x2  }
0xb8: {  	s3 =	sand.u32 $0x4000, s31;
	s1 =	sadd.s32 s1, s30  }
0xb9: {  	s0 =	sor.u32 s3, s0;
	s1 =	sshll.u32 s1, $0x11  }
0xba: {  	s0 =	sor.u32 s1, s0  }
0xbb: {  	s0 =	sadd.s32 $0x8F2B, s0  }
0xbc: {  	[sflag:s0] =	ssyncadd.remote.s32 $0x1  }
0xbd: {  	_ =	sfence.sel $0xFFFF  }
0xbe: {  	[dreg:$0x0] =	wrdreg $0xFFFFFFFF;
	(pc) =	sbr.abs _section_cstart, $3  }
0xbf: {  	[dreg:$0x1] =	wrdreg $0xFFFFFFFF  }
0xc0: {  	_ =	task.clear_ibuf [dreg:s6], $0x2FFFF;
	_ =	strace $0x9FFFFFFF  }
0xc1: {  	(tm) =	ssettm $0x7FFFFFFF  }
tec
execute0_lowered:
.L_overlay_start_1:
0x0: {  	(tag) =	ssettag $0x1  }
0x1: {  	s0 =	rddreg [dreg:$0x0]  }
0x2: {  	s30 =	simm.s32 $0x0;
	s2 =	srdreg.scid;
	s1 =	stileid.u32  }
0x3: {  	[smem:$0x7FF] =	sst s30;
	s2 =	sand.u32 $0x1, s2;
	s3 =	sadd.s32 $0x7B800, s0  }
0x4: {  	s4 =	sadd.s32 $0x1000, s0;
	s5 =	sadd.s32 $0x19800, s0;
	s7 =	sadd.s32 $0x4A800, s0  }
0x5: {  	s8 =	sadd.s32 $0x63000, s0;
	s11 =	sshll.u32 s1, $0x4;
	s17 =	smul.u32 $0x6180, s1  }
0x6: {  	_ =	strace $0x80000047;
	s6 =	sshll.u32 s2, $0x4;
	s11 =	sand.u32 $0x70, s11  }
0x7: {  	s12 =	ssub.s32 $0x2, s2;
	s2 =	smul.u32 $0x61800, s2;
	s10 =	sor.u32 s1, s6  }
0x8: {  	s6 =	sadd.s32 $0x32000, s0;
	s13 =	sshrl.u32 s12, $0x1;
	s0 =	sadd.s32 s11, s0  }
0x9: {  	s1 =	simm.s32 $0x0;
	s9 =	smax.u32 s10, $0x16;
	s14 =	smul.u32 $0x6180, s10  }
0xa: {  	s11 =	ssub.s32 s12, s13;
	s28 =	sshll.u32 s10, $0x4;
	s18 =	sadd.s32 s17, s2  }
0xb: {  	s9 =	sshll.u32 s9, $0x7;
	s13 =	sand.u32 $0x180, s28;
	s28 =	smax.u32 s11, $0x1  }
0xc: {  	[dreg:$0xa] =	wrdreg s18;
	s9 =	sadd.s32 $0xC2500, s9;
	s12 =	sshrl.u32 s14, $0x3  }
0xd: {  	s0 =	sadd.s32 s13, s0;
	[dreg:$0x13] =	wrdreg s28;
	s26 =	sadd.s32 s4, s12  }
0xe: {  	s15 =	sshrl.u32 s9, $0x3;
	s0 =	sadd.s32 $0xBB800, s0;
	[dreg:$0x7] =	wrdreg s26  }
0xf: {  	p0 =	sgt.u32 s10, $0x15;
	s21 =	sadd.s32 s4, s15;
	[dreg:$0x12] =	wrdreg s0  }
0x10: {  	s2 =	simm.f32 $1.000000000e+00;
	s22 =	sadd.s32 s5, s15;
	[dreg:$0x2] =	wrdreg s21  }
0x11: {  	s17 =	simm.s32 $0x9C0;
	s23 =	sadd.s32 s6, s15;
	[dreg:$0x3] =	wrdreg s22  }
0x12: {  	s16 =	sadd.s32 $0x9C0, s14;
	s24 =	sadd.s32 s7, s15;
	[dreg:$0x4] =	wrdreg s23  }
0x13: {  	s29 =	sshrl.u32 s16, $0x3;
	s25 =	sadd.s32 s8, s15;
	[dreg:$0x5] =	wrdreg s24  }
0x14: {  	s2 =	simm.s32 @!p0 $0x0;
	s10 =	sadd.s32 s4, s29;
	[dreg:$0x6] =	wrdreg s25  }
0x15: {  	s31 =	sadd.s32 $0x9F0, s18;
	s13 =	sadd.s32 s5, s29;
	[dreg:$0x8] =	wrdreg s10  }
0x16: {  	s11 =	simm.s32 $0x8;
	s19 =	sadd.s32 s6, s29;
	[dreg:$0x9] =	wrdreg s13  }
0x17: {  	s20 =	sadd.s32 s7, s29;
	s26 =	sadd.s32 $0x1380, s14;
	[dreg:$0xb] =	wrdreg s19  }
0x18: {  	s29 =	sadd.s32 $0x13B0, s18;
	s18 =	simm.s32 $0x9;
	[dreg:$0xc] =	wrdreg s20  }
0x19: {  	s15 =	simm.s32 $0x4;
	s21 =	sadd.s32 s5, s12;
	[dreg:$0x14] =	wrdreg s29  }
0x1a: {  	s22 =	sadd.s32 s6, s12;
	s23 =	sadd.s32 s7, s12;
	[dreg:$0xd] =	wrdreg s21  }
0x1b: {  	s24 =	sadd.s32 s8, s12;
	s25 =	sadd.s32 $0x1D40, s14;
	[dreg:$0xe] =	wrdreg s22  }
0x1c: {  	s19 =	simm.s32 $0xB;
	s14 =	simm.s32 $0x1;
	[dreg:$0xf] =	wrdreg s23  }
0x1d: {  	s10 =	simm.s32 $0x5;
	s12 =	simm.s32 $0x3;
	[dreg:$0x10] =	wrdreg s24  }
0x1e: {  	v0 =	vmov s2;
	s13 =	simm.s32 $0x6;
	[dreg:$0x11] =	wrdreg s25;
	s25 =	simm.s32 $0x2  }
.LBB2_1:
0x1f: {  	[dreg:$0x15] =	wrdreg s1  }
0x20: {  	s0 =	rddreg [dreg:$0x2];
	s29 =	simm.s32 $0xB400  }
0x21: {  	[tilespmem:s29], [sflag:$0xB] =	stream.linear.gather [hbm4b:s0+s30], $0x80, $0x38;
	[tilespmem:$0xB900] =	vst v63  }
0x22: {  	_ =	swait.ge [sflag:s19], $0x80  }
0x23: {  	[sflag:s19] =	ssyncset.done $0x0  }
0x24: {  	s20 =	simm.s32 $0xB480;
	s2 =	rddreg [dreg:$0x3];
	[sflag:s19] =	ssyncadd.s32 $0xFFFFFF80  }
0x25: {  	[tilespmem:s20], [sflag:$0xB] =	stream.linear.gather [hbm4b:s2+s30], $0x80, $0x38;
	[tilespmem:$0xB900] =	vst v63  }
0x26: {  	_ =	swait.ge [sflag:s19], $0x80  }
0x27: {  	[sflag:s19] =	ssyncset.done $0x0  }
0x28: {  	s22 =	simm.s32 $0xB500;
	s21 =	rddreg [dreg:$0x4];
	[sflag:s19] =	ssyncadd.s32 $0xFFFFFF80  }
0x29: {  	[tilespmem:s22], [sflag:$0xB] =	stream.linear.gather [hbm4b:s21+s30], $0x80, $0x38;
	[tilespmem:$0xB900] =	vst v63  }
0x2a: {  	_ =	swait.ge [sflag:s19], $0x80  }
0x2b: {  	[sflag:s19] =	ssyncset.done $0x0  }
0x2c: {  	s24 =	simm.s32 $0xB580;
	s23 =	rddreg [dreg:$0x5];
	[sflag:s19] =	ssyncadd.s32 $0xFFFFFF80  }
0x2d: {  	[tilespmem:s24], [sflag:$0xB] =	stream.linear.gather [hbm4b:s23+s30], $0x80, $0x38;
	[tilespmem:$0xB900] =	vst v63  }
0x2e: {  	_ =	swait.ge [sflag:s19], $0x80  }
0x2f: {  	[sflag:s19] =	ssyncset.done $0x0  }
0x30: {  	s29 =	simm.s32 $0xB600;
	s28 =	rddreg [dreg:$0x6];
	[sflag:s19] =	ssyncadd.s32 $0xFFFFFF80  }
0x31: {  	[tilespmem:s29], [sflag:$0xB] =	stream.linear.gather [hbm4b:s28+s30], $0x80, $0x38;
	[tilespmem:$0xB900] =	vst v63  }
0x32: {  	_ =	swait.ge [sflag:s19], $0x80  }
0x33: {  	[sflag:s19] =	ssyncset.done $0x0  }
0x34: {  	p0 =	por $0x1, $0x1;
	s0 =	simm.s32 $0x0;
	[sflag:s19] =	ssyncadd.s32 $0xFFFFFF80  }
.LBB2_2:
0x35: {  	s2 =	sor.u32 s9, s0  }
0x36: {  	s20 =	sshrl.u32 s2, $0x5  }
0x37: {  	s20 =	smulhi.u32 $0xA7C5AC5, s20  }
0x38: {  	v1 =	vld [tilespmem:s0+$0xB400]  }
0x39: {  	s20 =	sshrl.u32 s20, $0x7  }
0x3a: {  	v3 =	vld [tilespmem:s0+$0xB480];
	v2 =	vmov s20  }
0x3b: {  	v2 =	vshll.u32 v2, $0x12  }
0x3c: {  	v2 =	vbroadcast v2, $0x0  }
0x3d: {  	v1 =	vshll.u32 v1, $0x9  }
0x3e: {  	v1 =	vadd.s32 v2, v1  }
0x3f: {  	v1 =	vadd.s32 v3, v1  }
0x40: {  	[tilespmem:s0+$0xB680] =	vst v1;
	v1 =	vld [tilespmem:s0+$0xB500];
	_ =	sdelay $0x1  }
0x41: {  	v3 =	vld [tilespmem:s0+$0xB580];
	_ =	sdelay $0x2  }
0x42: {  	v1 =	vshll.u32 v1, $0x9  }
0x43: {  	v1 =	vadd.s32 v2, v1  }
0x44: {  	v1 =	vadd.s32 v3, v1  }
0x45: {  	[tilespmem:s0+$0xB700] =	vst v1;
	v1 =	vld [tilespmem:s0+$0xB410];
	_ =	sdelay $0x1  }
0x46: {  	v3 =	vld [tilespmem:s0+$0xB490];
	_ =	sdelay $0x2  }
0x47: {  	v1 =	vshll.u32 v1, $0x9  }
0x48: {  	v1 =	vadd.s32 v2, v1  }
0x49: {  	v1 =	vadd.s32 v3, v1  }
0x4a: {  	[tilespmem:s0+$0xB690] =	vst v1;
	v1 =	vld [tilespmem:s0+$0xB510];
	_ =	sdelay $0x1  }
0x4b: {  	v3 =	vld [tilespmem:s0+$0xB590];
	_ =	sdelay $0x2  }
0x4c: {  	s2 =	sor.u32 $0x20, s2;
	v1 =	vshll.u32 v1, $0x9  }
0x4d: {  	s2 =	sshrl.u32 s2, $0x5;
	v1 =	vadd.s32 v2, v1  }
0x4e: {  	s2 =	smulhi.u32 $0xA7C5AC5, s2;
	v1 =	vadd.s32 v3, v1  }
0x4f: {  	[tilespmem:s0+$0xB710] =	vst v1;
	v1 =	vld [tilespmem:s0+$0xB420]  }
0x50: {  	s2 =	sshrl.u32 s2, $0x7  }
0x51: {  	v2 =	vmov s2;
	v3 =	vld [tilespmem:s0+$0xB4A0]  }
0x52: {  	v2 =	vshll.u32 v2, $0x12  }
0x53: {  	v2 =	vbroadcast v2, $0x0  }
0x54: {  	v1 =	vshll.u32 v1, $0x9  }
0x55: {  	v1 =	vadd.s32 v2, v1  }
0x56: {  	v1 =	vadd.s32 v3, v1  }
0x57: {  	[tilespmem:s0+$0xB6A0] =	vst v1;
	v1 =	vld [tilespmem:s0+$0xB520];
	_ =	sdelay $0x1  }
0x58: {  	v3 =	vld [tilespmem:s0+$0xB5A0];
	_ =	sdelay $0x2  }
0x59: {  	v1 =	vshll.u32 v1, $0x9  }
0x5a: {  	v1 =	vadd.s32 v2, v1  }
0x5b: {  	v1 =	vadd.s32 v3, v1  }
0x5c: {  	[tilespmem:s0+$0xB720] =	vst v1;
	v1 =	vld [tilespmem:s0+$0xB430];
	_ =	sdelay $0x1  }
0x5d: {  	v3 =	vld [tilespmem:s0+$0xB4B0];
	_ =	sdelay $0x2  }
0x5e: {  	v1 =	vshll.u32 v1, $0x9  }
0x5f: {  	v1 =	vadd.s32 v2, v1  }
0x60: {  	v1 =	vadd.s32 v3, v1  }
0x61: {  	[tilespmem:s0+$0xB6B0] =	vst v1;
	v1 =	vld [tilespmem:s0+$0xB530];
	_ =	sdelay $0x1  }
0x62: {  	v3 =	vld [tilespmem:s0+$0xB5B0]  }
0x63: {  	p1 =	por p0, p0  }
.Ltmp0:
0x64: {  	_ = 	snop;
	(pc) =	sbr.rel @p1 .LBB2_2-.Ltmp0, $4  }
0x65: {  	v1 =	vshll.u32 v1, $0x9  }
0x66: {  	v1 =	vadd.s32 v2, v1  }
0x67: {  	v1 =	vadd.s32 v3, v1  }
0x68: {  	p0 =	por $0x0, $0x0;
	[tilespmem:s0+$0xB730] =	vst v1;
	s0 =	simm.s32 $0x40  }
0x69: {  	s0 =	simm.s32 $0x0;
	s1 =	rddreg [dreg:$0x7]  }
0x6a: {  	[tilespmem:s0], [sflag:$0x1] =	stream.linear.gather [hbm4b:s1+s0], $0x9C0, $0x38;
	[tilespmem:$0xB900] =	vst v63  }
0x6b: {  	s28 =	rddreg [dreg:$0xd];
	s2 =	simm.s32 $0xA00  }
0x6c: {  	[tilespmem:s2], [sflag:$0x1] =	stream.linear.gather [hbm4b:s28+s0], $0x9C0, $0x38;
	[tilespmem:$0xB900] =	vst v63  }
0x6d: {  	s29 =	rddreg [dreg:$0xe];
	s30 =	simm.s32 $0x1400  }
0x6e: {  	[tilespmem:s30], [sflag:$0x1] =	stream.linear.gather [hbm4b:s29+s0], $0x9C0, $0x38;
	[tilespmem:$0xB900] =	vst v63  }
0x6f: {  	s19 =	simm.s32 $0x1E00;
	s2 =	rddreg [dreg:$0xf]  }
0x70: {  	[tilespmem:s19], [sflag:$0x1] =	stream.linear.gather [hbm4b:s2+s0], $0x9C0, $0x38;
	[tilespmem:$0xB900] =	vst v63  }
0x71: {  	s20 =	rddreg [dreg:$0x8];
	s21 =	simm.s32 $0x2800  }
0x72: {  	[tilespmem:s21], [sflag:$0x2] =	stream.linear.gather [hbm4b:s20+s0], $0x9C0, $0x38;
	[tilespmem:$0xB900] =	vst v63  }
0x73: {  	s22 =	rddreg [dreg:$0x9];
	s23 =	simm.s32 $0x3200  }
0x74: {  	[tilespmem:s23], [sflag:$0x2] =	stream.linear.gather [hbm4b:s22+s0], $0x9C0, $0x38;
	[tilespmem:$0xB900] =	vst v63  }
0x75: {  	s24 =	rddreg [dreg:$0xb];
	s28 =	simm.s32 $0x3C00  }
0x76: {  	[tilespmem:s28], [sflag:$0x2] =	stream.linear.gather [hbm4b:s24+s0], $0x9C0, $0x38;
	[tilespmem:$0xB900] =	vst v63  }
0x77: {  	s29 =	rddreg [dreg:$0xc];
	s30 =	simm.s32 $0x4600  }
0x78: {  	[tilespmem:s30], [sflag:$0x2] =	stream.linear.gather [hbm4b:s29+s0], $0x9C0, $0x38;
	[tilespmem:$0xB900] =	vst v63  }
0x79: {  	_ =	swait.ge [sflag:s14], $0x9C0  }
0x7a: {  	[sflag:s14] =	ssyncset.done $0x0  }
0x7b: {  	[sflag:s14] =	ssyncadd.s32 $0xFFFFF640  }
0x7c: {  	_ =	swait.ge [sflag:s14], $0x9C0  }
0x7d: {  	[sflag:s14] =	ssyncset.done $0x0  }
0x7e: {  	[sflag:s14] =	ssyncadd.s32 $0xFFFFF640  }
0x7f: {  	_ =	swait.ge [sflag:s14], $0x9C0  }
0x80: {  	[sflag:s14] =	ssyncset.done $0x0  }
0x81: {  	[sflag:s14] =	ssyncadd.s32 $0xFFFFF640  }
0x82: {  	_ =	swait.ge [sflag:s14], $0x9C0  }
0x83: {  	s19 =	rddreg [dreg:$0xa]  }
0x84: {  	[sflag:s14] =	ssyncset.done $0x0;
	s23 =	sadd.s32 $0x30, s19  }
0x85: {  	s2 =	simm.s32 $0x0;
	[sflag:s14] =	ssyncadd.s32 $0xFFFFF640;
	s20 =	sshrl.u32 s23, $0x5  }
0x86: {  	s21 =	sadd.s32 $0x10, s19;
	s28 =	sshrl.u32 s19, $0x5;
	v2 =	vld [tilespmem:s2+$0x1430];
	s20 =	smulhi.u32 $0xA7C5AC5, s20  }
0x87: {  	v3 =	vld [tilespmem:s2+$0x0];
	s21 =	sshrl.u32 s21, $0x5;
	s29 =	smulhi.u32 $0xA7C5AC5, s28  }
0x88: {  	s22 =	sadd.s32 $0x20, s19;
	v4 =	vld [tilespmem:s2+$0x1E30];
	s21 =	smulhi.u32 $0xA7C5AC5, s21;
	s20 =	sshrl.u32 s20, $0x7  }
0x89: {  	v6 =	vld [tilespmem:s2+$0x1400];
	s24 =	sshrl.u32 s22, $0x5;
	v1 =	vmov s20  }
0x8a: {  	v8 =	vld [tilespmem:s2+$0x1410];
	s30 =	sshrl.u32 s29, $0x7;
	s21 =	sshrl.u32 s21, $0x7;
	s20 =	smulhi.u32 $0xA7C5AC5, s24;
	v1 =	vshll.u32 v1, $0x12  }
0x8b: {  	v13 =	vld [tilespmem:s2+$0x20];
	v9 =	vmov s30;
	v5 =	vmov s21;
	v1 =	vbroadcast v1, $0x0  }
0x8c: {  	v7 =	vld [tilespmem:s2+$0x10];
	v9 =	vshll.u32 v9, $0x12;
	v2 =	vshll.u32 v2, $0x9;
	v5 =	vshll.u32 v5, $0x12;
	s20 =	sshrl.u32 s20, $0x7  }
0x8d: {  	v14 =	vld [tilespmem:s2+$0x1420];
	v11 =	vbroadcast v9, $0x0;
	v10 =	vmov s20;
	v2 =	vadd.s32 v1, v2  }
0x8e: {  	v3 =	vshll.u32 v3, $0x9;
	v10 =	vshll.u32 v10, $0x12;
	v4 =	vadd.s32 v4, v2;
	v2 =	vld [tilespmem:s2+$0x30]  }
0x8f: {  	v6 =	vshll.u32 v6, $0x9;
	v15 =	vbroadcast v5, $0x0;
	v5 =	vbroadcast v10, $0x0;
	v10 =	vld [tilespmem:s2+$0xA00]  }
0x90: {  	v9 =	vld [tilespmem:s2+$0x1E00];
	v13 =	vshll.u32 v13, $0x9;
	v12 =	vadd.s32 v3, v11;
	v3 =	vshll.u32 v8, $0x9  }
0x91: {  	v11 =	vadd.s32 v11, v6;
	v6 =	vadd.s32 v15, v3;
	[tilespmem:s2+$0x6E30] =	vst v4;
	v4 =	vshll.u32 v7, $0x9;
	v7 =	vld [tilespmem:s2+$0xA10]  }
0x92: {  	s21 =	sadd.s32 $0x40, s19;
	s20 =	simm.s32 $0x0;
	v8 =	vld [tilespmem:s2+$0x1E10];
	v4 =	vadd.s32 v4, v15;
	v3 =	vadd.s32 v13, v5;
	v13 =	vshll.u32 v14, $0x9  }
.LBB2_4:
0x93: {  	s22 =	sadd.s32 $0x10, s21;
	s28 =	sadd.s32 $0x30, s21;
	s20 =	sadd.s32 $0x4, s20;
	v14 =	vld [tilespmem:s2+$0xA20];
	v5 =	vadd.s32 v5, v13;
	v2 =	vshll.u32 v2, $0x9  }
0x94: {  	s0 =	sadd.s32 $0x100, s0;
	s28 =	sshrl.u32 s28, $0x5;
	p0 =	slt.u32 s20, $0x98;
	v10 =	vadd.s32 v10, v12;
	v12 =	vld [tilespmem:s2+$0x1E20];
	v2 =	vadd.s32 v2, v1  }
0x95: {  	s30 =	sadd.s32 $0x20, s21;
	s29 =	sshra.s32 s0, $0x2;
	s28 =	smulhi.u32 $0xA7C5AC5, s28;
	[tilespmem:s2+$0x6400] =	vst v10;
	v1 =	vadd.s32 v9, v11;
	v9 =	vld [tilespmem:s2+$0xA30]  }
0x96: {  	s23 =	sshrl.u32 s21, $0x5;
	s22 =	sshrl.u32 s22, $0x5;
	s30 =	sshrl.u32 s30, $0x5;
	v10 =	vld [tilespmem:s29+$0x1430];
	[tilespmem:s2+$0x6E00] =	vst v1;
	v1 =	vadd.s32 v7, v4  }
0x97: {  	s22 =	smulhi.u32 $0xA7C5AC5, s22;
	v4 =	vld [tilespmem:s29+$0x0];
	s28 =	sshrl.u32 s28, $0x7;
	[tilespmem:s2+$0x6410] =	vst v1;
	v1 =	vadd.s32 v8, v6  }
0x98: {  	s30 =	smulhi.u32 $0xA7C5AC5, s30;
	v6 =	vmov s28;
	v7 =	vld [tilespmem:s29+$0x1E30];
	[tilespmem:s2+$0x6E10] =	vst v1;
	v1 =	vadd.s32 v14, v3  }
0x99: {  	s23 =	smulhi.u32 $0xA7C5AC5, s23;
	s22 =	sshrl.u32 s22, $0x7;
	v3 =	vld [tilespmem:s29+$0x1400];
	v6 =	vshll.u32 v6, $0x12;
	[tilespmem:s2+$0x6420] =	vst v1;
	v5 =	vadd.s32 v12, v5  }
0x9a: {  	v8 =	vmov s22;
	s22 =	sshrl.u32 s30, $0x7;
	v11 =	vld [tilespmem:s29+$0x10];
	v1 =	vbroadcast v6, $0x0;
	[tilespmem:s2+$0x6E20] =	vst v5;
	v2 =	vadd.s32 v9, v2  }
0x9b: {  	s23 =	sshrl.u32 s23, $0x7;
	v5 =	vshll.u32 v8, $0x12;
	v8 =	vmov s22;
	v6 =	vld [tilespmem:s29+$0x1410];
	v9 =	vshll.u32 v10, $0x9;
	[tilespmem:s2+$0x6430] =	vst v2;
	s2 =	smov.u32 s29  }
0x9c: {  	v2 =	vmov s23;
	v8 =	vshll.u32 v8, $0x12;
	v13 =	vld [tilespmem:s2+$0x20];
	v9 =	vadd.s32 v1, v9  }
0x9d: {  	v14 =	vbroadcast v5, $0x0;
	v2 =	vshll.u32 v2, $0x12;
	v15 =	vld [tilespmem:s2+$0x1420];
	v7 =	vadd.s32 v7, v9  }
.Ltmp1:
0x9e: {  	v4 =	vshll.u32 v4, $0x9;
	v5 =	vbroadcast v8, $0x0;
	v16 =	vbroadcast v2, $0x0;
	v2 =	vld [tilespmem:s2+$0x30];
	[tilespmem:s2+$0x6E30] =	vst v7;
	(pc) =	sbr.rel @p0 .LBB2_4-.Ltmp1, $4  }
0x9f: {  	v3 =	vshll.u32 v3, $0x9;
	v10 =	vld [tilespmem:s2+$0xA00];
	v7 =	vshll.u32 v11, $0x9  }
0xa0: {  	v12 =	vadd.s32 v4, v16;
	v9 =	vld [tilespmem:s2+$0x1E00];
	v4 =	vadd.s32 v7, v14;
	v6 =	vshll.u32 v6, $0x9  }
0xa1: {  	v11 =	vadd.s32 v16, v3;
	v7 =	vld [tilespmem:s2+$0xA10];
	v6 =	vadd.s32 v14, v6;
	v3 =	vshll.u32 v13, $0x9  }
0xa2: {  	s21 =	sadd.s32 $0x40, s21;
	v8 =	vld [tilespmem:s2+$0x1E10];
	v3 =	vadd.s32 v3, v5;
	v13 =	vshll.u32 v15, $0x9  }
0xa3: {  	v14 =	vld [tilespmem:s2+$0xA20]  }
0xa4: {  	v61 =	vld [tilespmem:s2+$0x1E20];
	v10 =	vadd.s32 v10, v12  }
0xa5: {  	v62 =	vld [tilespmem:s2+$0xA30];
	[tilespmem:s2+$0x6400] =	vst v10;
	v9 =	vadd.s32 v9, v11  }
0xa6: {  	[tilespmem:s2+$0x6E00] =	vst v9;
	v4 =	vadd.s32 v7, v4  }
0xa7: {  	[tilespmem:s2+$0x6410] =	vst v4;
	v63 =	vadd.s32 v8, v6  }
0xa8: {  	v5 =	vadd.s32 v5, v13;
	v2 =	vshll.u32 v2, $0x9;
	[tilespmem:s2+$0x6E10] =	vst v63;
	v3 =	vadd.s32 v14, v3  }
0xa9: {  	v1 =	vadd.s32 v2, v1;
	v2 =	vadd.s32 v61, v5;
	[tilespmem:s2+$0x6420] =	vst v3  }
0xaa: {  	v1 =	vadd.s32 v62, v1;
	[tilespmem:s2+$0x6E20] =	vst v2  }
0xab: {  	s0 =	simm.s32 $0x80;
	s1 =	simm.s32 $0xB680;
	s30 =	simm.s32 $0xB780;
	[tilespmem:s2+$0x6430] =	vst v1  }
0xac: {  	[tilespmem:s30], [sflag:$0x7] =	stream.indirect.gather [hbm4b:s3+s0], $0x1, s1, s0, $0xb8;
	[tilespmem:$0xB900] =	vst v63  }
0xad: {  	s19 =	simm.s32 $0xB800;
	s2 =	simm.s32 $0xB700  }
0xae: {  	[tilespmem:s19], [sflag:$0xA] =	stream.indirect.gather [hbm4b:s3+s0], $0x1, s2, s0, $0xb8;
	[tilespmem:$0xB900] =	vst v63  }
0xaf: {  	s20 =	simm.s32 $0x6400;
	s21 =	simm.s32 $0x8C00  }
0xb0: {  	[tilespmem:s21], [sflag:$0x5] =	stream.indirect.gather [hbm4b:s3+s17], $0x1, s20, s17, $0xb8;
	[tilespmem:$0xB900] =	vst v63  }
0xb1: {  	s22 =	simm.s32 $0x6E00;
	s23 =	simm.s32 $0x9600;
	s24 =	rddreg [dreg:$0x10]  }
0xb2: {  	[tilespmem:s23], [sflag:$0x8] =	stream.indirect.gather [hbm4b:s3+s17], $0x1, s22, s17, $0xb8;
	[tilespmem:$0xB900] =	vst v63  }
0xb3: {  	s28 =	simm.s32 $0x5000;
	s29 =	simm.s32 $0x7;
	s0 =	simm.s32 $0x0  }
0xb4: {  	[tilespmem:s28], [sflag:$0x3] =	stream.linear.gather [hbm4b:s24+s0], $0x9C0, $0x38;
	[tilespmem:$0xB900] =	vst v63  }
0xb5: {  	_ =	swait.ge [sflag:s29], $0x80  }
0xb6: {  	[sflag:s29] =	ssyncset.done $0x0  }
0xb7: {  	s30 =	simm.s32 $0xA;
	[sflag:s29] =	ssyncadd.s32 $0xFFFFFF80  }
0xb8: {  	_ =	swait.ge [sflag:s30], $0x80  }
0xb9: {  	[sflag:s30] =	ssyncset.done $0x0  }
0xba: {  	p0 =	por $0x1, $0x1;
	v1 =	vimm.f32 $0.0e+00;
	[sflag:s30] =	ssyncadd.s32 $0xFFFFFF80  }
.LBB2_6:
0xbb: {  	v2 =	vld [tilespmem:s0+$0xB780]  }
0xbc: {  	v3 =	vld [tilespmem:s0+$0xB800];
	_ =	sdelay $0x1  }
0xbd: {  	v4 =	vld [tilespmem:s0+$0xB600];
	_ =	sdelay $0x2  }
0xbe: {  	v2 =	vsub.f32 v2, v3;
	_ =	sdelay $0x1  }
0xbf: {  	v3 =	vmul.f32 v4, v2;
	_ =	sdelay $0x1  }
0xc0: {  	v3 =	vxor.u32 $0x80000000, v3  }
0xc1: {  	v5 =	vand.u32 $0x7FFFFFFF, v3  }
0xc2: {  	v5 =	vsub.f32 $0.0e+00, v5  }
0xc3: {  	v6 =	vld [tilespmem:s0+$0xB790]  }
0xc4: {  	v7 =	vld [tilespmem:s0+$0xB810];
	v5 =	vmul.f32 $1.442695020e+00, v5;
	_ =	sdelay $0x1  }
0xc5: {  	v26 =	vld [tilespmem:s0+$0xB610];
	(erf) = vpow2.f32 v5;
	_ =	sdelay $0x2  }
0xc6: {  	v6 =	vsub.f32 v6, v7;
	_ =	sdelay $0x1  }
0xc7: {  	v7 =	vmul.f32 v26, v6;
	_ =	sdelay $0x1  }
0xc8: {  	v7 =	vxor.u32 $0x80000000, v7  }
0xc9: {  	v8 =	vand.u32 $0x7FFFFFFF, v7  }
0xca: {  	v8 =	vsub.f32 $0.0e+00, v8;
	v9 =	vpop (erf)  }
0xcb: {  	v11 =	vld [tilespmem:s0+$0xB7A0];
	v10 =	vadd.f32 $2.000000000e+00, v9  }
0xcc: {  	v12 =	vld [tilespmem:s0+$0xB820];
	v8 =	vmul.f32 $1.442695020e+00, v8  }
0xcd: {  	(erf) = vrcp.f32 v10  }
0xce: {  	v27 =	vld [tilespmem:s0+$0xB620];
	(erf) = vpow2.f32 v8;
	_ =	sdelay $0x2  }
0xcf: {  	v28 =	vsub.f32 v11, v12;
	_ =	sdelay $0x1  }
0xd0: {  	v11 =	vmul.f32 v27, v28;
	_ =	sdelay $0x1  }
0xd1: {  	v11 =	vxor.u32 $0x80000000, v11  }
0xd2: {  	v13 =	vand.u32 $0x7FFFFFFF, v11;
	v29 =	vpop (erf)  }
0xd3: {  	v13 =	vsub.f32 $0.0e+00, v13;
	v14 =	vpop (erf)  }
0xd4: {  	v16 =	vld [tilespmem:s0+$0xB7B0];
	v15 =	vadd.f32 $2.000000000e+00, v14  }
0xd5: {  	v17 =	vld [tilespmem:s0+$0xB830];
	v13 =	vmul.f32 $1.442695020e+00, v13  }
0xd6: {  	(erf) = vrcp.f32 v15  }
0xd7: {  	v30 =	vld [tilespmem:s0+$0xB630];
	(erf) = vpow2.f32 v13;
	_ =	sdelay $0x2  }
0xd8: {  	v31 =	vsub.f32 v16, v17;
	_ =	sdelay $0x1  }
0xd9: {  	v16 =	vmul.f32 v30, v31;
	_ =	sdelay $0x1  }
0xda: {  	v16 =	vxor.u32 $0x80000000, v16  }
0xdb: {  	v18 =	vand.u32 $0x7FFFFFFF, v16;
	v32 =	vpop (erf)  }
0xdc: {  	v18 =	vsub.f32 $0.0e+00, v18;
	v19 =	vpop (erf)  }
0xdd: {  	v20 =	vadd.f32 $2.000000000e+00, v19  }
0xde: {  	v18 =	vmul.f32 $1.442695020e+00, v18  }
0xdf: {  	(erf) = vrcp.f32 v20  }
0xe0: {  	(erf) = vpow2.f32 v18;
	_ =	sdelay $0x7  }
0xe1: {  	v33 =	vpop (erf)  }
0xe2: {  	v9 =	vmul.f32 v29, v9;
	v35 =	vpop (erf)  }
0xe3: {  	v22 =	vadd.f32 $2.000000000e+00, v35  }
0xe4: {  	v34 =	vmul.f32 v9, v9  }
0xe5: {  	(erf) = vrcp.f32 v22  }
0xe6: {  	v21 =	vmul.f32 $1.428571490e-01, v34;
	_ =	sdelay $0x1  }
0xe7: {  	v21 =	vadd.f32 $2.000000030e-01, v21;
	_ =	sdelay $0x1  }
0xe8: {  	v36 =	vmul.f32 v21, v34;
	v14 =	vmul.f32 v32, v14  }
0xe9: {  	v53 =	vmul.f32 v27, v27  }
0xea: {  	v58 =	vmul.f32 v30, v30;
	v17 =	vadd.f32 $3.333333430e-01, v36;
	v37 =	vmul.f32 v14, v14  }
0xeb: {  	v4 =	vmul.f32 v4, v4;
	v12 =	vmul.f32 v33, v19  }
0xec: {  	v17 =	vmul.f32 v17, v34;
	v38 =	vmul.f32 $1.428571490e-01, v37;
	v40 =	vpop (erf)  }
0xed: {  	v19 =	vmul.f32 v12, v12;
	v20 =	vmul.f32 v40, v35  }
0xee: {  	v2 =	vmul.f32 v2, v2;
	v9 =	vadd.f32 v9, v9;
	v39 =	vadd.f32 $2.000000030e-01, v38  }
0xef: {  	v17 =	vadd.f32 $1.000000000e+00, v17;
	v42 =	vmul.f32 $1.428571490e-01, v19;
	v22 =	vmul.f32 v20, v20  }
0xf0: {  	v6 =	vmul.f32 v6, v6;
	v18 =	vmul.f32 v39, v37  }
0xf1: {  	v9 =	vmul.f32 v17, v9;
	v44 =	vadd.f32 $2.000000030e-01, v42;
	v46 =	vmul.f32 $1.428571490e-01, v22  }
0xf2: {  	v45 =	vsub.f32 $1.000000000e+00, v4;
	v3 =	vmax.f32 v3, $0.0e+00;
	v41 =	vadd.f32 $3.333333430e-01, v18  }
0xf3: {  	v3 =	vadd.f32 v9, v3;
	v17 =	vmul.f32 v44, v19;
	v47 =	vadd.f32 $2.000000030e-01, v46  }
0xf4: {  	v56 =	vsub.f32 $1.000000000e+00, v53;
	v2 =	vmul.f32 v45, v2;
	v43 =	vmul.f32 v41, v37  }
0xf5: {  	v3 =	vmul.f32 v3, v4;
	v48 =	vadd.f32 $3.333333430e-01, v17;
	v4 =	vmul.f32 v47, v22  }
0xf6: {  	v5 =	vmul.f32 v26, v26;
	v14 =	vadd.f32 v14, v14;
	v9 =	vadd.f32 $1.000000000e+00, v43  }
0xf7: {  	v7 =	vmax.f32 v7, $0.0e+00;
	v49 =	vmul.f32 v48, v19;
	v4 =	vadd.f32 $3.333333430e-01, v4  }
0xf8: {  	v50 =	vsub.f32 $1.000000000e+00, v5;
	v2 =	vadd.f32 v3, v2;
	v9 =	vmul.f32 v9, v14  }
0xf9: {  	v52 =	vadd.f32 v12, v12;
	v51 =	vadd.f32 $1.000000000e+00, v49;
	v4 =	vmul.f32 v4, v22  }
0xfa: {  	v57 =	vmul.f32 v28, v28;
	v1 =	vadd.f32 v2, v1;
	v3 =	vadd.f32 v9, v7  }
0xfb: {  	v55 =	vadd.f32 v20, v20;
	v2 =	vmul.f32 v51, v52;
	v4 =	vadd.f32 $1.000000000e+00, v4  }
0xfc: {  	v61 =	vsub.f32 $1.000000000e+00, v58;
	v54 =	vmax.f32 v11, $0.0e+00;
	v6 =	vmul.f32 v50, v6  }
0xfd: {  	v3 =	vmul.f32 v3, v5;
	v2 =	vadd.f32 v2, v54;
	v4 =	vmul.f32 v4, v55  }
0xfe: {  	v62 =	vmul.f32 v31, v31;
	v59 =	vmul.f32 v56, v57;
	v60 =	vmax.f32 v16, $0.0e+00  }
0xff: {  	v3 =	vadd.f32 v3, v6;
	v2 =	vmul.f32 v2, v53;
	v4 =	vadd.f32 v4, v60  }
0x100: {  	p1 =	por p0, p0;
	v63 =	vmul.f32 v61, v62  }
.Ltmp2:
0x101: {  	v1 =	vadd.f32 v3, v1;
	v2 =	vadd.f32 v2, v59;
	v3 =	vmul.f32 v4, v58;
	(pc) =	sbr.rel @p1 .LBB2_6-.Ltmp2, $3  }
0x102: {  	_ = 	snop  }
0x103: {  	v1 =	vadd.f32 v2, v1;
	v2 =	vadd.f32 v3, v63;
	_ =	sdelay $0x1  }
0x104: {  	s0 =	simm.s32 $0x40;
	p0 =	por $0x0, $0x0;
	v1 =	vadd.f32 v2, v1  }
0x105: {  	_ = 	snop  }
0x106: {  	s20 =	simm.s32 $0x0;
	v1 =	vmul.f32 v1, v0  }
.LBB2_8:
0x107: {  	p0 =	seq.s32 s20, $0x4  }
0x108: {  	s21 =	smul.u32 @!p0 $0x1380, s20;
	_ =	sdelay $0x1  }
0x109: {  	s0 =	sadd.s32 @!p0 s21, s26  }
0x10a: {  	s0 =	sshrl.u32 @!p0 s0, $0x3  }
0x10b: {  	s22 =	simm.s32 @!p0 $0x0;
	s2 =	sadd.s32 @!p0 s4, s0  }
0x10c: {  	[tilespmem:s22], [sflag:$0x1] =	stream.linear.gather @!p0 [hbm4b:s2+s22], $0x9C0, $0x38;
	[tilespmem:$0xB900] =	vst v63  }
0x10d: {  	s23 =	simm.s32 @!p0 $0xA00;
	s2 =	sadd.s32 @!p0 s5, s0  }
0x10e: {  	[tilespmem:s23], [sflag:$0x1] =	stream.linear.gather @!p0 [hbm4b:s2+s22], $0x9C0, $0x38;
	[tilespmem:$0xB900] =	vst v63  }
0x10f: {  	s2 =	sadd.s32 @!p0 s6, s0;
	s23 =	simm.s32 @!p0 $0x1400  }
0x110: {  	[tilespmem:s23], [sflag:$0x1] =	stream.linear.gather @!p0 [hbm4b:s2+s22], $0x9C0, $0x38;
	[tilespmem:$0xB900] =	vst v63  }
0x111: {  	s0 =	sadd.s32 @!p0 s7, s0;
	s2 =	simm.s32 @!p0 $0x1E00  }
0x112: {  	[tilespmem:s2], [sflag:$0x1] =	stream.linear.gather @!p0 [hbm4b:s0+s22], $0x9C0, $0x38;
	[tilespmem:$0xB900] =	vst v63  }
0x113: {  	_ =	swait.ge [sflag:s25], $0x9C0  }
0x114: {  	[sflag:s25] =	ssyncset.done $0x0  }
0x115: {  	[sflag:s25] =	ssyncadd.s32 $0xFFFFF640  }
0x116: {  	_ =	swait.ge [sflag:s25], $0x9C0  }
0x117: {  	[sflag:s25] =	ssyncset.done $0x0  }
0x118: {  	[sflag:s25] =	ssyncadd.s32 $0xFFFFF640  }
0x119: {  	_ =	swait.ge [sflag:s25], $0x9C0  }
0x11a: {  	s21 =	simm.s32 @p0 $0x4E00;
	[sflag:s25] =	ssyncset.done $0x0  }
0x11b: {  	s23 =	sadd.s32 s21, s31;
	[sflag:s25] =	ssyncadd.s32 $0xFFFFF640  }
0x11c: {  	s30 =	sadd.s32 $0xFFFFFFF0, s23;
	_ =	swait.ge [sflag:s25], $0x9C0  }
0x11d: {  	s19 =	sadd.s32 $0xFFFFFFD0, s23;
	s1 =	sshrl.u32 s30, $0x5;
	[sflag:s25] =	ssyncset.done $0x0  }
0x11e: {  	s0 =	simm.s32 $0x0;
	s2 =	smulhi.u32 $0xA7C5AC5, s1;
	[sflag:s25] =	ssyncadd.s32 $0xFFFFF640  }
0x11f: {  	s22 =	sshrl.u32 s19, $0x5;
	v2 =	vld [tilespmem:s0+$0x3C20]  }
0x120: {  	s28 =	sadd.s32 $0xFFFFFFE0, s23;
	s22 =	smulhi.u32 $0xA7C5AC5, s22;
	s2 =	sshrl.u32 s2, $0x7;
	v3 =	vld [tilespmem:s0+$0x2800]  }
0x121: {  	s24 =	sshrl.u32 s28, $0x5;
	v4 =	vmov s2;
	v14 =	vld [tilespmem:s0+$0x2820]  }
0x122: {  	s22 =	sshrl.u32 s22, $0x7;
	s2 =	smulhi.u32 $0xA7C5AC5, s24;
	v4 =	vshll.u32 v4, $0x12;
	v5 =	vld [tilespmem:s0+$0x4620]  }
0x123: {  	v13 =	vbroadcast v4, $0x0;
	v4 =	vmov s22;
	v6 =	vld [tilespmem:s0+$0x3C00]  }
0x124: {  	s28 =	sshrl.u32 s23, $0x5;
	s2 =	sshrl.u32 s2, $0x7;
	v4 =	vshll.u32 v4, $0x12;
	v7 =	vld [tilespmem:s0+$0x2810]  }
0x125: {  	s28 =	smulhi.u32 $0xA7C5AC5, s28;
	v9 =	vmov s2;
	v10 =	vbroadcast v4, $0x0;
	v8 =	vld [tilespmem:s0+$0x3C10];
	v2 =	vshll.u32 v2, $0x9  }
0x126: {  	v15 =	vld [tilespmem:s0+$0x2830];
	v3 =	vshll.u32 v3, $0x9;
	v14 =	vshll.u32 v14, $0x9;
	v2 =	vadd.s32 v13, v2  }
0x127: {  	s30 =	sshrl.u32 s28, $0x7;
	v4 =	vld [tilespmem:s0+$0x3C30];
	v12 =	vadd.s32 v3, v10;
	v2 =	vadd.s32 v5, v2;
	v5 =	vshll.u32 v9, $0x12  }
0x128: {  	v11 =	vld [tilespmem:s0+$0x3200];
	v9 =	vmov s30;
	v16 =	vbroadcast v5, $0x0;
	v5 =	vshll.u32 v6, $0x9  }
0x129: {  	v3 =	vshll.u32 v7, $0x9;
	[tilespmem:s0+$0x8220] =	vst v2;
	v2 =	vshll.u32 v9, $0x12;
	v9 =	vadd.s32 v10, v5;
	v10 =	vld [tilespmem:s0+$0x4600]  }
0x12a: {  	s29 =	simm.s32 $0x0;
	v7 =	vld [tilespmem:s0+$0x3210];
	v2 =	vbroadcast v2, $0x0;
	v5 =	vadd.s32 v3, v16;
	v3 =	vshll.u32 v8, $0x9  }
0x12b: {  	s28 =	sadd.s32 $0x40, s23;
	s22 =	simm.s32 $0x0;
	s2 =	sadd.s32 s21, s16;
	v8 =	vld [tilespmem:s0+$0x4610];
	v6 =	vadd.s32 v16, v3;
	v3 =	vadd.s32 v14, v13;
	v13 =	vshll.u32 v15, $0x9  }
.LBB2_9:
0x12c: {  	s23 =	sadd.s32 $0xFFFFFFE0, s28;
	s30 =	sadd.s32 $0xFFFFFFF0, s28;
	s22 =	sadd.s32 $0x4, s22;
	v14 =	vld [tilespmem:s0+$0x3220];
	v13 =	vadd.s32 v13, v2;
	v4 =	vshll.u32 v4, $0x9  }
0x12d: {  	s29 =	sadd.s32 $0x100, s29;
	s30 =	sshrl.u32 s30, $0x5;
	p1 =	slt.u32 s22, $0x98;
	v11 =	vadd.s32 v11, v12;
	v12 =	vld [tilespmem:s0+$0x3230];
	v2 =	vadd.s32 v2, v4  }
0x12e: {  	s24 =	sadd.s32 $0xFFFFFFD0, s28;
	s19 =	sshra.s32 s29, $0x2;
	s30 =	smulhi.u32 $0xA7C5AC5, s30;
	[tilespmem:s0+$0x7800] =	vst v11;
	v4 =	vadd.s32 v10, v9;
	v9 =	vld [tilespmem:s0+$0x4630]  }
0x12f: {  	s1 =	sshrl.u32 s28, $0x5;
	s24 =	sshrl.u32 s24, $0x5;
	s23 =	sshrl.u32 s23, $0x5;
	v10 =	vld [tilespmem:s19+$0x3C20];
	[tilespmem:s0+$0x8200] =	vst v4;
	v4 =	vadd.s32 v7, v5  }
0x130: {  	s24 =	smulhi.u32 $0xA7C5AC5, s24;
	v5 =	vld [tilespmem:s19+$0x2800];
	s30 =	sshrl.u32 s30, $0x7;
	[tilespmem:s0+$0x7810] =	vst v4;
	v4 =	vadd.s32 v8, v6  }
0x131: {  	s23 =	smulhi.u32 $0xA7C5AC5, s23;
	v6 =	vmov s30;
	v7 =	vld [tilespmem:s19+$0x4620];
	[tilespmem:s0+$0x8210] =	vst v4;
	v3 =	vadd.s32 v14, v3  }
0x132: {  	s1 =	smulhi.u32 $0xA7C5AC5, s1;
	s24 =	sshrl.u32 s24, $0x7;
	v8 =	vld [tilespmem:s19+$0x3C00];
	v4 =	vshll.u32 v6, $0x12;
	[tilespmem:s0+$0x7820] =	vst v3;
	v3 =	vadd.s32 v12, v13  }
0x133: {  	s23 =	sshrl.u32 s23, $0x7;
	v6 =	vmov s24;
	v13 =	vld [tilespmem:s19+$0x2810];
	v14 =	vbroadcast v4, $0x0;
	[tilespmem:s0+$0x7830] =	vst v3;
	v2 =	vadd.s32 v9, v2  }
0x134: {  	s1 =	sshrl.u32 s1, $0x7;
	v3 =	vshll.u32 v6, $0x12;
	v4 =	vmov s23;
	v6 =	vld [tilespmem:s19+$0x3C10];
	v9 =	vshll.u32 v10, $0x9;
	[tilespmem:s0+$0x8230] =	vst v2;
	s0 =	smov.u32 s19  }
0x135: {  	v2 =	vshll.u32 v4, $0x12;
	v15 =	vld [tilespmem:s0+$0x2820];
	v4 =	vadd.s32 v14, v9;
	v9 =	vmov s1  }
0x136: {  	v3 =	vbroadcast v3, $0x0;
	v4 =	vadd.s32 v7, v4;
	v7 =	vshll.u32 v9, $0x12;
	v16 =	vld [tilespmem:s0+$0x2830]  }
.Ltmp3:
0x137: {  	v5 =	vshll.u32 v5, $0x9;
	v17 =	vbroadcast v2, $0x0;
	[tilespmem:s0+$0x8220] =	vst v4;
	v2 =	vbroadcast v7, $0x0;
	v4 =	vld [tilespmem:s0+$0x3C30];
	(pc) =	sbr.rel @p1 .LBB2_9-.Ltmp3, $4  }
0x138: {  	v12 =	vadd.s32 v5, v3;
	v5 =	vshll.u32 v8, $0x9;
	v11 =	vld [tilespmem:s0+$0x3200];
	v7 =	vshll.u32 v13, $0x9  }
0x139: {  	v9 =	vadd.s32 v3, v5;
	v10 =	vld [tilespmem:s0+$0x4600];
	v5 =	vadd.s32 v7, v17;
	v3 =	vshll.u32 v6, $0x9  }
0x13a: {  	v7 =	vld [tilespmem:s0+$0x3210];
	v6 =	vadd.s32 v17, v3;
	v3 =	vshll.u32 v15, $0x9  }
0x13b: {  	s28 =	sadd.s32 $0x40, s28;
	v8 =	vld [tilespmem:s0+$0x4610];
	v3 =	vadd.s32 v3, v14;
	v13 =	vshll.u32 v16, $0x9  }
0x13c: {  	v14 =	vld [tilespmem:s0+$0x3220]  }
0x13d: {  	v11 =	vadd.s32 v11, v12;
	v12 =	vld [tilespmem:s0+$0x3230]  }
0x13e: {  	[tilespmem:s0+$0x7800] =	vst v11;
	v9 =	vadd.s32 v10, v9;
	v10 =	vld [tilespmem:s0+$0x4630]  }
0x13f: {  	[tilespmem:s0+$0x8200] =	vst v9;
	v5 =	vadd.s32 v7, v5  }
0x140: {  	[tilespmem:s0+$0x7810] =	vst v5;
	v5 =	vadd.s32 v8, v6  }
0x141: {  	v4 =	vshll.u32 v4, $0x9;
	v6 =	vadd.s32 v13, v2;
	[tilespmem:s0+$0x8210] =	vst v5;
	v3 =	vadd.s32 v14, v3  }
0x142: {  	v2 =	vadd.s32 v2, v4;
	[tilespmem:s0+$0x7820] =	vst v3;
	v3 =	vadd.s32 v12, v6  }
0x143: {  	[tilespmem:s0+$0x7830] =	vst v3;
	v2 =	vadd.s32 v10, v2  }
0x144: {  	s23 =	simm.s32 $0x7800;
	s1 =	simm.s32 $0xA000;
	[tilespmem:s0+$0x8230] =	vst v2  }
0x145: {  	[tilespmem:s1], [sflag:$0x6] =	stream.indirect.gather [hbm4b:s3+s17], $0x1, s23, s17, $0xb8;
	[tilespmem:$0xB900] =	vst v63  }
0x146: {  	s24 =	simm.s32 $0x8200;
	s29 =	simm.s32 $0xAA00;
	s2 =	sshrl.u32 s2, $0x3  }
0x147: {  	[tilespmem:s29], [sflag:$0x9] =	stream.indirect.gather [hbm4b:s3+s17], $0x1, s24, s17, $0xb8;
	[tilespmem:$0xB900] =	vst v63  }
0x148: {  	s30 =	simm.s32 $0x0;
	s19 =	simm.s32 $0x5A00;
	s0 =	sadd.s32 s8, s2  }
0x149: {  	[tilespmem:s19], [sflag:$0x4] =	stream.linear.gather [hbm4b:s0+s30], $0x9C0, $0x38;
	[tilespmem:$0xB900] =	vst v63  }
0x14a: {  	_ =	swait.ge [sflag:s10], $0x9C0  }
0x14b: {  	[sflag:s10] =	ssyncset.done $0x0  }
0x14c: {  	[sflag:s10] =	ssyncadd.s32 $0xFFFFF640  }
0x14d: {  	_ =	swait.ge [sflag:s11], $0x9C0  }
0x14e: {  	[sflag:s11] =	ssyncset.done $0x0  }
0x14f: {  	[sflag:s11] =	ssyncadd.s32 $0xFFFFF640  }
0x150: {  	_ =	swait.ge [sflag:s12], $0x9C0  }
0x151: {  	[sflag:s12] =	ssyncset.done $0x0  }
0x152: {  	s22 =	simm.s32 $0x8C20;
	[sflag:s12] =	ssyncadd.s32 $0xFFFFF640  }
0x153: {  	s23 =	simm.s32 $0x9620;
	v2 =	vld [tilespmem:s22+$0x10]  }
0x154: {  	v3 =	vld [tilespmem:s23+$0x10]  }
0x155: {  	v4 =	vld [tilespmem:s22+$0x0]  }
0x156: {  	v5 =	vld [tilespmem:s22+$0xFFFFFFF0]  }
0x157: {  	v6 =	vld [tilespmem:s22+$0xFFFFFFE0]  }
0x158: {  	v7 =	vld [tilespmem:s23+$0xFFFFFFE0]  }
0x159: {  	s24 =	simm.s32 $0x5020;
	v8 =	vld [tilespmem:s23+$0xFFFFFFF0]  }
0x15a: {  	v12 =	vld [tilespmem:s24+$0xFFFFFFE0]  }
0x15b: {  	v9 =	vld [tilespmem:s23+$0x0]  }
0x15c: {  	v14 =	vld [tilespmem:s24+$0xFFFFFFF0]  }
0x15d: {  	v15 =	vld [tilespmem:s24+$0x0];
	v7 =	vsub.f32 v6, v7;
	_ =	sdelay $0x1  }
0x15e: {  	v10 =	vld [tilespmem:s24+$0x10];
	v18 =	vsub.f32 v5, v8;
	v5 =	vmul.f32 v12, v7  }
0x15f: {  	v4 =	vsub.f32 v4, v9  }
0x160: {  	v6 =	vmul.f32 v14, v18;
	v27 =	vxor.u32 $0x80000000, v5  }
0x161: {  	v3 =	vsub.f32 v2, v3;
	v2 =	vmul.f32 v15, v4;
	v5 =	vand.u32 $0x7FFFFFFF, v27  }
0x162: {  	v25 =	vxor.u32 $0x80000000, v6;
	v5 =	vsub.f32 $0.0e+00, v5  }
0x163: {  	v8 =	vmul.f32 v10, v3;
	v6 =	vxor.u32 $0x80000000, v2;
	v2 =	vand.u32 $0x7FFFFFFF, v25  }
0x164: {  	v9 =	vand.u32 $0x7FFFFFFF, v6;
	v2 =	vsub.f32 $0.0e+00, v2;
	v5 =	vmul.f32 $1.442695020e+00, v5  }
0x165: {  	v28 =	vxor.u32 $0x80000000, v8;
	v8 =	vsub.f32 $0.0e+00, v9  }
0x166: {  	v9 =	vand.u32 $0x7FFFFFFF, v28;
	v2 =	vmul.f32 $1.442695020e+00, v2;
	(erf) = vpow2.f32 v5  }
0x167: {  	v8 =	vmul.f32 $1.442695020e+00, v8;
	v5 =	vsub.f32 $0.0e+00, v9  }
0x168: {  	(erf) = vpow2.f32 v2  }
0x169: {  	s29 =	simm.s32 $0x8C60;
	v2 =	vmul.f32 $1.442695020e+00, v5;
	(erf) = vpow2.f32 v8  }
0x16a: {  	v20 =	vld [tilespmem:s29+$0xFFFFFFF0]  }
0x16b: {  	s2 =	simm.s32 $0x5060;
	v22 =	vld [tilespmem:s29+$0xFFFFFFE0];
	(erf) = vpow2.f32 v2  }
0x16c: {  	s22 =	simm.s32 $0x9660;
	v11 =	vld [tilespmem:s2+$0x10]  }
0x16d: {  	v19 =	vld [tilespmem:s22+$0x0]  }
0x16e: {  	v23 =	vld [tilespmem:s22+$0xFFFFFFE0]  }
0x16f: {  	v9 =	vld [tilespmem:s29+$0x0];
	v26 =	vpop (erf)  }
0x170: {  	v5 =	vld [tilespmem:s29+$0x10];
	v2 =	vadd.f32 $2.000000000e+00, v26  }
0x171: {  	v8 =	vld [tilespmem:s22+$0x10];
	v29 =	vpop (erf)  }
0x172: {  	v21 =	vld [tilespmem:s22+$0xFFFFFFF0];
	v13 =	vmul.f32 v10, v10;
	v24 =	vadd.f32 $2.000000000e+00, v29;
	v30 =	vpop (erf);
	(erf) = vrcp.f32 v2  }
0x173: {  	v17 =	vmul.f32 v14, v14;
	v16 =	vmul.f32 v15, v15;
	v10 =	vld [tilespmem:s2+$0x0];
	v31 =	vadd.f32 $2.000000000e+00, v30  }
0x174: {  	v14 =	vld [tilespmem:s2+$0xFFFFFFF0];
	v7 =	vmul.f32 v7, v7;
	(erf) = vrcp.f32 v24;
	v32 =	vpop (erf)  }
0x175: {  	v15 =	vld [tilespmem:s2+$0xFFFFFFE0];
	v9 =	vsub.f32 v9, v19;
	v24 =	vadd.f32 $2.000000000e+00, v32;
	(erf) = vrcp.f32 v31  }
0x176: {  	v18 =	vmul.f32 v18, v18;
	v2 =	vsub.f32 v5, v8;
	v8 =	vsub.f32 v22, v23  }
0x177: {  	v23 =	vmul.f32 v12, v12;
	v12 =	vsub.f32 $1.000000000e+00, v17;
	(erf) = vrcp.f32 v24  }
0x178: {  	v55 =	vmax.f32 v27, $0.0e+00;
	v5 =	vsub.f32 v20, v21;
	v20 =	vmul.f32 v4, v4  }
0x179: {  	v31 =	vmul.f32 v10, v9;
	v4 =	vmul.f32 v11, v2;
	v22 =	vsub.f32 $1.000000000e+00, v23  }
0x17a: {  	v19 =	vsub.f32 $1.000000000e+00, v13;
	v33 =	vmul.f32 v15, v8;
	v34 =	vmul.f32 v14, v5  }
0x17b: {  	v21 =	vsub.f32 $1.000000000e+00, v16;
	v24 =	vmul.f32 v22, v7;
	v22 =	vmul.f32 v12, v18;
	v12 =	vpop (erf)  }
0x17c: {  	v4 =	vxor.u32 $0x80000000, v4;
	v18 =	vxor.u32 $0x80000000, v31;
	v31 =	vmul.f32 v12, v26  }
0x17d: {  	v7 =	vxor.u32 $0x80000000, v34;
	v26 =	vmax.f32 v25, $0.0e+00;
	v25 =	vmax.f32 v28, $0.0e+00;
	v28 =	vpop (erf)  }
0x17e: {  	v35 =	vand.u32 $0x7FFFFFFF, v4;
	v28 =	vmul.f32 v28, v29;
	v27 =	vpop (erf);
	v54 =	vmul.f32 v31, v31  }
0x17f: {  	v35 =	vsub.f32 $0.0e+00, v35;
	v12 =	vxor.u32 $0x80000000, v33;
	v30 =	vmul.f32 v27, v30  }
0x180: {  	v29 =	vand.u32 $0x7FFFFFFF, v18;
	v37 =	vmul.f32 v28, v28;
	v38 =	vpop (erf);
	v36 =	vmul.f32 $1.428571490e-01, v54  }
0x181: {  	v39 =	vand.u32 $0x7FFFFFFF, v12;
	v27 =	vand.u32 $0x7FFFFFFF, v7;
	v38 =	vmul.f32 v38, v32  }
0x182: {  	v40 =	vmul.f32 v30, v30;
	v57 =	vmul.f32 $1.428571490e-01, v37;
	v56 =	vadd.f32 $2.000000030e-01, v36  }
0x183: {  	v29 =	vsub.f32 $0.0e+00, v29;
	v39 =	vsub.f32 $0.0e+00, v39;
	v42 =	vmul.f32 v38, v38  }
0x184: {  	v43 =	vmul.f32 $1.428571490e-01, v40;
	v36 =	vadd.f32 $2.000000030e-01, v57;
	v32 =	vmul.f32 v56, v54  }
0x185: {  	v31 =	vadd.f32 v31, v31;
	v41 =	vsub.f32 $0.0e+00, v27;
	v58 =	vmul.f32 $1.428571490e-01, v42  }
0x186: {  	v43 =	vadd.f32 $2.000000030e-01, v43;
	v36 =	vmul.f32 v36, v37;
	v32 =	vadd.f32 $3.333333430e-01, v32  }
0x187: {  	v27 =	vmul.f32 $1.442695020e+00, v35;
	v44 =	vmul.f32 $1.442695020e+00, v29;
	v29 =	vadd.f32 $2.000000030e-01, v58  }
0x188: {  	v60 =	vmul.f32 v43, v40;
	v59 =	vadd.f32 $3.333333430e-01, v36;
	v32 =	vmul.f32 v32, v54  }
0x189: {  	v62 =	vadd.f32 v28, v28;
	v61 =	vmul.f32 $1.442695020e+00, v39;
	v29 =	vmul.f32 v29, v42  }
0x18a: {  	v35 =	vadd.f32 $3.333333430e-01, v60;
	v33 =	vmul.f32 v59, v37;
	v32 =	vadd.f32 $1.000000000e+00, v32  }
0x18b: {  	v41 =	vmul.f32 $1.442695020e+00, v41;
	(erf) = vpow2.f32 v61;
	v29 =	vadd.f32 $3.333333430e-01, v29  }
0x18c: {  	v35 =	vmul.f32 v35, v40;
	v33 =	vadd.f32 $1.000000000e+00, v33;
	v31 =	vmul.f32 v32, v31  }
0x18d: {  	v28 =	vadd.f32 v30, v30;
	(erf) = vpow2.f32 v41;
	v63 =	vmul.f32 v29, v42  }
0x18e: {  	v29 =	vadd.f32 $1.000000000e+00, v35;
	v30 =	vmul.f32 v33, v62;
	v32 =	vadd.f32 v31, v55  }
0x18f: {  	s28 =	simm.s32 $0x4;
	s0 =	simm.s32 $0x8CA0;
	(erf) = vpow2.f32 v44;
	v33 =	vadd.f32 v38, v38;
	v31 =	vadd.f32 $1.000000000e+00, v63  }
.LBB2_11:
0x190: {  	v34 =	vld [tilespmem:s0+$0x10];
	s22 =	sadd.s32 $0x40, s22;
	v23 =	vmul.f32 v32, v23;
	v26 =	vadd.f32 v30, v26;
	v28 =	vmul.f32 v29, v28  }
0x191: {  	v29 =	vld [tilespmem:s22+$0x10];
	(erf) = vpow2.f32 v27;
	v27 =	vmax.f32 v6, $0.0e+00;
	v30 =	vmul.f32 v31, v33;
	v6 =	vmovc v18  }
0x192: {  	v18 =	vld [tilespmem:s0+$0x0];
	v23 =	vadd.f32 v23, v24;
	v17 =	vmul.f32 v26, v17;
	v24 =	vadd.f32 v28, v27  }
0x193: {  	v20 =	vmul.f32 v21, v20;
	v26 =	vld [tilespmem:s22+$0x0];
	v21 =	vadd.f32 v30, v25;
	v25 =	vmul.f32 v3, v3;
	v3 =	vmovc v2  }
0x194: {  	v27 =	vld [tilespmem:s0+$0xFFFFFFF0];
	v28 =	vpop (erf);
	v1 =	vadd.f32 v23, v1;
	v2 =	vadd.f32 v17, v22;
	v16 =	vmul.f32 v24, v16  }
0x195: {  	v22 =	vld [tilespmem:s22+$0xFFFFFFF0];
	v17 =	vadd.f32 $2.000000000e+00, v28;
	v19 =	vmul.f32 v19, v25  }
0x196: {  	v23 =	vld [tilespmem:s0+$0xFFFFFFE0];
	v30 =	vpop (erf);
	v1 =	vadd.f32 v2, v1;
	v2 =	vadd.f32 v16, v20;
	v16 =	vmul.f32 v21, v13  }
0x197: {  	s2 =	sadd.s32 $0x40, s2;
	v13 =	vmul.f32 v11, v11;
	v20 =	vld [tilespmem:s22+$0xFFFFFFE0];
	v21 =	vadd.f32 $2.000000000e+00, v30  }
0x198: {  	v11 =	vld [tilespmem:s2+$0x10];
	(erf) = vrcp.f32 v17;
	v31 =	vpop (erf);
	v1 =	vadd.f32 v2, v1;
	v19 =	vadd.f32 v16, v19  }
0x199: {  	v17 =	vmul.f32 v14, v14;
	v16 =	vmul.f32 v10, v10;
	v10 =	vld [tilespmem:s2+$0x0];
	v24 =	vadd.f32 $2.000000000e+00, v31  }
0x19a: {  	v2 =	vsub.f32 v34, v29;
	v14 =	vld [tilespmem:s2+$0xFFFFFFF0];
	(erf) = vrcp.f32 v21;
	v29 =	vpop (erf);
	v1 =	vadd.f32 v19, v1  }
0x19b: {  	v18 =	vsub.f32 v18, v26;
	v25 =	vld [tilespmem:s2+$0xFFFFFFE0];
	v21 =	vadd.f32 $2.000000000e+00, v29;
	(erf) = vrcp.f32 v24  }
0x19c: {  	v22 =	vsub.f32 v27, v22;
	v24 =	vsub.f32 v23, v20;
	v23 =	vmul.f32 v15, v15  }
0x19d: {  	v19 =	vsub.f32 $1.000000000e+00, v13;
	v20 =	vmul.f32 v9, v9;
	v9 =	vmovc v18;
	(erf) = vrcp.f32 v21  }
0x19e: {  	v26 =	vsub.f32 $1.000000000e+00, v17;
	v27 =	vmul.f32 v5, v5;
	v18 =	vmul.f32 v8, v8;
	v5 =	vmovc v22;
	v8 =	vmovc v24  }
0x19f: {  	v22 =	vmul.f32 v11, v2;
	v32 =	vmul.f32 v10, v9;
	v24 =	vsub.f32 $1.000000000e+00, v23  }
0x1a0: {  	v21 =	vsub.f32 $1.000000000e+00, v16;
	v34 =	vmul.f32 v14, v5;
	v33 =	vmul.f32 v25, v8;
	v15 =	vmovc v25  }
0x1a1: {  	v35 =	vxor.u32 $0x80000000, v22;
	v22 =	vmul.f32 v26, v27;
	v24 =	vmul.f32 v24, v18;
	v25 =	vpop (erf)  }
0x1a2: {  	v18 =	vxor.u32 $0x80000000, v32;
	v27 =	vxor.u32 $0x80000000, v34;
	v28 =	vmul.f32 v25, v28  }
0x1a3: {  	s28 =	sadd.s32 $0x4, s28;
	v26 =	vmax.f32 v7, $0.0e+00;
	v32 =	vxor.u32 $0x80000000, v33;
	v25 =	vmax.f32 v4, $0.0e+00;
	v4 =	vpop (erf)  }
0x1a4: {  	p1 =	slt.u32 s28, $0x98;
	v34 =	vmax.f32 v12, $0.0e+00;
	v33 =	vmul.f32 v28, v28;
	v30 =	vmul.f32 v4, v30;
	v4 =	vpop (erf)  }
0x1a5: {  	v41 =	vand.u32 $0x7FFFFFFF, v35;
	v36 =	vand.u32 $0x7FFFFFFF, v18;
	v7 =	vmovc v27;
	v31 =	vmul.f32 v4, v31;
	v4 =	vmovc v35  }
0x1a6: {  	v27 =	vand.u32 $0x7FFFFFFF, v7;
	v35 =	vmul.f32 $1.428571490e-01, v33;
	v37 =	vmul.f32 v30, v30;
	v38 =	vpop (erf)  }
0x1a7: {  	v40 =	vsub.f32 $0.0e+00, v41;
	v39 =	vand.u32 $0x7FFFFFFF, v32;
	v12 =	vmovc v32;
	v38 =	vmul.f32 v38, v29  }
0x1a8: {  	v29 =	vadd.f32 $2.000000030e-01, v35;
	v32 =	vmul.f32 $1.428571490e-01, v37;
	v35 =	vmul.f32 v31, v31  }
0x1a9: {  	v36 =	vsub.f32 $0.0e+00, v36;
	v41 =	vsub.f32 $0.0e+00, v27;
	v42 =	vmul.f32 v38, v38  }
0x1aa: {  	v29 =	vmul.f32 v29, v33;
	v32 =	vadd.f32 $2.000000030e-01, v32;
	v43 =	vmul.f32 $1.428571490e-01, v35  }
0x1ab: {  	v39 =	vsub.f32 $0.0e+00, v39;
	v27 =	vmul.f32 $1.442695020e+00, v40;
	v40 =	vmul.f32 $1.428571490e-01, v42  }
0x1ac: {  	v29 =	vadd.f32 $3.333333430e-01, v29;
	v32 =	vmul.f32 v32, v37;
	v43 =	vadd.f32 $2.000000030e-01, v43  }
0x1ad: {  	v36 =	vmul.f32 $1.442695020e+00, v36;
	v41 =	vmul.f32 $1.442695020e+00, v41;
	v40 =	vadd.f32 $2.000000030e-01, v40  }
0x1ae: {  	v29 =	vmul.f32 v29, v33;
	v32 =	vadd.f32 $3.333333430e-01, v32;
	v33 =	vmul.f32 v43, v35  }
0x1af: {  	v28 =	vadd.f32 v28, v28;
	v39 =	vmul.f32 $1.442695020e+00, v39;
	v40 =	vmul.f32 v40, v42  }
0x1b0: {  	v29 =	vadd.f32 $1.000000000e+00, v29;
	v32 =	vmul.f32 v32, v37;
	v33 =	vadd.f32 $3.333333430e-01, v33  }
.Ltmp4:
0x1b1: {  	v30 =	vadd.f32 v30, v30;
	(erf) = vpow2.f32 v39;
	v37 =	vadd.f32 $3.333333430e-01, v40;
	(pc) =	sbr.rel @p1 .LBB2_11-.Ltmp4, $4  }
0x1b2: {  	v29 =	vmul.f32 v29, v28;
	v39 =	vadd.f32 $1.000000000e+00, v32;
	v33 =	vmul.f32 v33, v35  }
0x1b3: {  	v28 =	vadd.f32 v31, v31;
	(erf) = vpow2.f32 v41;
	v31 =	vmul.f32 v37, v42  }
0x1b4: {  	v32 =	vadd.f32 v29, v34;
	v30 =	vmul.f32 v39, v30;
	v29 =	vadd.f32 $1.000000000e+00, v33  }
0x1b5: {  	s0 =	sadd.s32 $0x40, s0;
	v33 =	vadd.f32 v38, v38;
	(erf) = vpow2.f32 v36;
	v31 =	vadd.f32 $1.000000000e+00, v31  }
0x1b6: {  	_ = 	snop  }
0x1b7: {  	(erf) = vpow2.f32 v27;
	_ =	sdelay $0x3  }
0x1b8: {  	v55 =	vpop (erf)  }
0x1b9: {  	v34 =	vadd.f32 $2.000000000e+00, v55  }
0x1ba: {  	v35 =	vpop (erf)  }
0x1bb: {  	v36 =	vadd.f32 $2.000000000e+00, v35;
	(erf) = vrcp.f32 v34;
	v56 =	vpop (erf)  }
0x1bc: {  	v37 =	vadd.f32 $2.000000000e+00, v56  }
0x1bd: {  	(erf) = vrcp.f32 v36;
	v57 =	vpop (erf)  }
0x1be: {  	v58 =	vadd.f32 $2.000000000e+00, v57;
	(erf) = vrcp.f32 v37  }
0x1bf: {  	v23 =	vmul.f32 v32, v23  }
0x1c0: {  	v26 =	vadd.f32 v30, v26;
	v28 =	vmul.f32 v29, v28;
	(erf) = vrcp.f32 v58  }
0x1c1: {  	v6 =	vmax.f32 v6, $0.0e+00;
	v3 =	vmul.f32 v3, v3;
	v20 =	vmul.f32 v21, v20  }
0x1c2: {  	v11 =	vmul.f32 v11, v11;
	v14 =	vmul.f32 v14, v14;
	v23 =	vadd.f32 v23, v24  }
0x1c3: {  	v10 =	vmul.f32 v10, v10;
	v17 =	vmul.f32 v26, v17;
	v6 =	vadd.f32 v28, v6  }
0x1c4: {  	v8 =	vmul.f32 v8, v8;
	v5 =	vmul.f32 v5, v5;
	v1 =	vadd.f32 v23, v1;
	v61 =	vpop (erf)  }
0x1c5: {  	v17 =	vadd.f32 v17, v22;
	v6 =	vmul.f32 v6, v16;
	v16 =	vmul.f32 v61, v55  }
0x1c6: {  	v12 =	vmax.f32 v12, $0.0e+00;
	v2 =	vmul.f32 v2, v2;
	v59 =	vmul.f32 v31, v33;
	v62 =	vpop (erf)  }
0x1c7: {  	v1 =	vadd.f32 v17, v1;
	v63 =	vmul.f32 v16, v16;
	v17 =	vmul.f32 v62, v35;
	v31 =	vpop (erf)  }
0x1c8: {  	v7 =	vmax.f32 v7, $0.0e+00;
	v33 =	vmul.f32 v15, v15;
	v35 =	vmul.f32 v31, v56  }
0x1c9: {  	v4 =	vmax.f32 v4, $0.0e+00;
	v36 =	vmul.f32 $1.428571490e-01, v63;
	v37 =	vmul.f32 v17, v17;
	v38 =	vpop (erf)  }
0x1ca: {  	v3 =	vmul.f32 v19, v3;
	v45 =	vsub.f32 $1.000000000e+00, v14;
	v39 =	vmul.f32 v38, v57  }
0x1cb: {  	v19 =	vadd.f32 $2.000000030e-01, v36;
	v40 =	vmul.f32 $1.428571490e-01, v37;
	v41 =	vmul.f32 v35, v35  }
0x1cc: {  	v48 =	vsub.f32 $1.000000000e+00, v10;
	v60 =	vadd.f32 v59, v25;
	v43 =	vmul.f32 v39, v39  }
0x1cd: {  	v19 =	vmul.f32 v19, v63;
	v21 =	vadd.f32 $2.000000030e-01, v40;
	v44 =	vmul.f32 $1.428571490e-01, v41  }
0x1ce: {  	v46 =	vsub.f32 $1.000000000e+00, v33;
	v6 =	vadd.f32 v6, v20;
	v47 =	vmul.f32 $1.428571490e-01, v43  }
0x1cf: {  	v19 =	vadd.f32 $3.333333430e-01, v19;
	v21 =	vmul.f32 v21, v37;
	v25 =	vadd.f32 $2.000000030e-01, v44  }
0x1d0: {  	v13 =	vmul.f32 v60, v13;
	v1 =	vadd.f32 v6, v1;
	v28 =	vadd.f32 $2.000000030e-01, v47  }
0x1d1: {  	v6 =	vmul.f32 v19, v63;
	v49 =	vadd.f32 $3.333333430e-01, v21;
	v50 =	vmul.f32 v25, v41  }
0x1d2: {  	v3 =	vadd.f32 v13, v3;
	v16 =	vadd.f32 v16, v16;
	v51 =	vmul.f32 v28, v43  }
0x1d3: {  	v6 =	vadd.f32 $1.000000000e+00, v6;
	v19 =	vmul.f32 v49, v37;
	v52 =	vadd.f32 $3.333333430e-01, v50  }
0x1d4: {  	v8 =	vmul.f32 v46, v8;
	v17 =	vadd.f32 v17, v17;
	v53 =	vadd.f32 $3.333333430e-01, v51  }
0x1d5: {  	v6 =	vmul.f32 v6, v16;
	v54 =	vadd.f32 $1.000000000e+00, v19;
	v55 =	vmul.f32 v52, v41  }
0x1d6: {  	v1 =	vadd.f32 v3, v1;
	v15 =	vadd.f32 v35, v35;
	v56 =	vmul.f32 v53, v43  }
0x1d7: {  	v6 =	vadd.f32 v6, v12;
	v57 =	vmul.f32 v54, v17;
	v58 =	vadd.f32 $1.000000000e+00, v55  }
0x1d8: {  	v3 =	vmul.f32 v9, v9;
	v9 =	vadd.f32 v39, v39;
	v59 =	vadd.f32 $1.000000000e+00, v56  }
0x1d9: {  	v6 =	vmul.f32 v6, v33;
	v7 =	vadd.f32 v57, v7;
	v60 =	vmul.f32 v58, v15  }
0x1da: {  	v5 =	vmul.f32 v45, v5;
	v61 =	vmax.f32 v18, $0.0e+00;
	v9 =	vmul.f32 v59, v9  }
0x1db: {  	v6 =	vadd.f32 v6, v8;
	v7 =	vmul.f32 v7, v14;
	v62 =	vadd.f32 v60, v61  }
0x1dc: {  	v42 =	vsub.f32 $1.000000000e+00, v11;
	v3 =	vmul.f32 v48, v3;
	v4 =	vadd.f32 v9, v4  }
0x1dd: {  	v1 =	vadd.f32 v6, v1;
	v5 =	vadd.f32 v7, v5;
	v63 =	vmul.f32 v62, v10  }
0x1de: {  	v2 =	vmul.f32 v42, v2  }
.Ltmp5:
0x1df: {  	v4 =	vmul.f32 v4, v11;
	v1 =	vadd.f32 v5, v1;
	v3 =	vadd.f32 v63, v3;
	(pc) =	sbr.rel @p0 .LBB2_16-.Ltmp5, $3  }
0x1e0: {  	_ = 	snop  }
0x1e1: {  	v2 =	vadd.f32 v4, v2;
	v1 =	vadd.f32 v3, v1;
	_ =	sdelay $0x1  }
0x1e2: {  	v1 =	vadd.f32 v2, v1  }
0x1e3: {  	s0 =	rddreg [dreg:$0x11]  }
0x1e4: {  	s0 =	sadd.s32 s21, s0  }
0x1e5: {  	s1 =	sshrl.u32 s0, $0x3  }
0x1e6: {  	s19 =	simm.s32 $0x2800;
	s0 =	simm.s32 $0x0;
	s2 =	sadd.s32 s4, s1  }
0x1e7: {  	[tilespmem:s19], [sflag:$0x2] =	stream.linear.gather [hbm4b:s2+s0], $0x9C0, $0x38;
	[tilespmem:$0xB900] =	vst v63  }
0x1e8: {  	s22 =	simm.s32 $0x3200;
	s19 =	sadd.s32 s5, s1  }
0x1e9: {  	[tilespmem:s22], [sflag:$0x2] =	stream.linear.gather [hbm4b:s19+s0], $0x9C0, $0x38;
	[tilespmem:$0xB900] =	vst v63  }
0x1ea: {  	s24 =	simm.s32 $0x3C00;
	s23 =	sadd.s32 s6, s1  }
0x1eb: {  	[tilespmem:s24], [sflag:$0x2] =	stream.linear.gather [hbm4b:s23+s0], $0x9C0, $0x38;
	[tilespmem:$0xB900] =	vst v63  }
0x1ec: {  	s29 =	simm.s32 $0x4600;
	s1 =	sadd.s32 s7, s1  }
0x1ed: {  	[tilespmem:s29], [sflag:$0x2] =	stream.linear.gather [hbm4b:s1+s0], $0x9C0, $0x38;
	[tilespmem:$0xB900] =	vst v63  }
0x1ee: {  	_ =	swait.ge [sflag:s14], $0x9C0  }
0x1ef: {  	[sflag:s14] =	ssyncset.done $0x0  }
0x1f0: {  	[sflag:s14] =	ssyncadd.s32 $0xFFFFF640  }
0x1f1: {  	_ =	swait.ge [sflag:s14], $0x9C0  }
0x1f2: {  	[sflag:s14] =	ssyncset.done $0x0  }
0x1f3: {  	[sflag:s14] =	ssyncadd.s32 $0xFFFFF640  }
0x1f4: {  	_ =	swait.ge [sflag:s14], $0x9C0  }
0x1f5: {  	[sflag:s14] =	ssyncset.done $0x0  }
0x1f6: {  	s2 =	rddreg [dreg:$0x14];
	[sflag:s14] =	ssyncadd.s32 $0xFFFFF640  }
0x1f7: {  	s1 =	sadd.s32 s21, s2;
	_ =	swait.ge [sflag:s14], $0x9C0  }
0x1f8: {  	s19 =	sadd.s32 $0xFFFFFFF0, s1;
	[sflag:s14] =	ssyncset.done $0x0  }
0x1f9: {  	s2 =	simm.s32 $0x0;
	s22 =	sshrl.u32 s19, $0x5;
	[sflag:s14] =	ssyncadd.s32 $0xFFFFF640  }
0x1fa: {  	s19 =	smulhi.u32 $0xA7C5AC5, s22;
	s22 =	sadd.s32 $0xFFFFFFD0, s1;
	v2 =	vld [tilespmem:s2+$0x1420]  }
0x1fb: {  	s23 =	sadd.s32 $0xFFFFFFE0, s1;
	v3 =	vld [tilespmem:s2+$0x0];
	s22 =	sshrl.u32 s22, $0x5  }
0x1fc: {  	s23 =	sshrl.u32 s23, $0x5;
	v14 =	vld [tilespmem:s2+$0x20];
	s19 =	sshrl.u32 s19, $0x7;
	s22 =	smulhi.u32 $0xA7C5AC5, s22  }
0x1fd: {  	v5 =	vld [tilespmem:s2+$0x1E20];
	v4 =	vmov s19;
	s19 =	smulhi.u32 $0xA7C5AC5, s23  }
0x1fe: {  	s24 =	sshrl.u32 s1, $0x5;
	v6 =	vld [tilespmem:s2+$0x1400];
	v4 =	vshll.u32 v4, $0x12;
	s22 =	sshrl.u32 s22, $0x7  }
0x1ff: {  	v7 =	vld [tilespmem:s2+$0x10];
	s23 =	smulhi.u32 $0xA7C5AC5, s24;
	v13 =	vbroadcast v4, $0x0;
	s19 =	sshrl.u32 s19, $0x7;
	v4 =	vmov s22;
	v2 =	vshll.u32 v2, $0x9  }
0x200: {  	v8 =	vld [tilespmem:s2+$0x1410];
	v9 =	vmov s19;
	v4 =	vshll.u32 v4, $0x12;
	v3 =	vshll.u32 v3, $0x9  }
0x201: {  	v15 =	vld [tilespmem:s2+$0x30];
	s29 =	sshrl.u32 s23, $0x7;
	v14 =	vshll.u32 v14, $0x9;
	v2 =	vadd.s32 v13, v2;
	v10 =	vbroadcast v4, $0x0  }
0x202: {  	v4 =	vld [tilespmem:s2+$0x1430];
	v2 =	vadd.s32 v5, v2;
	v5 =	vshll.u32 v9, $0x12;
	v9 =	vmov s29  }
0x203: {  	v11 =	vld [tilespmem:s2+$0xA00];
	[tilespmem:s2+$0x6E20] =	vst v2;
	v2 =	vshll.u32 v9, $0x12;
	v16 =	vbroadcast v5, $0x0;
	v5 =	vshll.u32 v6, $0x9  }
0x204: {  	v12 =	vadd.s32 v3, v10;
	v3 =	vshll.u32 v7, $0x9;
	v9 =	vadd.s32 v10, v5;
	v10 =	vld [tilespmem:s2+$0x1E00]  }
0x205: {  	v7 =	vld [tilespmem:s2+$0xA10];
	v2 =	vbroadcast v2, $0x0;
	v5 =	vadd.s32 v3, v16;
	v3 =	vshll.u32 v8, $0x9  }
0x206: {  	s21 =	sadd.s32 s21, s26;
	s28 =	sadd.s32 $0x40, s1;
	s22 =	simm.s32 $0x0;
	v8 =	vld [tilespmem:s2+$0x1E10];
	v6 =	vadd.s32 v16, v3;
	v3 =	vadd.s32 v14, v13;
	v13 =	vshll.u32 v15, $0x9  }
.LBB2_14:
0x207: {  	s1 =	sadd.s32 $0xFFFFFFE0, s28;
	s19 =	sadd.s32 $0xFFFFFFF0, s28;
	s22 =	sadd.s32 $0x4, s22;
	v14 =	vld [tilespmem:s2+$0xA20];
	v13 =	vadd.s32 v13, v2;
	v4 =	vshll.u32 v4, $0x9  }
0x208: {  	s0 =	sadd.s32 $0x100, s0;
	s19 =	sshrl.u32 s19, $0x5;
	p0 =	slt.u32 s22, $0x98;
	v11 =	vadd.s32 v11, v12;
	v12 =	vld [tilespmem:s2+$0xA30];
	v2 =	vadd.s32 v2, v4  }
0x209: {  	s23 =	sadd.s32 $0xFFFFFFD0, s28;
	s24 =	sshra.s32 s0, $0x2;
	s19 =	smulhi.u32 $0xA7C5AC5, s19;
	[tilespmem:s2+$0x6400] =	vst v11;
	v4 =	vadd.s32 v10, v9;
	v9 =	vld [tilespmem:s2+$0x1E30]  }
0x20a: {  	s29 =	sshrl.u32 s28, $0x5;
	s23 =	sshrl.u32 s23, $0x5;
	s1 =	sshrl.u32 s1, $0x5;
	v10 =	vld [tilespmem:s24+$0x1420];
	[tilespmem:s2+$0x6E00] =	vst v4;
	v4 =	vadd.s32 v7, v5  }
0x20b: {  	s23 =	smulhi.u32 $0xA7C5AC5, s23;
	v5 =	vld [tilespmem:s24+$0x0];
	s19 =	sshrl.u32 s19, $0x7;
	[tilespmem:s2+$0x6410] =	vst v4;
	v4 =	vadd.s32 v8, v6  }
0x20c: {  	s1 =	smulhi.u32 $0xA7C5AC5, s1;
	v6 =	vmov s19;
	v7 =	vld [tilespmem:s24+$0x1E20];
	[tilespmem:s2+$0x6E10] =	vst v4;
	v3 =	vadd.s32 v14, v3  }
0x20d: {  	s19 =	sshrl.u32 s23, $0x7;
	s23 =	smulhi.u32 $0xA7C5AC5, s29;
	v8 =	vld [tilespmem:s24+$0x1400];
	v4 =	vshll.u32 v6, $0x12;
	[tilespmem:s2+$0x6420] =	vst v3;
	v3 =	vadd.s32 v12, v13  }
0x20e: {  	s1 =	sshrl.u32 s1, $0x7;
	v6 =	vmov s19;
	v13 =	vld [tilespmem:s24+$0x10];
	v14 =	vbroadcast v4, $0x0;
	[tilespmem:s2+$0x6430] =	vst v3;
	v2 =	vadd.s32 v9, v2  }
0x20f: {  	v3 =	vshll.u32 v6, $0x12;
	v4 =	vmov s1;
	s1 =	sshrl.u32 s23, $0x7;
	v6 =	vld [tilespmem:s24+$0x1410];
	v9 =	vshll.u32 v10, $0x9;
	[tilespmem:s2+$0x6E30] =	vst v2;
	s2 =	smov.u32 s24  }
0x210: {  	v2 =	vshll.u32 v4, $0x12;
	v15 =	vld [tilespmem:s2+$0x20];
	v4 =	vadd.s32 v14, v9;
	v9 =	vmov s1  }
0x211: {  	v3 =	vbroadcast v3, $0x0;
	v4 =	vadd.s32 v7, v4;
	v7 =	vshll.u32 v9, $0x12;
	v16 =	vld [tilespmem:s2+$0x30]  }
.Ltmp6:
0x212: {  	v5 =	vshll.u32 v5, $0x9;
	v17 =	vbroadcast v2, $0x0;
	[tilespmem:s2+$0x6E20] =	vst v4;
	v2 =	vbroadcast v7, $0x0;
	v4 =	vld [tilespmem:s2+$0x1430];
	(pc) =	sbr.rel @p0 .LBB2_14-.Ltmp6, $4  }
0x213: {  	v12 =	vadd.s32 v5, v3;
	v5 =	vshll.u32 v8, $0x9;
	v11 =	vld [tilespmem:s2+$0xA00];
	v7 =	vshll.u32 v13, $0x9  }
0x214: {  	v9 =	vadd.s32 v3, v5;
	v10 =	vld [tilespmem:s2+$0x1E00];
	v5 =	vadd.s32 v7, v17;
	v3 =	vshll.u32 v6, $0x9  }
0x215: {  	v7 =	vld [tilespmem:s2+$0xA10];
	v6 =	vadd.s32 v17, v3;
	v3 =	vshll.u32 v15, $0x9  }
0x216: {  	s28 =	sadd.s32 $0x40, s28;
	v8 =	vld [tilespmem:s2+$0x1E10];
	v3 =	vadd.s32 v3, v14;
	v13 =	vshll.u32 v16, $0x9  }
0x217: {  	v14 =	vld [tilespmem:s2+$0xA20]  }
0x218: {  	v61 =	vld [tilespmem:s2+$0x1E30];
	v11 =	vadd.s32 v11, v12  }
0x219: {  	v60 =	vld [tilespmem:s2+$0xA30];
	[tilespmem:s2+$0x6400] =	vst v11;
	v9 =	vadd.s32 v10, v9  }
0x21a: {  	[tilespmem:s2+$0x6E00] =	vst v9;
	v5 =	vadd.s32 v7, v5  }
0x21b: {  	v4 =	vshll.u32 v4, $0x9;
	[tilespmem:s2+$0x6410] =	vst v5;
	v62 =	vadd.s32 v8, v6  }
0x21c: {  	v63 =	vadd.s32 v13, v2;
	v2 =	vadd.s32 v2, v4;
	[tilespmem:s2+$0x6E10] =	vst v62;
	v3 =	vadd.s32 v14, v3  }
0x21d: {  	v2 =	vadd.s32 v61, v2;
	[tilespmem:s2+$0x6420] =	vst v3  }
0x21e: {  	v3 =	vadd.s32 v60, v63;
	[tilespmem:s2+$0x6E30] =	vst v2  }
0x21f: {  	s0 =	simm.s32 $0x6400;
	s1 =	simm.s32 $0x8C00;
	[tilespmem:s2+$0x6430] =	vst v3  }
0x220: {  	[tilespmem:s1], [sflag:$0x5] =	stream.indirect.gather [hbm4b:s3+s17], $0x1, s0, s17, $0xb8;
	[tilespmem:$0xB900] =	vst v63  }
0x221: {  	s23 =	simm.s32 $0x6E00;
	s24 =	simm.s32 $0x9600;
	s28 =	sshrl.u32 s21, $0x3  }
0x222: {  	[tilespmem:s24], [sflag:$0x8] =	stream.indirect.gather [hbm4b:s3+s17], $0x1, s23, s17, $0xb8;
	[tilespmem:$0xB900] =	vst v63  }
0x223: {  	s29 =	simm.s32 $0x5000;
	s0 =	sadd.s32 s8, s28  }
0x224: {  	[tilespmem:s29], [sflag:$0x3] =	stream.linear.gather [hbm4b:s0+s30], $0x9C0, $0x38;
	[tilespmem:$0xB900] =	vst v63  }
.LBB2_16:
0x225: {  	_ =	swait.ge [sflag:s13], $0x9C0  }
0x226: {  	[sflag:s13] =	ssyncset.done $0x0  }
0x227: {  	[sflag:s13] =	ssyncadd.s32 $0xFFFFF640  }
0x228: {  	_ =	swait.ge [sflag:s18], $0x9C0  }
0x229: {  	[sflag:s18] =	ssyncset.done $0x0  }
0x22a: {  	[sflag:s18] =	ssyncadd.s32 $0xFFFFF640  }
0x22b: {  	_ =	swait.ge [sflag:s15], $0x9C0  }
0x22c: {  	[sflag:s15] =	ssyncset.done $0x0  }
0x22d: {  	s0 =	simm.s32 $0xA020;
	[sflag:s15] =	ssyncadd.s32 $0xFFFFF640  }
0x22e: {  	s1 =	simm.s32 $0xAA20;
	v2 =	vld [tilespmem:s0+$0x10]  }
0x22f: {  	v3 =	vld [tilespmem:s1+$0x10]  }
0x230: {  	v4 =	vld [tilespmem:s0+$0x0]  }
0x231: {  	v5 =	vld [tilespmem:s0+$0xFFFFFFF0]  }
0x232: {  	v6 =	vld [tilespmem:s0+$0xFFFFFFE0]  }
0x233: {  	v7 =	vld [tilespmem:s1+$0xFFFFFFE0]  }
0x234: {  	s28 =	simm.s32 $0x5A20;
	v8 =	vld [tilespmem:s1+$0xFFFFFFF0]  }
0x235: {  	v12 =	vld [tilespmem:s28+$0xFFFFFFE0]  }
0x236: {  	v9 =	vld [tilespmem:s1+$0x0]  }
0x237: {  	v14 =	vld [tilespmem:s28+$0xFFFFFFF0]  }
0x238: {  	v15 =	vld [tilespmem:s28+$0x0];
	v7 =	vsub.f32 v6, v7;
	_ =	sdelay $0x1  }
0x239: {  	v10 =	vld [tilespmem:s28+$0x10];
	v18 =	vsub.f32 v5, v8;
	v5 =	vmul.f32 v12, v7  }
0x23a: {  	v4 =	vsub.f32 v4, v9  }
0x23b: {  	v6 =	vmul.f32 v14, v18;
	v27 =	vxor.u32 $0x80000000, v5  }
0x23c: {  	v3 =	vsub.f32 v2, v3;
	v2 =	vmul.f32 v15, v4;
	v5 =	vand.u32 $0x7FFFFFFF, v27  }
0x23d: {  	v25 =	vxor.u32 $0x80000000, v6;
	v5 =	vsub.f32 $0.0e+00, v5  }
0x23e: {  	v8 =	vmul.f32 v10, v3;
	v6 =	vxor.u32 $0x80000000, v2;
	v2 =	vand.u32 $0x7FFFFFFF, v25  }
0x23f: {  	v9 =	vand.u32 $0x7FFFFFFF, v6;
	v2 =	vsub.f32 $0.0e+00, v2;
	v5 =	vmul.f32 $1.442695020e+00, v5  }
0x240: {  	v28 =	vxor.u32 $0x80000000, v8;
	v8 =	vsub.f32 $0.0e+00, v9  }
0x241: {  	v9 =	vand.u32 $0x7FFFFFFF, v28;
	v2 =	vmul.f32 $1.442695020e+00, v2;
	(erf) = vpow2.f32 v5  }
0x242: {  	v8 =	vmul.f32 $1.442695020e+00, v8;
	v5 =	vsub.f32 $0.0e+00, v9  }
0x243: {  	(erf) = vpow2.f32 v2  }
0x244: {  	s21 =	simm.s32 $0xAA60;
	v2 =	vmul.f32 $1.442695020e+00, v5;
	(erf) = vpow2.f32 v8  }
0x245: {  	s29 =	simm.s32 $0xA060;
	v19 =	vld [tilespmem:s21+$0x0]  }
0x246: {  	v20 =	vld [tilespmem:s29+$0xFFFFFFF0];
	(erf) = vpow2.f32 v2  }
0x247: {  	v21 =	vld [tilespmem:s21+$0xFFFFFFF0]  }
0x248: {  	v22 =	vld [tilespmem:s29+$0xFFFFFFE0]  }
0x249: {  	v23 =	vld [tilespmem:s21+$0xFFFFFFE0]  }
0x24a: {  	v9 =	vld [tilespmem:s29+$0x0];
	v26 =	vpop (erf)  }
0x24b: {  	v5 =	vld [tilespmem:s29+$0x10];
	v2 =	vadd.f32 $2.000000000e+00, v26  }
0x24c: {  	s2 =	simm.s32 $0x5A60;
	v8 =	vld [tilespmem:s21+$0x10];
	v29 =	vpop (erf)  }
0x24d: {  	v11 =	vld [tilespmem:s2+$0x10];
	v13 =	vmul.f32 v10, v10;
	v24 =	vadd.f32 $2.000000000e+00, v29;
	v30 =	vpop (erf);
	(erf) = vrcp.f32 v2  }
0x24e: {  	v17 =	vmul.f32 v14, v14;
	v16 =	vmul.f32 v15, v15;
	v10 =	vld [tilespmem:s2+$0x0];
	v31 =	vadd.f32 $2.000000000e+00, v30  }
0x24f: {  	v14 =	vld [tilespmem:s2+$0xFFFFFFF0];
	v7 =	vmul.f32 v7, v7;
	(erf) = vrcp.f32 v24;
	v32 =	vpop (erf)  }
0x250: {  	v15 =	vld [tilespmem:s2+$0xFFFFFFE0];
	v9 =	vsub.f32 v9, v19;
	v24 =	vadd.f32 $2.000000000e+00, v32;
	(erf) = vrcp.f32 v31  }
0x251: {  	v18 =	vmul.f32 v18, v18;
	v2 =	vsub.f32 v5, v8;
	v8 =	vsub.f32 v22, v23  }
0x252: {  	v23 =	vmul.f32 v12, v12;
	v12 =	vsub.f32 $1.000000000e+00, v17;
	(erf) = vrcp.f32 v24  }
0x253: {  	v55 =	vmax.f32 v27, $0.0e+00;
	v5 =	vsub.f32 v20, v21;
	v20 =	vmul.f32 v4, v4  }
0x254: {  	v31 =	vmul.f32 v10, v9;
	v4 =	vmul.f32 v11, v2;
	v22 =	vsub.f32 $1.000000000e+00, v23  }
0x255: {  	v19 =	vsub.f32 $1.000000000e+00, v13;
	v33 =	vmul.f32 v15, v8;
	v34 =	vmul.f32 v14, v5  }
0x256: {  	v21 =	vsub.f32 $1.000000000e+00, v16;
	v24 =	vmul.f32 v22, v7;
	v22 =	vmul.f32 v12, v18;
	v12 =	vpop (erf)  }
0x257: {  	v4 =	vxor.u32 $0x80000000, v4;
	v18 =	vxor.u32 $0x80000000, v31;
	v31 =	vmul.f32 v12, v26  }
0x258: {  	v7 =	vxor.u32 $0x80000000, v34;
	v26 =	vmax.f32 v25, $0.0e+00;
	v25 =	vmax.f32 v28, $0.0e+00;
	v28 =	vpop (erf)  }
0x259: {  	v35 =	vand.u32 $0x7FFFFFFF, v4;
	v28 =	vmul.f32 v28, v29;
	v27 =	vpop (erf);
	v54 =	vmul.f32 v31, v31  }
0x25a: {  	v35 =	vsub.f32 $0.0e+00, v35;
	v12 =	vxor.u32 $0x80000000, v33;
	v30 =	vmul.f32 v27, v30  }
0x25b: {  	v29 =	vand.u32 $0x7FFFFFFF, v18;
	v37 =	vmul.f32 v28, v28;
	v38 =	vpop (erf);
	v36 =	vmul.f32 $1.428571490e-01, v54  }
0x25c: {  	v39 =	vand.u32 $0x7FFFFFFF, v12;
	v27 =	vand.u32 $0x7FFFFFFF, v7;
	v38 =	vmul.f32 v38, v32  }
0x25d: {  	v40 =	vmul.f32 v30, v30;
	v57 =	vmul.f32 $1.428571490e-01, v37;
	v56 =	vadd.f32 $2.000000030e-01, v36  }
0x25e: {  	v29 =	vsub.f32 $0.0e+00, v29;
	v39 =	vsub.f32 $0.0e+00, v39;
	v42 =	vmul.f32 v38, v38  }
0x25f: {  	v43 =	vmul.f32 $1.428571490e-01, v40;
	v36 =	vadd.f32 $2.000000030e-01, v57;
	v32 =	vmul.f32 v56, v54  }
0x260: {  	v31 =	vadd.f32 v31, v31;
	v41 =	vsub.f32 $0.0e+00, v27;
	v58 =	vmul.f32 $1.428571490e-01, v42  }
0x261: {  	v43 =	vadd.f32 $2.000000030e-01, v43;
	v36 =	vmul.f32 v36, v37;
	v32 =	vadd.f32 $3.333333430e-01, v32  }
0x262: {  	v27 =	vmul.f32 $1.442695020e+00, v35;
	v44 =	vmul.f32 $1.442695020e+00, v29;
	v29 =	vadd.f32 $2.000000030e-01, v58  }
0x263: {  	v60 =	vmul.f32 v43, v40;
	v59 =	vadd.f32 $3.333333430e-01, v36;
	v32 =	vmul.f32 v32, v54  }
0x264: {  	v62 =	vadd.f32 v28, v28;
	v61 =	vmul.f32 $1.442695020e+00, v39;
	v29 =	vmul.f32 v29, v42  }
0x265: {  	v35 =	vadd.f32 $3.333333430e-01, v60;
	v33 =	vmul.f32 v59, v37;
	v32 =	vadd.f32 $1.000000000e+00, v32  }
0x266: {  	v41 =	vmul.f32 $1.442695020e+00, v41;
	(erf) = vpow2.f32 v61;
	v29 =	vadd.f32 $3.333333430e-01, v29  }
0x267: {  	v35 =	vmul.f32 v35, v40;
	v33 =	vadd.f32 $1.000000000e+00, v33;
	v31 =	vmul.f32 v32, v31  }
0x268: {  	v28 =	vadd.f32 v30, v30;
	(erf) = vpow2.f32 v41;
	v63 =	vmul.f32 v29, v42  }
0x269: {  	v29 =	vadd.f32 $1.000000000e+00, v35;
	v30 =	vmul.f32 v33, v62;
	v32 =	vadd.f32 v31, v55  }
0x26a: {  	s22 =	simm.s32 $0x4;
	s0 =	simm.s32 $0xA0A0;
	(erf) = vpow2.f32 v44;
	v33 =	vadd.f32 v38, v38;
	v31 =	vadd.f32 $1.000000000e+00, v63  }
.LBB2_17:
0x26b: {  	v34 =	vld [tilespmem:s0+$0x10];
	s21 =	sadd.s32 $0x40, s21;
	v23 =	vmul.f32 v32, v23;
	v26 =	vadd.f32 v30, v26;
	v28 =	vmul.f32 v29, v28  }
0x26c: {  	v29 =	vld [tilespmem:s21+$0x10];
	(erf) = vpow2.f32 v27;
	v27 =	vmax.f32 v6, $0.0e+00;
	v30 =	vmul.f32 v31, v33;
	v6 =	vmovc v18  }
0x26d: {  	v18 =	vld [tilespmem:s0+$0x0];
	v23 =	vadd.f32 v23, v24;
	v17 =	vmul.f32 v26, v17;
	v24 =	vadd.f32 v28, v27  }
0x26e: {  	v20 =	vmul.f32 v21, v20;
	v26 =	vld [tilespmem:s21+$0x0];
	v21 =	vadd.f32 v30, v25;
	v25 =	vmul.f32 v3, v3;
	v3 =	vmovc v2  }
0x26f: {  	v27 =	vld [tilespmem:s0+$0xFFFFFFF0];
	v28 =	vpop (erf);
	v1 =	vadd.f32 v23, v1;
	v2 =	vadd.f32 v17, v22;
	v16 =	vmul.f32 v24, v16  }
0x270: {  	v22 =	vld [tilespmem:s21+$0xFFFFFFF0];
	v17 =	vadd.f32 $2.000000000e+00, v28;
	v19 =	vmul.f32 v19, v25  }
0x271: {  	v23 =	vld [tilespmem:s0+$0xFFFFFFE0];
	v30 =	vpop (erf);
	v1 =	vadd.f32 v2, v1;
	v2 =	vadd.f32 v16, v20;
	v16 =	vmul.f32 v21, v13  }
0x272: {  	s2 =	sadd.s32 $0x40, s2;
	v13 =	vmul.f32 v11, v11;
	v20 =	vld [tilespmem:s21+$0xFFFFFFE0];
	v21 =	vadd.f32 $2.000000000e+00, v30  }
0x273: {  	v11 =	vld [tilespmem:s2+$0x10];
	(erf) = vrcp.f32 v17;
	v31 =	vpop (erf);
	v1 =	vadd.f32 v2, v1;
	v19 =	vadd.f32 v16, v19  }
0x274: {  	v17 =	vmul.f32 v14, v14;
	v16 =	vmul.f32 v10, v10;
	v10 =	vld [tilespmem:s2+$0x0];
	v24 =	vadd.f32 $2.000000000e+00, v31  }
0x275: {  	v2 =	vsub.f32 v34, v29;
	v14 =	vld [tilespmem:s2+$0xFFFFFFF0];
	(erf) = vrcp.f32 v21;
	v29 =	vpop (erf);
	v1 =	vadd.f32 v19, v1  }
0x276: {  	v18 =	vsub.f32 v18, v26;
	v25 =	vld [tilespmem:s2+$0xFFFFFFE0];
	v21 =	vadd.f32 $2.000000000e+00, v29;
	(erf) = vrcp.f32 v24  }
0x277: {  	v22 =	vsub.f32 v27, v22;
	v24 =	vsub.f32 v23, v20;
	v23 =	vmul.f32 v15, v15  }
0x278: {  	v19 =	vsub.f32 $1.000000000e+00, v13;
	v20 =	vmul.f32 v9, v9;
	v9 =	vmovc v18;
	(erf) = vrcp.f32 v21  }
0x279: {  	v26 =	vsub.f32 $1.000000000e+00, v17;
	v27 =	vmul.f32 v5, v5;
	v18 =	vmul.f32 v8, v8;
	v5 =	vmovc v22;
	v8 =	vmovc v24  }
0x27a: {  	v22 =	vmul.f32 v11, v2;
	v32 =	vmul.f32 v10, v9;
	v24 =	vsub.f32 $1.000000000e+00, v23  }
0x27b: {  	v21 =	vsub.f32 $1.000000000e+00, v16;
	v34 =	vmul.f32 v14, v5;
	v33 =	vmul.f32 v25, v8;
	v15 =	vmovc v25  }
0x27c: {  	v35 =	vxor.u32 $0x80000000, v22;
	v22 =	vmul.f32 v26, v27;
	v24 =	vmul.f32 v24, v18;
	v25 =	vpop (erf)  }
0x27d: {  	v18 =	vxor.u32 $0x80000000, v32;
	v27 =	vxor.u32 $0x80000000, v34;
	v28 =	vmul.f32 v25, v28  }
0x27e: {  	s22 =	sadd.s32 $0x4, s22;
	v26 =	vmax.f32 v7, $0.0e+00;
	v32 =	vxor.u32 $0x80000000, v33;
	v25 =	vmax.f32 v4, $0.0e+00;
	v4 =	vpop (erf)  }
0x27f: {  	p0 =	slt.u32 s22, $0x98;
	v34 =	vmax.f32 v12, $0.0e+00;
	v33 =	vmul.f32 v28, v28;
	v30 =	vmul.f32 v4, v30;
	v4 =	vpop (erf)  }
0x280: {  	v41 =	vand.u32 $0x7FFFFFFF, v35;
	v36 =	vand.u32 $0x7FFFFFFF, v18;
	v7 =	vmovc v27;
	v31 =	vmul.f32 v4, v31;
	v4 =	vmovc v35  }
0x281: {  	v27 =	vand.u32 $0x7FFFFFFF, v7;
	v35 =	vmul.f32 $1.428571490e-01, v33;
	v37 =	vmul.f32 v30, v30;
	v38 =	vpop (erf)  }
0x282: {  	v40 =	vsub.f32 $0.0e+00, v41;
	v39 =	vand.u32 $0x7FFFFFFF, v32;
	v12 =	vmovc v32;
	v38 =	vmul.f32 v38, v29  }
0x283: {  	v29 =	vadd.f32 $2.000000030e-01, v35;
	v32 =	vmul.f32 $1.428571490e-01, v37;
	v35 =	vmul.f32 v31, v31  }
0x284: {  	v36 =	vsub.f32 $0.0e+00, v36;
	v41 =	vsub.f32 $0.0e+00, v27;
	v42 =	vmul.f32 v38, v38  }
0x285: {  	v29 =	vmul.f32 v29, v33;
	v32 =	vadd.f32 $2.000000030e-01, v32;
	v43 =	vmul.f32 $1.428571490e-01, v35  }
0x286: {  	v39 =	vsub.f32 $0.0e+00, v39;
	v27 =	vmul.f32 $1.442695020e+00, v40;
	v40 =	vmul.f32 $1.428571490e-01, v42  }
0x287: {  	v29 =	vadd.f32 $3.333333430e-01, v29;
	v32 =	vmul.f32 v32, v37;
	v43 =	vadd.f32 $2.000000030e-01, v43  }
0x288: {  	v36 =	vmul.f32 $1.442695020e+00, v36;
	v41 =	vmul.f32 $1.442695020e+00, v41;
	v40 =	vadd.f32 $2.000000030e-01, v40  }
0x289: {  	v29 =	vmul.f32 v29, v33;
	v32 =	vadd.f32 $3.333333430e-01, v32;
	v33 =	vmul.f32 v43, v35  }
0x28a: {  	v28 =	vadd.f32 v28, v28;
	v39 =	vmul.f32 $1.442695020e+00, v39;
	v40 =	vmul.f32 v40, v42  }
0x28b: {  	v29 =	vadd.f32 $1.000000000e+00, v29;
	v32 =	vmul.f32 v32, v37;
	v33 =	vadd.f32 $3.333333430e-01, v33  }
.Ltmp7:
0x28c: {  	v30 =	vadd.f32 v30, v30;
	(erf) = vpow2.f32 v39;
	v37 =	vadd.f32 $3.333333430e-01, v40;
	(pc) =	sbr.rel @p0 .LBB2_17-.Ltmp7, $4  }
0x28d: {  	v29 =	vmul.f32 v29, v28;
	v39 =	vadd.f32 $1.000000000e+00, v32;
	v33 =	vmul.f32 v33, v35  }
0x28e: {  	v28 =	vadd.f32 v31, v31;
	(erf) = vpow2.f32 v41;
	v31 =	vmul.f32 v37, v42  }
0x28f: {  	v32 =	vadd.f32 v29, v34;
	v30 =	vmul.f32 v39, v30;
	v29 =	vadd.f32 $1.000000000e+00, v33  }
0x290: {  	s0 =	sadd.s32 $0x40, s0;
	v33 =	vadd.f32 v38, v38;
	(erf) = vpow2.f32 v36;
	v31 =	vadd.f32 $1.000000000e+00, v31  }
0x291: {  	_ = 	snop  }
0x292: {  	(erf) = vpow2.f32 v27;
	_ =	sdelay $0x3  }
0x293: {  	v55 =	vpop (erf)  }
0x294: {  	v34 =	vadd.f32 $2.000000000e+00, v55  }
0x295: {  	v35 =	vpop (erf)  }
0x296: {  	v36 =	vadd.f32 $2.000000000e+00, v35;
	(erf) = vrcp.f32 v34;
	v56 =	vpop (erf)  }
0x297: {  	v37 =	vadd.f32 $2.000000000e+00, v56  }
0x298: {  	(erf) = vrcp.f32 v36;
	v57 =	vpop (erf)  }
0x299: {  	v58 =	vadd.f32 $2.000000000e+00, v57;
	(erf) = vrcp.f32 v37  }
0x29a: {  	v23 =	vmul.f32 v32, v23  }
0x29b: {  	v26 =	vadd.f32 v30, v26;
	v28 =	vmul.f32 v29, v28;
	(erf) = vrcp.f32 v58  }
0x29c: {  	v6 =	vmax.f32 v6, $0.0e+00;
	v3 =	vmul.f32 v3, v3;
	v20 =	vmul.f32 v21, v20  }
0x29d: {  	v11 =	vmul.f32 v11, v11;
	v14 =	vmul.f32 v14, v14;
	v23 =	vadd.f32 v23, v24  }
0x29e: {  	v10 =	vmul.f32 v10, v10;
	v17 =	vmul.f32 v26, v17;
	v6 =	vadd.f32 v28, v6  }
0x29f: {  	v8 =	vmul.f32 v8, v8;
	v5 =	vmul.f32 v5, v5;
	v1 =	vadd.f32 v23, v1;
	v61 =	vpop (erf)  }
0x2a0: {  	v17 =	vadd.f32 v17, v22;
	v6 =	vmul.f32 v6, v16;
	v16 =	vmul.f32 v61, v55  }
0x2a1: {  	v12 =	vmax.f32 v12, $0.0e+00;
	v2 =	vmul.f32 v2, v2;
	v59 =	vmul.f32 v31, v33;
	v62 =	vpop (erf)  }
0x2a2: {  	v1 =	vadd.f32 v17, v1;
	v63 =	vmul.f32 v16, v16;
	v17 =	vmul.f32 v62, v35;
	v31 =	vpop (erf)  }
0x2a3: {  	v7 =	vmax.f32 v7, $0.0e+00;
	v33 =	vmul.f32 v15, v15;
	v35 =	vmul.f32 v31, v56  }
0x2a4: {  	v4 =	vmax.f32 v4, $0.0e+00;
	v36 =	vmul.f32 $1.428571490e-01, v63;
	v37 =	vmul.f32 v17, v17;
	v38 =	vpop (erf)  }
0x2a5: {  	v3 =	vmul.f32 v19, v3;
	v45 =	vsub.f32 $1.000000000e+00, v14;
	v39 =	vmul.f32 v38, v57  }
0x2a6: {  	v19 =	vadd.f32 $2.000000030e-01, v36;
	v40 =	vmul.f32 $1.428571490e-01, v37;
	v41 =	vmul.f32 v35, v35  }
0x2a7: {  	v48 =	vsub.f32 $1.000000000e+00, v10;
	v60 =	vadd.f32 v59, v25;
	v43 =	vmul.f32 v39, v39  }
0x2a8: {  	v19 =	vmul.f32 v19, v63;
	v21 =	vadd.f32 $2.000000030e-01, v40;
	v44 =	vmul.f32 $1.428571490e-01, v41  }
0x2a9: {  	v46 =	vsub.f32 $1.000000000e+00, v33;
	v6 =	vadd.f32 v6, v20;
	v47 =	vmul.f32 $1.428571490e-01, v43  }
0x2aa: {  	v19 =	vadd.f32 $3.333333430e-01, v19;
	v21 =	vmul.f32 v21, v37;
	v25 =	vadd.f32 $2.000000030e-01, v44  }
0x2ab: {  	v13 =	vmul.f32 v60, v13;
	v1 =	vadd.f32 v6, v1;
	v28 =	vadd.f32 $2.000000030e-01, v47  }
0x2ac: {  	v6 =	vmul.f32 v19, v63;
	v49 =	vadd.f32 $3.333333430e-01, v21;
	v50 =	vmul.f32 v25, v41  }
0x2ad: {  	v3 =	vadd.f32 v13, v3;
	v16 =	vadd.f32 v16, v16;
	v51 =	vmul.f32 v28, v43  }
0x2ae: {  	v6 =	vadd.f32 $1.000000000e+00, v6;
	v19 =	vmul.f32 v49, v37;
	v52 =	vadd.f32 $3.333333430e-01, v50  }
0x2af: {  	v8 =	vmul.f32 v46, v8;
	v17 =	vadd.f32 v17, v17;
	v53 =	vadd.f32 $3.333333430e-01, v51  }
0x2b0: {  	v6 =	vmul.f32 v6, v16;
	v54 =	vadd.f32 $1.000000000e+00, v19;
	v55 =	vmul.f32 v52, v41  }
0x2b1: {  	v1 =	vadd.f32 v3, v1;
	v15 =	vadd.f32 v35, v35;
	v56 =	vmul.f32 v53, v43  }
0x2b2: {  	v6 =	vadd.f32 v6, v12;
	v57 =	vmul.f32 v54, v17;
	v58 =	vadd.f32 $1.000000000e+00, v55  }
0x2b3: {  	v3 =	vmul.f32 v9, v9;
	v9 =	vadd.f32 v39, v39;
	v59 =	vadd.f32 $1.000000000e+00, v56  }
0x2b4: {  	v6 =	vmul.f32 v6, v33;
	v7 =	vadd.f32 v57, v7;
	v60 =	vmul.f32 v58, v15  }
0x2b5: {  	v5 =	vmul.f32 v45, v5;
	v61 =	vmax.f32 v18, $0.0e+00;
	v9 =	vmul.f32 v59, v9  }
0x2b6: {  	v6 =	vadd.f32 v6, v8;
	v7 =	vmul.f32 v7, v14;
	v62 =	vadd.f32 v60, v61  }
0x2b7: {  	v42 =	vsub.f32 $1.000000000e+00, v11;
	v3 =	vmul.f32 v48, v3;
	v4 =	vadd.f32 v9, v4  }
0x2b8: {  	s20 =	sadd.s32 $0x1, s20;
	v1 =	vadd.f32 v6, v1;
	v5 =	vadd.f32 v7, v5;
	v63 =	vmul.f32 v62, v10  }
0x2b9: {  	p0 =	sne.s32 s20, $0x5;
	v2 =	vmul.f32 v42, v2  }
.Ltmp8:
0x2ba: {  	v4 =	vmul.f32 v4, v11;
	v1 =	vadd.f32 v5, v1;
	v3 =	vadd.f32 v63, v3;
	(pc) =	sbr.rel @p0 .LBB2_8-.Ltmp8, $3  }
0x2bb: {  	_ = 	snop  }
0x2bc: {  	v2 =	vadd.f32 v4, v2;
	v1 =	vadd.f32 v3, v1;
	_ =	sdelay $0x1  }
0x2bd: {  	v1 =	vadd.f32 v2, v1  }
0x2be: {  	_ = 	snop  }
0x2bf: {  	s0 =	rddreg [dreg:$0x12];
	s1 =	simm.s32 $0xB880;
	s19 =	simm.s32 $0xB;
	[tilespmem:$0xB880] =	vst v1  }
0x2c0: {  	[hbm4b:s0+s30] =	stream.linear.scatter [tilespmem:s1], [sflag:$0xB], $0x80, $0x38;
	[tilespmem:$0xB900] =	vst v63  }
0x2c1: {  	_ =	swait.ge [sflag:s19], $0x80  }
0x2c2: {  	s28 =	rddreg [dreg:$0x15]  }
0x2c3: {  	s29 =	rddreg [dreg:$0x13];
	s1 =	sadd.s32 $0x1, s28  }
0x2c4: {  	p0 =	sne.s32 s1, s29  }
.Ltmp9:
0x2c5: {  	_ = 	snop;
	(pc) =	sbr.rel @p0 .LBB2_1-.Ltmp9, $3  }
0x2c6: {  	_ =	sdelay $0x1  }
0x2c7: {  	[sflag:s19] =	ssyncset.done $0x0  }
0x2c8: {  	[sflag:s19] =	ssyncadd.s32 $0xFFFFFF80  }
0x2c9: {  	_ =	sfence.sel $0x180000  }
0x2ca: {  	[bflag:$0x0] =	sbarrier.arrive $0xFFFF  }
0x2cb: {  	_ =	strace $0x90000047  }
0x2cc: {  	s0 =	stileid.u32;
	[bflag:$0x2] =	sbarrier.arrive $0xFFFF  }
0x2cd: {  	p0 =	sne.s32 s0, $0x0;
	s0 =	rddreg [dreg:$0x1]  }
0x2ce: {  	s0 =	sadd.s32 @!p0 $0x100000, s0  }
0x2cf: {  	[sflag:s0] =	ssyncadd.tile.s32 @!p0 $0x1;
	_ =	shalt  }
.Lfunc_end2:
_tile_overlayer_lowered:
.L_overlay_start_2:
0x2d0: {  	(tag) =	ssettag $0x2  }
0x2d1: {  	s0 =	rddreg [dreg:$0x0];
	s2 =	stileid.u32  }
0x2d2: {  	s1 =	rddreg [dreg:$0x1];
	p0 =	sne.s32 s2, $0x0  }
0x2d3: {  	s3 =	rddreg [dreg:$0x2];
	[bflag:$0x3] =	sbarrier.arrive $0xFFFF;
	s2 =	simm.s32 @!p0 $0x1C0B  }
0x2d4: {  	[timem:s3], [sflag:s2] =	dma.local @!p0 [hbm:s0], s1  }
0x2d5: {  	s0 =	simm.s32 @!p0 $0xB  }
0x2d6: {  	_ =	swait.ge @!p0 [sflag:s0], s1  }
0x2d7: {  	s1 =	ssub.s32 @!p0 $0x0, s1;
	[sflag:s0] =	ssyncset.done @!p0 $0x0  }
0x2d8: {  	[sflag:s0] =	ssyncadd.s32 @!p0 s1  }
0x2d9: {  	[bflag:$0x3] =	sbarrier.arrive $0xFFFF  }
0x2da: {  	_ =	shalt  }

</sc_bundles>
